<compile_context>
chip_gen: v7x
topology: tpu7x:2x2x1
jax: 0.10.2.dev20260603
libtpu: 0.0.44.dev20260713+nightly
codegen_flags: <defaults>
</compile_context>

<pallas_src>
import functools

import jax
import jax.numpy as jnp
from jax import lax
from jax.experimental import pallas as pl
from jax.experimental.pallas import tpu as pltpu
from jax.experimental.pallas import tpu_sc as plsc

N_ITEMS = 100000
BATCH_N = 1024
SEQ_N = 50
HID_N = 64
SPAD = 64
BB = 256

_NC = 2
_NPASS = 50
_GPP = 125
_SLAB = _GPP * 8192
_FLAT = N_ITEMS * BATCH_N


def _probs_body(am_ref, lm_ref, urT_ref, wrT_ref, vr_ref, out_ref, sc_ref):
    lm = jnp.dot(lm_ref[...], wrT_ref[...], preferred_element_type=jnp.float32)
    vr = vr_ref[...]
    for s in range(SEQ_N):
        xs = am_ref[:, s, :]
        zs = jnp.dot(xs, urT_ref[...], preferred_element_type=jnp.float32) + lm
        ts = jnp.tanh(zs)
        sc_ref[:, s:s + 1] = jnp.sum(ts * vr, axis=1, keepdims=True)
    scores = sc_ref[...]
    colid = lax.broadcasted_iota(jnp.int32, (BB, SPAD), 1)
    valid = colid < SEQ_N
    smax = jnp.max(jnp.where(valid, scores, -jnp.inf), axis=1, keepdims=True)
    e = jnp.where(valid, jnp.exp(scores - smax), 0.0)
    out_ref[...] = e / jnp.sum(e, axis=1, keepdims=True)


def _probs_call(all_memory, last_memory, urT, wrT, vr):
    return pl.pallas_call(
        _probs_body,
        grid=(BATCH_N // BB,),
        in_specs=[
            pl.BlockSpec((BB, SEQ_N, HID_N), lambda i: (i, 0, 0)),
            pl.BlockSpec((BB, HID_N), lambda i: (i, 0)),
            pl.BlockSpec((HID_N, HID_N), lambda i: (0, 0)),
            pl.BlockSpec((HID_N, HID_N), lambda i: (0, 0)),
            pl.BlockSpec((1, HID_N), lambda i: (0, 0)),
        ],
        out_specs=pl.BlockSpec((BB, SPAD), lambda i: (i, 0)),
        out_shape=jax.ShapeDtypeStruct((BATCH_N, SPAD), jnp.float32),
        scratch_shapes=[pltpu.VMEM((BB, SPAD), jnp.float32)],
    )(all_memory, last_memory, urT, wrT, vr)


@functools.cache
def _get_scatter_kernel():
    mesh = plsc.VectorSubcoreMesh(core_axis_name="c", subcore_axis_name="s")

    @functools.partial(
        pl.kernel,
        mesh=mesh,
        compiler_params=pltpu.CompilerParams(needs_layout_passes=False),
        out_type=jax.ShapeDtypeStruct((_FLAT,), jnp.float32),
        scratch_types=[
            pltpu.VMEM_SHARED((_SLAB,), jnp.float32),
            pltpu.VMEM((64, SPAD), jnp.int32),
            pltpu.VMEM((64, SPAD), jnp.float32),
            pltpu.VMEM((64, SPAD), jnp.int32),
            pltpu.VMEM((64, SPAD), jnp.int32),
            pltpu.VMEM((4352,), jnp.int32),
            pltpu.VMEM((4352,), jnp.float32),
            pltpu.VMEM((2, 32, 128), jnp.int32),
            pltpu.VMEM((2, 32, 128), jnp.float32),
            pltpu.VMEM((8000,), jnp.float32),
            pltpu.VMEM((128,), jnp.float32),
            pltpu.SemaphoreType.DMA,
        ],
    )
    def _scatter_kernel(seq_hbm, probs_hbm, out_hbm, slab, idxbuf, updbuf,
                        gidbuf, posbuf, pos1d, val1d, pos2d, val2d,
                        zbuf, zero128, dsem):
        cid = lax.axis_index("c")
        sid = lax.axis_index("s")
        z16 = jnp.zeros((16,), jnp.float32)
        z16i = jnp.zeros((16,), jnp.int32)

        pltpu.sync_copy(seq_hbm.at[pl.ds(sid * 64, 64)], idxbuf)
        pltpu.sync_copy(probs_hbm.at[pl.ds(sid * 64, 64)], updbuf)

        def _z(i, c):
            zbuf[pl.ds(i * 16, 16)] = z16
            return c
        lax.fori_loop(0, 500, _z, 0)

        def _z2(i, c):
            zero128[pl.ds(i * 16, 16)] = z16
            return c
        lax.fori_loop(0, 8, _z2, 0)

        def _zs(i, c):
            pltpu.sync_copy(zbuf, slab.at[pl.ds(sid * 64000 + i * 8000, 8000)])
            return c
        lax.fori_loop(0, 8, _zs, 0)

        def _pre(r, c):
            b = sid * 64 + r
            b_off = (b >> 7) * 1024 + (b & 127)
            for j in range(4):
                sl = pl.ds(j * 16, 16)
                idx = idxbuf[r, sl]
                g = idx >> 3
                gidbuf[r, sl] = g
                posbuf[r, sl] = (g << 13) + ((idx & 7) << 7) + b_off
            return c
        lax.fori_loop(0, 64, _pre, 0)

        def _scan(p_global, parity):
            gb = p_global * _GPP
            base = gb * 8192

            def _srow(r, cnt):
                for j in range(4):
                    sl = pl.ds(j * 16, 16)
                    g = gidbuf[r, sl]
                    m = (g >= gb) & (g < gb + _GPP)
                    plsc.store_compressed(pos1d.at[pl.ds(cnt, 16)],
                                          posbuf[r, sl] - base, mask=m)
                    plsc.store_compressed(val1d.at[pl.ds(cnt, 16)],
                                          updbuf[r, sl], mask=m)
                    cnt = cnt + plsc.all_reduce_population_count(m)[0]
                return cnt

            cnt = lax.fori_loop(0, 64, _srow, jnp.int32(0))
            t = (cnt + 127) >> 7
            b0 = sid * 64
            d16 = z16i + ((b0 >> 7) * 1024 + (b0 & 127))
            pos1d[pl.ds(cnt, 16)] = d16
            val1d[pl.ds(cnt, 16)] = z16
            cnt2 = (cnt + 15) >> 4

            def _zt(k, c):
                pos1d[pl.ds(k * 16, 16)] = d16
                val1d[pl.ds(k * 16, 16)] = z16
                return c
            lax.fori_loop(cnt2, t * 16, _zt, 0)

            def _cp(i, c):
                for k in range(8):
                    pos2d[parity, i, pl.ds(k * 16, 16)] = \
                        pos1d[pl.ds(i * 128 + k * 16, 16)]
                    val2d[parity, i, pl.ds(k * 16, 16)] = \
                        val1d[pl.ds(i * 128 + k * 16, 16)]
                return c
            lax.fori_loop(0, t, _cp, 0)
            return t

        gstart = jnp.minimum(sid * 8, _GPP - 8)

        t0 = _scan(cid * _NPASS, jnp.int32(0))

        def _pass(p, t_cur):
            p_global = cid * _NPASS + p
            parity = p & 1

            def _sa(i, c):
                pltpu.sync_copy(val2d.at[parity, i],
                                slab.at[pos2d.at[parity, i]], add=True)
                return c
            lax.fori_loop(0, t_cur, _sa, 0)
            plsc.subcore_barrier()

            gb = p_global * _GPP
            h = pltpu.async_copy(
                slab.at[pl.ds(gstart * 8192, 8 * 8192)],
                out_hbm.at[pl.ds((gb + gstart) * 8192, 8 * 8192)],
                dsem)
            t_next = _scan(p_global + 1, 1 - parity)
            h.wait()
            plsc.subcore_barrier()

            def _us(i, c):
                pltpu.sync_copy(zero128, slab.at[pos2d.at[parity, i]])
                return c
            lax.fori_loop(0, t_cur, _us, 0)
            plsc.subcore_barrier()
            return t_next

        lax.fori_loop(0, _NPASS, _pass, t0)

    return _scatter_kernel


def kernel(all_memory, last_memory, seq_item, Ur_w, Wr_w, Vr_w, Vr_b):
    del Vr_b
    probs = _probs_call(all_memory, last_memory, Ur_w.T, Wr_w.T, Vr_w)
    seq_pad = jnp.pad(seq_item, ((0, 0), (0, SPAD - SEQ_N)))
    flat = _get_scatter_kernel()(seq_pad, probs)
    out = flat.reshape(N_ITEMS // 8, 8, 8, 128).transpose((0, 2, 1, 3))
    return out.reshape(N_ITEMS, BATCH_N).T

# --- scband reference (transcript-rebuilt; emitter-appended) ---
"""Pipeline reference for scband-repeat-recommendation-decoder-69861938037631 (READ-ONLY COPY).

The authoritative reference and input builder live on the scoring server;
editing this copy changes nothing except your own understanding.
"""

import jax, jax.numpy as jnp
import numpy as np

NUM_ITEM = 100000
HIDDEN = 64
SEQ_LEN = 50
BATCH = 1024


def setup_inputs(seed: int = 0) -> dict:
    key = jax.random.key(seed)
    ks = jax.random.split(key, 8)
    all_memory = jax.random.normal(ks[0], (BATCH, SEQ_LEN, HIDDEN), dtype=jnp.float32)
    last_memory = jax.random.normal(ks[1], (BATCH, HIDDEN), dtype=jnp.float32)
    seq_item = jax.random.randint(ks[2], (BATCH, SEQ_LEN), 0, NUM_ITEM, dtype=jnp.int64 if jax.config.jax_enable_x64 else jnp.int32).astype(jnp.int32)
    # learned parameters (PyTorch nn.Linear stores weight as [out, in])
    sc = 1.0 / np.sqrt(HIDDEN)
    Ur_w = jax.random.uniform(ks[3], (HIDDEN, HIDDEN), minval=-sc, maxval=sc, dtype=jnp.float32)
    Wr_w = jax.random.uniform(ks[4], (HIDDEN, HIDDEN), minval=-sc, maxval=sc, dtype=jnp.float32)
    Vr_w = jax.random.uniform(ks[5], (1, HIDDEN), minval=-sc, maxval=sc, dtype=jnp.float32)
    Vr_b = jax.random.uniform(ks[6], (1,), minval=-sc, maxval=sc, dtype=jnp.float32)
    return {"all_memory": all_memory, "last_memory": last_memory, "seq_item": seq_item,
            "Ur_w": Ur_w, "Wr_w": Wr_w, "Vr_w": Vr_w, "Vr_b": Vr_b}


def reference(all_memory, last_memory, seq_item, Ur_w, Wr_w, Vr_w, Vr_b):
    # all_memory: [B, S, H]; last_memory: [B, H]; seq_item: int[B, S]
    am = jnp.einsum('bsh,oh->bso', all_memory, Ur_w)          # Ur(all_memory)
    lm = last_memory @ Wr_w.T                                  # Wr(last_memory) [B, H]
    out = jnp.tanh(lm[:, None, :] + am)                        # [B, S, H]
    out = (jnp.einsum('bsh,oh->bso', out, Vr_w) + Vr_b).squeeze(2)  # [B, S]
    probs = jax.nn.softmax(out, axis=-1)                       # [B, S]
    # build_map(seq_item, max=num_item) is one-hot [B, S, num_item];
    # probs[:,None,:] @ map == scatter-add of probs by item id (duplicates sum)
    B = probs.shape[0]
    rows = jnp.arange(B)[:, None]
    result = jnp.zeros((B, NUM_ITEM), dtype=probs.dtype).at[rows, seq_item].add(probs)
    return result

if __name__ == "__main__":
    import jax
    _d = setup_inputs()
    print(jax.jit(kernel)(*tuple(_d.values())))

</pallas_src>

<mosaic_0001>
#map = affine_map<(d0, d1) -> (0, 0)>
#map1 = affine_map<(d0, d1) -> (0)>
module attributes {stable_mosaic.version = 14 : i64} {
  func.func @_scatter_kernel(%arg0: i32, %arg1: i32, %arg2: memref<1024x64xi32, #tpu.memory_space<hbm>>, %arg3: memref<1024x64xf32, #tpu.memory_space<hbm>>, %arg4: memref<102400000xf32, #tpu.memory_space<hbm>>, %arg5: memref<1024000xf32, #tpu.memory_space<vmem_shared>>, %arg6: memref<64x64xi32, #tpu.memory_space<vmem>>, %arg7: memref<64x64xf32, #tpu.memory_space<vmem>>, %arg8: memref<64x64xi32, #tpu.memory_space<vmem>>, %arg9: memref<64x64xi32, #tpu.memory_space<vmem>>, %arg10: memref<4352xi32, #tpu.memory_space<vmem>>, %arg11: memref<4352xf32, #tpu.memory_space<vmem>>, %arg12: memref<2x32x128xi32, #tpu.memory_space<vmem>>, %arg13: memref<2x32x128xf32, #tpu.memory_space<vmem>>, %arg14: memref<8000xf32, #tpu.memory_space<vmem>>, %arg15: memref<128xf32, #tpu.memory_space<vmem>>, %arg16: memref<!tpu.dma_semaphore, #tpu.memory_space<semaphore_mem>>) attributes {dimension_semantics = [#tpu.dimension_semantics<core_parallel>, #tpu.dimension_semantics<subcore_parallel>], iteration_bounds = array<i64: 2, 16>, scalar_prefetch = 0 : i64, scratch_operands = 12 : i64, tpu.core_type = #tpu.core_type<sc_vector_subcore>, window_params = [{transform_indices = #map}, {transform_indices = #map}, {transform_indices = #map1}]} {
    %broadcast_in_dim3A = arith.constant 0.000000e+00 : f32
    %broadcast_in_dim3A_0 = vector.broadcast %broadcast_in_dim3A : f32 to vector<16xf32>
    %broadcast_in_dim3A_1 = arith.constant 0 : i32
    %broadcast_in_dim3A_2 = vector.broadcast %broadcast_in_dim3A_1 : i32 to vector<16xi32>
    %mul3A = arith.constant 64 : i32
    %mul3A_3 = arith.muli %arg1, %mul3A : i32
    "tpu.region"() ({
      %run_scoped3A = tpu.sem_alloc : memref<!tpu.dma_semaphore, #tpu.memory_space<semaphore_mem>>
      %dma_start3A = arith.constant 0 : i32
      %dma_start3A_91 = tpu.memref_slice %arg2[%mul3A_3, %dma_start3A] : memref<1024x64xi32, #tpu.memory_space<hbm>> -> memref<64x64xi32, #tpu.memory_space<hbm>>
      %dma_start3A_92 = arith.constant 0 : i32
      %dma_start3A_93 = tpu.memref_slice %arg2[%mul3A_3, %dma_start3A_92] : memref<1024x64xi32, #tpu.memory_space<hbm>> -> memref<64x64xi32, #tpu.memory_space<hbm>>
      tpu.enqueue_dma source(%dma_start3A_93 : memref<64x64xi32, #tpu.memory_space<hbm>>) target(%arg6 : memref<64x64xi32, #tpu.memory_space<vmem>>) target_semaphore(%run_scoped3A : memref<!tpu.dma_semaphore, #tpu.memory_space<semaphore_mem>>)
      %dma_wait3A = arith.constant 0 : i32
      %dma_wait3A_94 = tpu.memref_slice %arg2[%mul3A_3, %dma_wait3A] : memref<1024x64xi32, #tpu.memory_space<hbm>> -> memref<64x64xi32, #tpu.memory_space<hbm>>
      %dma_wait3A_95 = arith.constant 0 : i32
      %dma_wait3A_96 = tpu.memref_slice %arg2[%mul3A_3, %dma_wait3A_95] : memref<1024x64xi32, #tpu.memory_space<hbm>> -> memref<64x64xi32, #tpu.memory_space<hbm>>
      tpu.wait_dma2 semaphore(%run_scoped3A : memref<!tpu.dma_semaphore, #tpu.memory_space<semaphore_mem>>) src(%dma_wait3A_96 : memref<64x64xi32, #tpu.memory_space<hbm>>) dst(%arg6 : memref<64x64xi32, #tpu.memory_space<vmem>>)
      tpu.yield
    }) : () -> ()
    %mul3A_4 = arith.constant 64 : i32
    %mul3A_5 = arith.muli %arg1, %mul3A_4 : i32
    "tpu.region"() ({
      %run_scoped3A = tpu.sem_alloc : memref<!tpu.dma_semaphore, #tpu.memory_space<semaphore_mem>>
      %dma_start3A = arith.constant 0 : i32
      %dma_start3A_91 = tpu.memref_slice %arg3[%mul3A_5, %dma_start3A] : memref<1024x64xf32, #tpu.memory_space<hbm>> -> memref<64x64xf32, #tpu.memory_space<hbm>>
      %dma_start3A_92 = arith.constant 0 : i32
      %dma_start3A_93 = tpu.memref_slice %arg3[%mul3A_5, %dma_start3A_92] : memref<1024x64xf32, #tpu.memory_space<hbm>> -> memref<64x64xf32, #tpu.memory_space<hbm>>
      tpu.enqueue_dma source(%dma_start3A_93 : memref<64x64xf32, #tpu.memory_space<hbm>>) target(%arg7 : memref<64x64xf32, #tpu.memory_space<vmem>>) target_semaphore(%run_scoped3A : memref<!tpu.dma_semaphore, #tpu.memory_space<semaphore_mem>>)
      %dma_wait3A = arith.constant 0 : i32
      %dma_wait3A_94 = tpu.memref_slice %arg3[%mul3A_5, %dma_wait3A] : memref<1024x64xf32, #tpu.memory_space<hbm>> -> memref<64x64xf32, #tpu.memory_space<hbm>>
      %dma_wait3A_95 = arith.constant 0 : i32
      %dma_wait3A_96 = tpu.memref_slice %arg3[%mul3A_5, %dma_wait3A_95] : memref<1024x64xf32, #tpu.memory_space<hbm>> -> memref<64x64xf32, #tpu.memory_space<hbm>>
      tpu.wait_dma2 semaphore(%run_scoped3A : memref<!tpu.dma_semaphore, #tpu.memory_space<semaphore_mem>>) src(%dma_wait3A_96 : memref<64x64xf32, #tpu.memory_space<hbm>>) dst(%arg7 : memref<64x64xf32, #tpu.memory_space<vmem>>)
      tpu.yield
    }) : () -> ()
    %scan3A = arith.constant 0 : i32
    %scan3A_6 = arith.constant 0 : i32
    %scan3A_7 = arith.constant 500 : i32
    %scan3A_8 = arith.addi %scan3A_6, %scan3A_7 : i32
    %scan3A_9 = arith.constant 1 : i32
    scf.for %scan3A_91 = %scan3A_6 to %scan3A_8 step %scan3A_9  : i32 {
      %mul3A_92 = arith.constant 16 : i32
      %mul3A_93 = arith.muli %scan3A_91, %mul3A_92 : i32
      %swap3A_94 = arith.index_cast %mul3A_93 : i32 to index
      %swap3A_95 = tpu.vector_load %arg14[%swap3A_94] {strides = array<i32>} : memref<8000xf32, #tpu.memory_space<vmem>>, vector<16xf32>,
      tpu.vector_store %arg14[%swap3A_94], %broadcast_in_dim3A_0 {strides = array<i32>} : memref<8000xf32, #tpu.memory_space<vmem>>, vector<16xf32>,
    }
    %scan3A_10 = arith.constant 500 : i32
    %scan3A_11 = arith.constant 0 : i32
    %scan3A_12 = arith.constant 0 : i32
    %scan3A_13 = arith.constant 8 : i32
    %scan3A_14 = arith.addi %scan3A_12, %scan3A_13 : i32
    %scan3A_15 = arith.constant 1 : i32
    scf.for %scan3A_91 = %scan3A_12 to %scan3A_14 step %scan3A_15  : i32 {
      %mul3A_92 = arith.constant 16 : i32
      %mul3A_93 = arith.muli %scan3A_91, %mul3A_92 : i32
      %swap3A_94 = arith.index_cast %mul3A_93 : i32 to index
      %swap3A_95 = tpu.vector_load %arg15[%swap3A_94] {strides = array<i32>} : memref<128xf32, #tpu.memory_space<vmem>>, vector<16xf32>,
      tpu.vector_store %arg15[%swap3A_94], %broadcast_in_dim3A_0 {strides = array<i32>} : memref<128xf32, #tpu.memory_space<vmem>>, vector<16xf32>,
    }
    %scan3A_16 = arith.constant 8 : i32
    %scan3A_17 = arith.constant 0 : i32
    %scan3A_18 = arith.constant 0 : i32
    %scan3A_19 = arith.constant 8 : i32
    %scan3A_20 = arith.addi %scan3A_18, %scan3A_19 : i32
    %scan3A_21 = arith.constant 1 : i32
    scf.for %scan3A_91 = %scan3A_18 to %scan3A_20 step %scan3A_21  : i32 {
      %mul3A_92 = arith.constant 64000 : i32
      %mul3A_93 = arith.muli %arg1, %mul3A_92 : i32
      %mul3A_94 = arith.constant 8000 : i32
      %mul3A_95 = arith.muli %scan3A_91, %mul3A_94 : i32
      %add3A_96 = arith.addi %mul3A_93, %mul3A_95 : i32
      "tpu.region"() ({
        %run_scoped3A = tpu.sem_alloc : memref<!tpu.dma_semaphore, #tpu.memory_space<semaphore_mem>>
        %dma_start3A = tpu.memref_slice %arg5[%add3A_96] : memref<1024000xf32, #tpu.memory_space<vmem_shared>> -> memref<8000xf32, #tpu.memory_space<vmem_shared>>
        %dma_start3A_97 = tpu.memref_slice %arg5[%add3A_96] : memref<1024000xf32, #tpu.memory_space<vmem_shared>> -> memref<8000xf32, #tpu.memory_space<vmem_shared>>
        tpu.enqueue_dma source(%arg14 : memref<8000xf32, #tpu.memory_space<vmem>>) target(%dma_start3A_97 : memref<8000xf32, #tpu.memory_space<vmem_shared>>) target_semaphore(%run_scoped3A : memref<!tpu.dma_semaphore, #tpu.memory_space<semaphore_mem>>)
        %dma_wait3A = tpu.memref_slice %arg5[%add3A_96] : memref<1024000xf32, #tpu.memory_space<vmem_shared>> -> memref<8000xf32, #tpu.memory_space<vmem_shared>>
        %dma_wait3A_98 = tpu.memref_slice %arg5[%add3A_96] : memref<1024000xf32, #tpu.memory_space<vmem_shared>> -> memref<8000xf32, #tpu.memory_space<vmem_shared>>
        tpu.wait_dma2 semaphore(%run_scoped3A : memref<!tpu.dma_semaphore, #tpu.memory_space<semaphore_mem>>) src(%arg14 : memref<8000xf32, #tpu.memory_space<vmem>>) dst(%dma_wait3A_98 : memref<8000xf32, #tpu.memory_space<vmem_shared>>)
        tpu.yield
      }) : () -> ()
    }
    %scan3A_22 = arith.constant 8 : i32
    %scan3A_23 = arith.constant 0 : i32
    %scan3A_24 = arith.constant 0 : i32
    %scan3A_25 = arith.constant 64 : i32
    %scan3A_26 = arith.addi %scan3A_24, %scan3A_25 : i32
    %scan3A_27 = arith.constant 1 : i32
    scf.for %scan3A_91 = %scan3A_24 to %scan3A_26 step %scan3A_27  : i32 {
      %mul3A_92 = arith.constant 64 : i32
      %mul3A_93 = arith.muli %arg1, %mul3A_92 : i32
      %add3A_94 = arith.addi %mul3A_93, %scan3A_91 : i32
      %shift_right_arithmetic3A_95 = arith.constant 7 : i32
      %shift_right_arithmetic3A_96 = arith.shrsi %add3A_94, %shift_right_arithmetic3A_95 : i32
      %mul3A_97 = arith.constant 1024 : i32
      %mul3A_98 = arith.muli %shift_right_arithmetic3A_96, %mul3A_97 : i32
      %and3A_99 = arith.constant 127 : i32
      %and3A_100 = arith.andi %add3A_94, %and3A_99 : i32
      %add3A_101 = arith.addi %mul3A_98, %and3A_100 : i32
      %get3A = arith.index_cast %scan3A_91 : i32 to index
      %get3A_102 = arith.constant 0 : index
      %get3A_103 = tpu.vector_load %arg6[%get3A, %get3A_102] {strides = array<i32>} : memref<64x64xi32, #tpu.memory_space<vmem>>, vector<16xi32>,
      %shift_right_arithmetic3A_104 = arith.constant 3 : i32
      %shift_right_arithmetic3A_105 = vector.broadcast %shift_right_arithmetic3A_104 : i32 to vector<16xi32>
      %shift_right_arithmetic3A_106 = arith.shrsi %get3A_103, %shift_right_arithmetic3A_105 : vector<16xi32>
      %swap3A_107 = arith.index_cast %scan3A_91 : i32 to index
      %swap3A_108 = arith.constant 0 : index
      %swap3A_109 = tpu.vector_load %arg8[%swap3A_107, %swap3A_108] {strides = array<i32>} : memref<64x64xi32, #tpu.memory_space<vmem>>, vector<16xi32>,
      tpu.vector_store %arg8[%swap3A_107, %swap3A_108], %shift_right_arithmetic3A_106 {strides = array<i32>} : memref<64x64xi32, #tpu.memory_space<vmem>>, vector<16xi32>,
      %shift_left3A = arith.constant 13 : i32
      %shift_left3A_110 = vector.broadcast %shift_left3A : i32 to vector<16xi32>
      %shift_left3A_111 = arith.shli %shift_right_arithmetic3A_106, %shift_left3A_110 : vector<16xi32>
      %and3A_112 = arith.constant 7 : i32
      %and3A_113 = vector.broadcast %and3A_112 : i32 to vector<16xi32>
      %and3A_114 = arith.andi %get3A_103, %and3A_113 : vector<16xi32>
      %shift_left3A_115 = arith.constant 7 : i32
      %shift_left3A_116 = vector.broadcast %shift_left3A_115 : i32 to vector<16xi32>
      %shift_left3A_117 = arith.shli %and3A_114, %shift_left3A_116 : vector<16xi32>
      %add3A_118 = arith.addi %shift_left3A_111, %shift_left3A_117 : vector<16xi32>
      %add3A_119 = vector.broadcast %add3A_101 : i32 to vector<16xi32>
      %add3A_120 = arith.addi %add3A_118, %add3A_119 : vector<16xi32>
      %swap3A_121 = arith.index_cast %scan3A_91 : i32 to index
      %swap3A_122 = arith.constant 0 : index
      %swap3A_123 = tpu.vector_load %arg9[%swap3A_121, %swap3A_122] {strides = array<i32>} : memref<64x64xi32, #tpu.memory_space<vmem>>, vector<16xi32>,
      tpu.vector_store %arg9[%swap3A_121, %swap3A_122], %add3A_120 {strides = array<i32>} : memref<64x64xi32, #tpu.memory_space<vmem>>, vector<16xi32>,
      %get3A_124 = arith.index_cast %scan3A_91 : i32 to index
      %get3A_125 = arith.constant 16 : index
      %get3A_126 = tpu.vector_load %arg6[%get3A_124, %get3A_125] {strides = array<i32>} : memref<64x64xi32, #tpu.memory_space<vmem>>, vector<16xi32>,
      %shift_right_arithmetic3A_127 = arith.constant 3 : i32
      %shift_right_arithmetic3A_128 = vector.broadcast %shift_right_arithmetic3A_127 : i32 to vector<16xi32>
      %shift_right_arithmetic3A_129 = arith.shrsi %get3A_126, %shift_right_arithmetic3A_128 : vector<16xi32>
      %swap3A_130 = arith.index_cast %scan3A_91 : i32 to index
      %swap3A_131 = arith.constant 16 : index
      %swap3A_132 = tpu.vector_load %arg8[%swap3A_130, %swap3A_131] {strides = array<i32>} : memref<64x64xi32, #tpu.memory_space<vmem>>, vector<16xi32>,
      tpu.vector_store %arg8[%swap3A_130, %swap3A_131], %shift_right_arithmetic3A_129 {strides = array<i32>} : memref<64x64xi32, #tpu.memory_space<vmem>>, vector<16xi32>,
      %shift_left3A_133 = arith.constant 13 : i32
      %shift_left3A_134 = vector.broadcast %shift_left3A_133 : i32 to vector<16xi32>
      %shift_left3A_135 = arith.shli %shift_right_arithmetic3A_129, %shift_left3A_134 : vector<16xi32>
      %and3A_136 = arith.constant 7 : i32
      %and3A_137 = vector.broadcast %and3A_136 : i32 to vector<16xi32>
      %and3A_138 = arith.andi %get3A_126, %and3A_137 : vector<16xi32>
      %shift_left3A_139 = arith.constant 7 : i32
      %shift_left3A_140 = vector.broadcast %shift_left3A_139 : i32 to vector<16xi32>
      %shift_left3A_141 = arith.shli %and3A_138, %shift_left3A_140 : vector<16xi32>
      %add3A_142 = arith.addi %shift_left3A_135, %shift_left3A_141 : vector<16xi32>
      %add3A_143 = vector.broadcast %add3A_101 : i32 to vector<16xi32>
      %add3A_144 = arith.addi %add3A_142, %add3A_143 : vector<16xi32>
      %swap3A_145 = arith.index_cast %scan3A_91 : i32 to index
      %swap3A_146 = arith.constant 16 : index
      %swap3A_147 = tpu.vector_load %arg9[%swap3A_145, %swap3A_146] {strides = array<i32>} : memref<64x64xi32, #tpu.memory_space<vmem>>, vector<16xi32>,
      tpu.vector_store %arg9[%swap3A_145, %swap3A_146], %add3A_144 {strides = array<i32>} : memref<64x64xi32, #tpu.memory_space<vmem>>, vector<16xi32>,
      %get3A_148 = arith.index_cast %scan3A_91 : i32 to index
      %get3A_149 = arith.constant 32 : index
      %get3A_150 = tpu.vector_load %arg6[%get3A_148, %get3A_149] {strides = array<i32>} : memref<64x64xi32, #tpu.memory_space<vmem>>, vector<16xi32>,
      %shift_right_arithmetic3A_151 = arith.constant 3 : i32
      %shift_right_arithmetic3A_152 = vector.broadcast %shift_right_arithmetic3A_151 : i32 to vector<16xi32>
      %shift_right_arithmetic3A_153 = arith.shrsi %get3A_150, %shift_right_arithmetic3A_152 : vector<16xi32>
      %swap3A_154 = arith.index_cast %scan3A_91 : i32 to index
      %swap3A_155 = arith.constant 32 : index
      %swap3A_156 = tpu.vector_load %arg8[%swap3A_154, %swap3A_155] {strides = array<i32>} : memref<64x64xi32, #tpu.memory_space<vmem>>, vector<16xi32>,
      tpu.vector_store %arg8[%swap3A_154, %swap3A_155], %shift_right_arithmetic3A_153 {strides = array<i32>} : memref<64x64xi32, #tpu.memory_space<vmem>>, vector<16xi32>,
      %shift_left3A_157 = arith.constant 13 : i32
      %shift_left3A_158 = vector.broadcast %shift_left3A_157 : i32 to vector<16xi32>
      %shift_left3A_159 = arith.shli %shift_right_arithmetic3A_153, %shift_left3A_158 : vector<16xi32>
      %and3A_160 = arith.constant 7 : i32
      %and3A_161 = vector.broadcast %and3A_160 : i32 to vector<16xi32>
      %and3A_162 = arith.andi %get3A_150, %and3A_161 : vector<16xi32>
      %shift_left3A_163 = arith.constant 7 : i32
      %shift_left3A_164 = vector.broadcast %shift_left3A_163 : i32 to vector<16xi32>
      %shift_left3A_165 = arith.shli %and3A_162, %shift_left3A_164 : vector<16xi32>
      %add3A_166 = arith.addi %shift_left3A_159, %shift_left3A_165 : vector<16xi32>
      %add3A_167 = vector.broadcast %add3A_101 : i32 to vector<16xi32>
      %add3A_168 = arith.addi %add3A_166, %add3A_167 : vector<16xi32>
      %swap3A_169 = arith.index_cast %scan3A_91 : i32 to index
      %swap3A_170 = arith.constant 32 : index
      %swap3A_171 = tpu.vector_load %arg9[%swap3A_169, %swap3A_170] {strides = array<i32>} : memref<64x64xi32, #tpu.memory_space<vmem>>, vector<16xi32>,
      tpu.vector_store %arg9[%swap3A_169, %swap3A_170], %add3A_168 {strides = array<i32>} : memref<64x64xi32, #tpu.memory_space<vmem>>, vector<16xi32>,
      %get3A_172 = arith.index_cast %scan3A_91 : i32 to index
      %get3A_173 = arith.constant 48 : index
      %get3A_174 = tpu.vector_load %arg6[%get3A_172, %get3A_173] {strides = array<i32>} : memref<64x64xi32, #tpu.memory_space<vmem>>, vector<16xi32>,
      %shift_right_arithmetic3A_175 = arith.constant 3 : i32
      %shift_right_arithmetic3A_176 = vector.broadcast %shift_right_arithmetic3A_175 : i32 to vector<16xi32>
      %shift_right_arithmetic3A_177 = arith.shrsi %get3A_174, %shift_right_arithmetic3A_176 : vector<16xi32>
      %swap3A_178 = arith.index_cast %scan3A_91 : i32 to index
      %swap3A_179 = arith.constant 48 : index
      %swap3A_180 = tpu.vector_load %arg8[%swap3A_178, %swap3A_179] {strides = array<i32>} : memref<64x64xi32, #tpu.memory_space<vmem>>, vector<16xi32>,
      tpu.vector_store %arg8[%swap3A_178, %swap3A_179], %shift_right_arithmetic3A_177 {strides = array<i32>} : memref<64x64xi32, #tpu.memory_space<vmem>>, vector<16xi32>,
      %shift_left3A_181 = arith.constant 13 : i32
      %shift_left3A_182 = vector.broadcast %shift_left3A_181 : i32 to vector<16xi32>
      %shift_left3A_183 = arith.shli %shift_right_arithmetic3A_177, %shift_left3A_182 : vector<16xi32>
      %and3A_184 = arith.constant 7 : i32
      %and3A_185 = vector.broadcast %and3A_184 : i32 to vector<16xi32>
      %and3A_186 = arith.andi %get3A_174, %and3A_185 : vector<16xi32>
      %shift_left3A_187 = arith.constant 7 : i32
      %shift_left3A_188 = vector.broadcast %shift_left3A_187 : i32 to vector<16xi32>
      %shift_left3A_189 = arith.shli %and3A_186, %shift_left3A_188 : vector<16xi32>
      %add3A_190 = arith.addi %shift_left3A_183, %shift_left3A_189 : vector<16xi32>
      %add3A_191 = vector.broadcast %add3A_101 : i32 to vector<16xi32>
      %add3A_192 = arith.addi %add3A_190, %add3A_191 : vector<16xi32>
      %swap3A_193 = arith.index_cast %scan3A_91 : i32 to index
      %swap3A_194 = arith.constant 48 : index
      %swap3A_195 = tpu.vector_load %arg9[%swap3A_193, %swap3A_194] {strides = array<i32>} : memref<64x64xi32, #tpu.memory_space<vmem>>, vector<16xi32>,
      tpu.vector_store %arg9[%swap3A_193, %swap3A_194], %add3A_192 {strides = array<i32>} : memref<64x64xi32, #tpu.memory_space<vmem>>, vector<16xi32>,
    }
    %scan3A_28 = arith.constant 64 : i32
    %mul3A_29 = arith.constant 8 : i32
    %mul3A_30 = arith.muli %arg1, %mul3A_29 : i32
    %min3A = arith.constant 117 : i32
    %min3A_31 = arith.minsi %mul3A_30, %min3A : i32
    %mul3A_32 = arith.constant 50 : i32
    %mul3A_33 = arith.muli %arg0, %mul3A_32 : i32
    %mul3A_34 = arith.constant 125 : i32
    %mul3A_35 = arith.muli %mul3A_33, %mul3A_34 : i32
    %mul3A_36 = arith.constant 8192 : i32
    %mul3A_37 = arith.muli %mul3A_35, %mul3A_36 : i32
    %scan3A_38 = arith.constant 0 : i32
    %scan3A_39 = arith.constant 0 : i32
    %scan3A_40 = arith.constant 64 : i32
    %scan3A_41 = arith.addi %scan3A_39, %scan3A_40 : i32
    %scan3A_42 = arith.constant 1 : i32
    %scan3A_43 = scf.for %scan3A_91 = %scan3A_39 to %scan3A_41 step %scan3A_42 iter_args(%scan3A_92 = %scan3A_38) -> (i32)  : i32 {
      %get3A = arith.index_cast %scan3A_91 : i32 to index
      %get3A_93 = arith.constant 0 : index
      %get3A_94 = tpu.vector_load %arg8[%get3A, %get3A_93] {strides = array<i32>} : memref<64x64xi32, #tpu.memory_space<vmem>>, vector<16xi32>,
      %ge3A = vector.broadcast %mul3A_35 : i32 to vector<16xi32>
      %ge3A_95 = arith.cmpi sge, %get3A_94, %ge3A : vector<16xi32>
      %add3A_96 = arith.constant 125 : i32
      %add3A_97 = arith.addi %mul3A_35, %add3A_96 : i32
      %lt3A = vector.broadcast %add3A_97 : i32 to vector<16xi32>
      %lt3A_98 = arith.cmpi slt, %get3A_94, %lt3A : vector<16xi32>
      %and3A_99 = arith.andi %ge3A_95, %lt3A_98 : vector<16xi1>
      %get3A_100 = arith.index_cast %scan3A_91 : i32 to index
      %get3A_101 = arith.constant 0 : index
      %get3A_102 = tpu.vector_load %arg9[%get3A_100, %get3A_101] {strides = array<i32>} : memref<64x64xi32, #tpu.memory_space<vmem>>, vector<16xi32>,
      %sub3A = vector.broadcast %mul3A_37 : i32 to vector<16xi32>
      %sub3A_103 = arith.subi %get3A_102, %sub3A : vector<16xi32>
      %swap3A_104 = arith.index_cast %scan3A_92 : i32 to index
      %swap3A_105 = tpu.vector_load %arg10[%swap3A_104] masked %and3A_99 {strides = array<i32>} : memref<4352xi32, #tpu.memory_space<vmem>>, vector<16xi32>, vector<16xi1>
      tpu.vector_store %arg10[%swap3A_104], %sub3A_103 masked %and3A_99 {strides = array<i32>} : memref<4352xi32, #tpu.memory_space<vmem>>, vector<16xi32>, vector<16xi1>
      %get3A_106 = arith.index_cast %scan3A_91 : i32 to index
      %get3A_107 = arith.constant 0 : index
      %get3A_108 = tpu.vector_load %arg7[%get3A_106, %get3A_107] {strides = array<i32>} : memref<64x64xf32, #tpu.memory_space<vmem>>, vector<16xf32>,
      %swap3A_109 = arith.index_cast %scan3A_92 : i32 to index
      %swap3A_110 = tpu.vector_load %arg11[%swap3A_109] masked %and3A_99 {strides = array<i32>} : memref<4352xf32, #tpu.memory_space<vmem>>, vector<16xf32>, vector<16xi1>
      tpu.vector_store %arg11[%swap3A_109], %get3A_108 masked %and3A_99 {strides = array<i32>} : memref<4352xf32, #tpu.memory_space<vmem>>, vector<16xf32>, vector<16xi1>
      %all_reduce_population_count3A = tpu.all_reduce %and3A_99 {dim = 0 : i64, kind = #tpu.reduction_kind<sum>} : vector<16xi1> -> vector<16xi32>
      %slice3A = vector.extract_strided_slice %all_reduce_population_count3A {offsets = [0], sizes = [1], strides = [1]} : vector<16xi32> to vector<1xi32>
      %squeeze3A = vector.extract %slice3A[0] : i32 from vector<1xi32>
      %add3A_111 = arith.addi %scan3A_92, %squeeze3A : i32
      %get3A_112 = arith.index_cast %scan3A_91 : i32 to index
      %get3A_113 = arith.constant 16 : index
      %get3A_114 = tpu.vector_load %arg8[%get3A_112, %get3A_113] {strides = array<i32>} : memref<64x64xi32, #tpu.memory_space<vmem>>, vector<16xi32>,
      %ge3A_115 = vector.broadcast %mul3A_35 : i32 to vector<16xi32>
      %ge3A_116 = arith.cmpi sge, %get3A_114, %ge3A_115 : vector<16xi32>
      %add3A_117 = arith.constant 125 : i32
      %add3A_118 = arith.addi %mul3A_35, %add3A_117 : i32
      %lt3A_119 = vector.broadcast %add3A_118 : i32 to vector<16xi32>
      %lt3A_120 = arith.cmpi slt, %get3A_114, %lt3A_119 : vector<16xi32>
      %and3A_121 = arith.andi %ge3A_116, %lt3A_120 : vector<16xi1>
      %get3A_122 = arith.index_cast %scan3A_91 : i32 to index
      %get3A_123 = arith.constant 16 : index
      %get3A_124 = tpu.vector_load %arg9[%get3A_122, %get3A_123] {strides = array<i32>} : memref<64x64xi32, #tpu.memory_space<vmem>>, vector<16xi32>,
      %sub3A_125 = vector.broadcast %mul3A_37 : i32 to vector<16xi32>
      %sub3A_126 = arith.subi %get3A_124, %sub3A_125 : vector<16xi32>
      %swap3A_127 = arith.index_cast %add3A_111 : i32 to index
      %swap3A_128 = tpu.vector_load %arg10[%swap3A_127] masked %and3A_121 {strides = array<i32>} : memref<4352xi32, #tpu.memory_space<vmem>>, vector<16xi32>, vector<16xi1>
      tpu.vector_store %arg10[%swap3A_127], %sub3A_126 masked %and3A_121 {strides = array<i32>} : memref<4352xi32, #tpu.memory_space<vmem>>, vector<16xi32>, vector<16xi1>
      %get3A_129 = arith.index_cast %scan3A_91 : i32 to index
      %get3A_130 = arith.constant 16 : index
      %get3A_131 = tpu.vector_load %arg7[%get3A_129, %get3A_130] {strides = array<i32>} : memref<64x64xf32, #tpu.memory_space<vmem>>, vector<16xf32>,
      %swap3A_132 = arith.index_cast %add3A_111 : i32 to index
      %swap3A_133 = tpu.vector_load %arg11[%swap3A_132] masked %and3A_121 {strides = array<i32>} : memref<4352xf32, #tpu.memory_space<vmem>>, vector<16xf32>, vector<16xi1>
      tpu.vector_store %arg11[%swap3A_132], %get3A_131 masked %and3A_121 {strides = array<i32>} : memref<4352xf32, #tpu.memory_space<vmem>>, vector<16xf32>, vector<16xi1>
      %all_reduce_population_count3A_134 = tpu.all_reduce %and3A_121 {dim = 0 : i64, kind = #tpu.reduction_kind<sum>} : vector<16xi1> -> vector<16xi32>
      %slice3A_135 = vector.extract_strided_slice %all_reduce_population_count3A_134 {offsets = [0], sizes = [1], strides = [1]} : vector<16xi32> to vector<1xi32>
      %squeeze3A_136 = vector.extract %slice3A_135[0] : i32 from vector<1xi32>
      %add3A_137 = arith.addi %add3A_111, %squeeze3A_136 : i32
      %get3A_138 = arith.index_cast %scan3A_91 : i32 to index
      %get3A_139 = arith.constant 32 : index
      %get3A_140 = tpu.vector_load %arg8[%get3A_138, %get3A_139] {strides = array<i32>} : memref<64x64xi32, #tpu.memory_space<vmem>>, vector<16xi32>,
      %ge3A_141 = vector.broadcast %mul3A_35 : i32 to vector<16xi32>
      %ge3A_142 = arith.cmpi sge, %get3A_140, %ge3A_141 : vector<16xi32>
      %add3A_143 = arith.constant 125 : i32
      %add3A_144 = arith.addi %mul3A_35, %add3A_143 : i32
      %lt3A_145 = vector.broadcast %add3A_144 : i32 to vector<16xi32>
      %lt3A_146 = arith.cmpi slt, %get3A_140, %lt3A_145 : vector<16xi32>
      %and3A_147 = arith.andi %ge3A_142, %lt3A_146 : vector<16xi1>
      %get3A_148 = arith.index_cast %scan3A_91 : i32 to index
      %get3A_149 = arith.constant 32 : index
      %get3A_150 = tpu.vector_load %arg9[%get3A_148, %get3A_149] {strides = array<i32>} : memref<64x64xi32, #tpu.memory_space<vmem>>, vector<16xi32>,
      %sub3A_151 = vector.broadcast %mul3A_37 : i32 to vector<16xi32>
      %sub3A_152 = arith.subi %get3A_150, %sub3A_151 : vector<16xi32>
      %swap3A_153 = arith.index_cast %add3A_137 : i32 to index
      %swap3A_154 = tpu.vector_load %arg10[%swap3A_153] masked %and3A_147 {strides = array<i32>} : memref<4352xi32, #tpu.memory_space<vmem>>, vector<16xi32>, vector<16xi1>
      tpu.vector_store %arg10[%swap3A_153], %sub3A_152 masked %and3A_147 {strides = array<i32>} : memref<4352xi32, #tpu.memory_space<vmem>>, vector<16xi32>, vector<16xi1>
      %get3A_155 = arith.index_cast %scan3A_91 : i32 to index
      %get3A_156 = arith.constant 32 : index
      %get3A_157 = tpu.vector_load %arg7[%get3A_155, %get3A_156] {strides = array<i32>} : memref<64x64xf32, #tpu.memory_space<vmem>>, vector<16xf32>,
      %swap3A_158 = arith.index_cast %add3A_137 : i32 to index
      %swap3A_159 = tpu.vector_load %arg11[%swap3A_158] masked %and3A_147 {strides = array<i32>} : memref<4352xf32, #tpu.memory_space<vmem>>, vector<16xf32>, vector<16xi1>
      tpu.vector_store %arg11[%swap3A_158], %get3A_157 masked %and3A_147 {strides = array<i32>} : memref<4352xf32, #tpu.memory_space<vmem>>, vector<16xf32>, vector<16xi1>
      %all_reduce_population_count3A_160 = tpu.all_reduce %and3A_147 {dim = 0 : i64, kind = #tpu.reduction_kind<sum>} : vector<16xi1> -> vector<16xi32>
      %slice3A_161 = vector.extract_strided_slice %all_reduce_population_count3A_160 {offsets = [0], sizes = [1], strides = [1]} : vector<16xi32> to vector<1xi32>
      %squeeze3A_162 = vector.extract %slice3A_161[0] : i32 from vector<1xi32>
      %add3A_163 = arith.addi %add3A_137, %squeeze3A_162 : i32
      %get3A_164 = arith.index_cast %scan3A_91 : i32 to index
      %get3A_165 = arith.constant 48 : index
      %get3A_166 = tpu.vector_load %arg8[%get3A_164, %get3A_165] {strides = array<i32>} : memref<64x64xi32, #tpu.memory_space<vmem>>, vector<16xi32>,
      %ge3A_167 = vector.broadcast %mul3A_35 : i32 to vector<16xi32>
      %ge3A_168 = arith.cmpi sge, %get3A_166, %ge3A_167 : vector<16xi32>
      %add3A_169 = arith.constant 125 : i32
      %add3A_170 = arith.addi %mul3A_35, %add3A_169 : i32
      %lt3A_171 = vector.broadcast %add3A_170 : i32 to vector<16xi32>
      %lt3A_172 = arith.cmpi slt, %get3A_166, %lt3A_171 : vector<16xi32>
      %and3A_173 = arith.andi %ge3A_168, %lt3A_172 : vector<16xi1>
      %get3A_174 = arith.index_cast %scan3A_91 : i32 to index
      %get3A_175 = arith.constant 48 : index
      %get3A_176 = tpu.vector_load %arg9[%get3A_174, %get3A_175] {strides = array<i32>} : memref<64x64xi32, #tpu.memory_space<vmem>>, vector<16xi32>,
      %sub3A_177 = vector.broadcast %mul3A_37 : i32 to vector<16xi32>
      %sub3A_178 = arith.subi %get3A_176, %sub3A_177 : vector<16xi32>
      %swap3A_179 = arith.index_cast %add3A_163 : i32 to index
      %swap3A_180 = tpu.vector_load %arg10[%swap3A_179] masked %and3A_173 {strides = array<i32>} : memref<4352xi32, #tpu.memory_space<vmem>>, vector<16xi32>, vector<16xi1>
      tpu.vector_store %arg10[%swap3A_179], %sub3A_178 masked %and3A_173 {strides = array<i32>} : memref<4352xi32, #tpu.memory_space<vmem>>, vector<16xi32>, vector<16xi1>
      %get3A_181 = arith.index_cast %scan3A_91 : i32 to index
      %get3A_182 = arith.constant 48 : index
      %get3A_183 = tpu.vector_load %arg7[%get3A_181, %get3A_182] {strides = array<i32>} : memref<64x64xf32, #tpu.memory_space<vmem>>, vector<16xf32>,
      %swap3A_184 = arith.index_cast %add3A_163 : i32 to index
      %swap3A_185 = tpu.vector_load %arg11[%swap3A_184] masked %and3A_173 {strides = array<i32>} : memref<4352xf32, #tpu.memory_space<vmem>>, vector<16xf32>, vector<16xi1>
      tpu.vector_store %arg11[%swap3A_184], %get3A_183 masked %and3A_173 {strides = array<i32>} : memref<4352xf32, #tpu.memory_space<vmem>>, vector<16xf32>, vector<16xi1>
      %all_reduce_population_count3A_186 = tpu.all_reduce %and3A_173 {dim = 0 : i64, kind = #tpu.reduction_kind<sum>} : vector<16xi1> -> vector<16xi32>
      %slice3A_187 = vector.extract_strided_slice %all_reduce_population_count3A_186 {offsets = [0], sizes = [1], strides = [1]} : vector<16xi32> to vector<1xi32>
      %squeeze3A_188 = vector.extract %slice3A_187[0] : i32 from vector<1xi32>
      %add3A_189 = arith.addi %add3A_163, %squeeze3A_188 : i32
      scf.yield %add3A_189 : i32
    }
    %scan3A_44 = arith.constant 64 : i32
    %add3A = arith.constant 127 : i32
    %add3A_45 = arith.addi %scan3A_43, %add3A : i32
    %shift_right_arithmetic3A = arith.constant 7 : i32
    %shift_right_arithmetic3A_46 = arith.shrsi %add3A_45, %shift_right_arithmetic3A : i32
    %mul3A_47 = arith.constant 64 : i32
    %mul3A_48 = arith.muli %arg1, %mul3A_47 : i32
    %shift_right_arithmetic3A_49 = arith.constant 7 : i32
    %shift_right_arithmetic3A_50 = arith.shrsi %mul3A_48, %shift_right_arithmetic3A_49 : i32
    %mul3A_51 = arith.constant 1024 : i32
    %mul3A_52 = arith.muli %shift_right_arithmetic3A_50, %mul3A_51 : i32
    %and3A = arith.constant 127 : i32
    %and3A_53 = arith.andi %mul3A_48, %and3A : i32
    %add3A_54 = arith.addi %mul3A_52, %and3A_53 : i32
    %add3A_55 = vector.broadcast %add3A_54 : i32 to vector<16xi32>
    %add3A_56 = arith.addi %broadcast_in_dim3A_2, %add3A_55 : vector<16xi32>
    %swap3A = arith.index_cast %scan3A_43 : i32 to index
    %swap3A_57 = tpu.vector_load %arg10[%swap3A] {strides = array<i32>} : memref<4352xi32, #tpu.memory_space<vmem>>, vector<16xi32>,
    tpu.vector_store %arg10[%swap3A], %add3A_56 {strides = array<i32>} : memref<4352xi32, #tpu.memory_space<vmem>>, vector<16xi32>,
    %swap3A_58 = arith.index_cast %scan3A_43 : i32 to index
    %swap3A_59 = tpu.vector_load %arg11[%swap3A_58] {strides = array<i32>} : memref<4352xf32, #tpu.memory_space<vmem>>, vector<16xf32>,
    tpu.vector_store %arg11[%swap3A_58], %broadcast_in_dim3A_0 {strides = array<i32>} : memref<4352xf32, #tpu.memory_space<vmem>>, vector<16xf32>,
    %add3A_60 = arith.constant 15 : i32
    %add3A_61 = arith.addi %scan3A_43, %add3A_60 : i32
    %shift_right_arithmetic3A_62 = arith.constant 4 : i32
    %shift_right_arithmetic3A_63 = arith.shrsi %add3A_61, %shift_right_arithmetic3A_62 : i32
    %mul3A_64 = arith.constant 16 : i32
    %mul3A_65 = arith.muli %shift_right_arithmetic3A_46, %mul3A_64 : i32
    %while3A = arith.constant 0 : i32
    %while3A_66 = arith.subi %mul3A_65, %shift_right_arithmetic3A_63 : i32
    %while3A_67 = arith.addi %shift_right_arithmetic3A_63, %while3A_66 : i32
    %while3A_68 = arith.constant 1 : i32
    %while3A_69 = arith.divsi %while3A_66, %while3A_68 : i32
    %while3A_70 = arith.muli %while3A_69, %while3A_68 : i32
    %while3A_71 = arith.addi %shift_right_arithmetic3A_63, %while3A_70 : i32
    %while3A_72 = arith.constant 1 : i32
    scf.for %while3A_91 = %shift_right_arithmetic3A_63 to %while3A_71 step %while3A_72  : i32 {
      %mul3A_92 = arith.constant 16 : i32
      %mul3A_93 = arith.muli %while3A_91, %mul3A_92 : i32
      %swap3A_94 = arith.index_cast %mul3A_93 : i32 to index
      %swap3A_95 = tpu.vector_load %arg10[%swap3A_94] {strides = array<i32>} : memref<4352xi32, #tpu.memory_space<vmem>>, vector<16xi32>,
      tpu.vector_store %arg10[%swap3A_94], %add3A_56 {strides = array<i32>} : memref<4352xi32, #tpu.memory_space<vmem>>, vector<16xi32>,
      %mul3A_96 = arith.constant 16 : i32
      %mul3A_97 = arith.muli %while3A_91, %mul3A_96 : i32
      %swap3A_98 = arith.index_cast %mul3A_97 : i32 to index
      %swap3A_99 = tpu.vector_load %arg11[%swap3A_98] {strides = array<i32>} : memref<4352xf32, #tpu.memory_space<vmem>>, vector<16xf32>,
      tpu.vector_store %arg11[%swap3A_98], %broadcast_in_dim3A_0 {strides = array<i32>} : memref<4352xf32, #tpu.memory_space<vmem>>, vector<16xf32>,
    }
    %while3A_73 = arith.constant 1 : i32
    scf.for %while3A_91 = %while3A_71 to %while3A_67 step %while3A_73  : i32 {
      %mul3A_92 = arith.constant 16 : i32
      %mul3A_93 = arith.muli %while3A_91, %mul3A_92 : i32
      %swap3A_94 = arith.index_cast %mul3A_93 : i32 to index
      %swap3A_95 = tpu.vector_load %arg10[%swap3A_94] {strides = array<i32>} : memref<4352xi32, #tpu.memory_space<vmem>>, vector<16xi32>,
      tpu.vector_store %arg10[%swap3A_94], %add3A_56 {strides = array<i32>} : memref<4352xi32, #tpu.memory_space<vmem>>, vector<16xi32>,
      %mul3A_96 = arith.constant 16 : i32
      %mul3A_97 = arith.muli %while3A_91, %mul3A_96 : i32
      %swap3A_98 = arith.index_cast %mul3A_97 : i32 to index
      %swap3A_99 = tpu.vector_load %arg11[%swap3A_98] {strides = array<i32>} : memref<4352xf32, #tpu.memory_space<vmem>>, vector<16xf32>,
      tpu.vector_store %arg11[%swap3A_98], %broadcast_in_dim3A_0 {strides = array<i32>} : memref<4352xf32, #tpu.memory_space<vmem>>, vector<16xf32>,
    }
    %while3A_74 = arith.constant 0 : i32
    %while3A_75 = arith.constant 0 : i32
    %while3A_76 = arith.constant 0 : i32
    %while3A_77 = arith.subi %shift_right_arithmetic3A_46, %while3A_76 : i32
    %while3A_78 = arith.addi %while3A_76, %while3A_77 : i32
    %while3A_79 = arith.constant 1 : i32
    %while3A_80 = arith.divsi %while3A_77, %while3A_79 : i32
    %while3A_81 = arith.muli %while3A_80, %while3A_79 : i32
    %while3A_82 = arith.addi %while3A_76, %while3A_81 : i32
    %while3A_83 = arith.constant 1 : i32
    scf.for %while3A_91 = %while3A_76 to %while3A_82 step %while3A_83  : i32 {
      %mul3A_92 = arith.constant 128 : i32
      %mul3A_93 = arith.muli %while3A_91, %mul3A_92 : i32
      %add3A_94 = arith.constant 0 : i32
      %add3A_95 = arith.addi %mul3A_93, %add3A_94 : i32
      %get3A = arith.index_cast %add3A_95 : i32 to index
      %get3A_96 = tpu.vector_load %arg10[%get3A] {strides = array<i32>} : memref<4352xi32, #tpu.memory_space<vmem>>, vector<16xi32>,
      %swap3A_97 = arith.index_cast %while3A_75 : i32 to index
      %swap3A_98 = arith.index_cast %while3A_91 : i32 to index
      %swap3A_99 = arith.constant 0 : index
      %swap3A_100 = tpu.vector_load %arg12[%swap3A_97, %swap3A_98, %swap3A_99] {strides = array<i32>} : memref<2x32x128xi32, #tpu.memory_space<vmem>>, vector<16xi32>,
      tpu.vector_store %arg12[%swap3A_97, %swap3A_98, %swap3A_99], %get3A_96 {strides = array<i32>} : memref<2x32x128xi32, #tpu.memory_space<vmem>>, vector<16xi32>,
      %mul3A_101 = arith.constant 128 : i32
      %mul3A_102 = arith.muli %while3A_91, %mul3A_101 : i32
      %add3A_103 = arith.constant 0 : i32
      %add3A_104 = arith.addi %mul3A_102, %add3A_103 : i32
      %get3A_105 = arith.index_cast %add3A_104 : i32 to index
      %get3A_106 = tpu.vector_load %arg11[%get3A_105] {strides = array<i32>} : memref<4352xf32, #tpu.memory_space<vmem>>, vector<16xf32>,
      %swap3A_107 = arith.index_cast %while3A_75 : i32 to index
      %swap3A_108 = arith.index_cast %while3A_91 : i32 to index
      %swap3A_109 = arith.constant 0 : index
      %swap3A_110 = tpu.vector_load %arg13[%swap3A_107, %swap3A_108, %swap3A_109] {strides = array<i32>} : memref<2x32x128xf32, #tpu.memory_space<vmem>>, vector<16xf32>,
      tpu.vector_store %arg13[%swap3A_107, %swap3A_108, %swap3A_109], %get3A_106 {strides = array<i32>} : memref<2x32x128xf32, #tpu.memory_space<vmem>>, vector<16xf32>,
      %mul3A_111 = arith.constant 128 : i32
      %mul3A_112 = arith.muli %while3A_91, %mul3A_111 : i32
      %add3A_113 = arith.constant 16 : i32
      %add3A_114 = arith.addi %mul3A_112, %add3A_113 : i32
      %get3A_115 = arith.index_cast %add3A_114 : i32 to index
      %get3A_116 = tpu.vector_load %arg10[%get3A_115] {strides = array<i32>} : memref<4352xi32, #tpu.memory_space<vmem>>, vector<16xi32>,
      %swap3A_117 = arith.index_cast %while3A_75 : i32 to index
      %swap3A_118 = arith.index_cast %while3A_91 : i32 to index
      %swap3A_119 = arith.constant 16 : index
      %swap3A_120 = tpu.vector_load %arg12[%swap3A_117, %swap3A_118, %swap3A_119] {strides = array<i32>} : memref<2x32x128xi32, #tpu.memory_space<vmem>>, vector<16xi32>,
      tpu.vector_store %arg12[%swap3A_117, %swap3A_118, %swap3A_119], %get3A_116 {strides = array<i32>} : memref<2x32x128xi32, #tpu.memory_space<vmem>>, vector<16xi32>,
      %mul3A_121 = arith.constant 128 : i32
      %mul3A_122 = arith.muli %while3A_91, %mul3A_121 : i32
      %add3A_123 = arith.constant 16 : i32
      %add3A_124 = arith.addi %mul3A_122, %add3A_123 : i32
      %get3A_125 = arith.index_cast %add3A_124 : i32 to index
      %get3A_126 = tpu.vector_load %arg11[%get3A_125] {strides = array<i32>} : memref<4352xf32, #tpu.memory_space<vmem>>, vector<16xf32>,
      %swap3A_127 = arith.index_cast %while3A_75 : i32 to index
      %swap3A_128 = arith.index_cast %while3A_91 : i32 to index
      %swap3A_129 = arith.constant 16 : index
      %swap3A_130 = tpu.vector_load %arg13[%swap3A_127, %swap3A_128, %swap3A_129] {strides = array<i32>} : memref<2x32x128xf32, #tpu.memory_space<vmem>>, vector<16xf32>,
      tpu.vector_store %arg13[%swap3A_127, %swap3A_128, %swap3A_129], %get3A_126 {strides = array<i32>} : memref<2x32x128xf32, #tpu.memory_space<vmem>>, vector<16xf32>,
      %mul3A_131 = arith.constant 128 : i32
      %mul3A_132 = arith.muli %while3A_91, %mul3A_131 : i32
      %add3A_133 = arith.constant 32 : i32
      %add3A_134 = arith.addi %mul3A_132, %add3A_133 : i32
      %get3A_135 = arith.index_cast %add3A_134 : i32 to index
      %get3A_136 = tpu.vector_load %arg10[%get3A_135] {strides = array<i32>} : memref<4352xi32, #tpu.memory_space<vmem>>, vector<16xi32>,
      %swap3A_137 = arith.index_cast %while3A_75 : i32 to index
      %swap3A_138 = arith.index_cast %while3A_91 : i32 to index
      %swap3A_139 = arith.constant 32 : index
      %swap3A_140 = tpu.vector_load %arg12[%swap3A_137, %swap3A_138, %swap3A_139] {strides = array<i32>} : memref<2x32x128xi32, #tpu.memory_space<vmem>>, vector<16xi32>,
      tpu.vector_store %arg12[%swap3A_137, %swap3A_138, %swap3A_139], %get3A_136 {strides = array<i32>} : memref<2x32x128xi32, #tpu.memory_space<vmem>>, vector<16xi32>,
      %mul3A_141 = arith.constant 128 : i32
      %mul3A_142 = arith.muli %while3A_91, %mul3A_141 : i32
      %add3A_143 = arith.constant 32 : i32
      %add3A_144 = arith.addi %mul3A_142, %add3A_143 : i32
      %get3A_145 = arith.index_cast %add3A_144 : i32 to index
      %get3A_146 = tpu.vector_load %arg11[%get3A_145] {strides = array<i32>} : memref<4352xf32, #tpu.memory_space<vmem>>, vector<16xf32>,
      %swap3A_147 = arith.index_cast %while3A_75 : i32 to index
      %swap3A_148 = arith.index_cast %while3A_91 : i32 to index
      %swap3A_149 = arith.constant 32 : index
      %swap3A_150 = tpu.vector_load %arg13[%swap3A_147, %swap3A_148, %swap3A_149] {strides = array<i32>} : memref<2x32x128xf32, #tpu.memory_space<vmem>>, vector<16xf32>,
      tpu.vector_store %arg13[%swap3A_147, %swap3A_148, %swap3A_149], %get3A_146 {strides = array<i32>} : memref<2x32x128xf32, #tpu.memory_space<vmem>>, vector<16xf32>,
      %mul3A_151 = arith.constant 128 : i32
      %mul3A_152 = arith.muli %while3A_91, %mul3A_151 : i32
      %add3A_153 = arith.constant 48 : i32
      %add3A_154 = arith.addi %mul3A_152, %add3A_153 : i32
      %get3A_155 = arith.index_cast %add3A_154 : i32 to index
      %get3A_156 = tpu.vector_load %arg10[%get3A_155] {strides = array<i32>} : memref<4352xi32, #tpu.memory_space<vmem>>, vector<16xi32>,
      %swap3A_157 = arith.index_cast %while3A_75 : i32 to index
      %swap3A_158 = arith.index_cast %while3A_91 : i32 to index
      %swap3A_159 = arith.constant 48 : index
      %swap3A_160 = tpu.vector_load %arg12[%swap3A_157, %swap3A_158, %swap3A_159] {strides = array<i32>} : memref<2x32x128xi32, #tpu.memory_space<vmem>>, vector<16xi32>,
      tpu.vector_store %arg12[%swap3A_157, %swap3A_158, %swap3A_159], %get3A_156 {strides = array<i32>} : memref<2x32x128xi32, #tpu.memory_space<vmem>>, vector<16xi32>,
      %mul3A_161 = arith.constant 128 : i32
      %mul3A_162 = arith.muli %while3A_91, %mul3A_161 : i32
      %add3A_163 = arith.constant 48 : i32
      %add3A_164 = arith.addi %mul3A_162, %add3A_163 : i32
      %get3A_165 = arith.index_cast %add3A_164 : i32 to index
      %get3A_166 = tpu.vector_load %arg11[%get3A_165] {strides = array<i32>} : memref<4352xf32, #tpu.memory_space<vmem>>, vector<16xf32>,
      %swap3A_167 = arith.index_cast %while3A_75 : i32 to index
      %swap3A_168 = arith.index_cast %while3A_91 : i32 to index
      %swap3A_169 = arith.constant 48 : index
      %swap3A_170 = tpu.vector_load %arg13[%swap3A_167, %swap3A_168, %swap3A_169] {strides = array<i32>} : memref<2x32x128xf32, #tpu.memory_space<vmem>>, vector<16xf32>,
      tpu.vector_store %arg13[%swap3A_167, %swap3A_168, %swap3A_169], %get3A_166 {strides = array<i32>} : memref<2x32x128xf32, #tpu.memory_space<vmem>>, vector<16xf32>,
      %mul3A_171 = arith.constant 128 : i32
      %mul3A_172 = arith.muli %while3A_91, %mul3A_171 : i32
      %add3A_173 = arith.constant 64 : i32
      %add3A_174 = arith.addi %mul3A_172, %add3A_173 : i32
      %get3A_175 = arith.index_cast %add3A_174 : i32 to index
      %get3A_176 = tpu.vector_load %arg10[%get3A_175] {strides = array<i32>} : memref<4352xi32, #tpu.memory_space<vmem>>, vector<16xi32>,
      %swap3A_177 = arith.index_cast %while3A_75 : i32 to index
      %swap3A_178 = arith.index_cast %while3A_91 : i32 to index
      %swap3A_179 = arith.constant 64 : index
      %swap3A_180 = tpu.vector_load %arg12[%swap3A_177, %swap3A_178, %swap3A_179] {strides = array<i32>} : memref<2x32x128xi32, #tpu.memory_space<vmem>>, vector<16xi32>,
      tpu.vector_store %arg12[%swap3A_177, %swap3A_178, %swap3A_179], %get3A_176 {strides = array<i32>} : memref<2x32x128xi32, #tpu.memory_space<vmem>>, vector<16xi32>,
      %mul3A_181 = arith.constant 128 : i32
      %mul3A_182 = arith.muli %while3A_91, %mul3A_181 : i32
      %add3A_183 = arith.constant 64 : i32
      %add3A_184 = arith.addi %mul3A_182, %add3A_183 : i32
      %get3A_185 = arith.index_cast %add3A_184 : i32 to index
      %get3A_186 = tpu.vector_load %arg11[%get3A_185] {strides = array<i32>} : memref<4352xf32, #tpu.memory_space<vmem>>, vector<16xf32>,
      %swap3A_187 = arith.index_cast %while3A_75 : i32 to index
      %swap3A_188 = arith.index_cast %while3A_91 : i32 to index
      %swap3A_189 = arith.constant 64 : index
      %swap3A_190 = tpu.vector_load %arg13[%swap3A_187, %swap3A_188, %swap3A_189] {strides = array<i32>} : memref<2x32x128xf32, #tpu.memory_space<vmem>>, vector<16xf32>,
      tpu.vector_store %arg13[%swap3A_187, %swap3A_188, %swap3A_189], %get3A_186 {strides = array<i32>} : memref<2x32x128xf32, #tpu.memory_space<vmem>>, vector<16xf32>,
      %mul3A_191 = arith.constant 128 : i32
      %mul3A_192 = arith.muli %while3A_91, %mul3A_191 : i32
      %add3A_193 = arith.constant 80 : i32
      %add3A_194 = arith.addi %mul3A_192, %add3A_193 : i32
      %get3A_195 = arith.index_cast %add3A_194 : i32 to index
      %get3A_196 = tpu.vector_load %arg10[%get3A_195] {strides = array<i32>} : memref<4352xi32, #tpu.memory_space<vmem>>, vector<16xi32>,
      %swap3A_197 = arith.index_cast %while3A_75 : i32 to index
      %swap3A_198 = arith.index_cast %while3A_91 : i32 to index
      %swap3A_199 = arith.constant 80 : index
      %swap3A_200 = tpu.vector_load %arg12[%swap3A_197, %swap3A_198, %swap3A_199] {strides = array<i32>} : memref<2x32x128xi32, #tpu.memory_space<vmem>>, vector<16xi32>,
      tpu.vector_store %arg12[%swap3A_197, %swap3A_198, %swap3A_199], %get3A_196 {strides = array<i32>} : memref<2x32x128xi32, #tpu.memory_space<vmem>>, vector<16xi32>,
      %mul3A_201 = arith.constant 128 : i32
      %mul3A_202 = arith.muli %while3A_91, %mul3A_201 : i32
      %add3A_203 = arith.constant 80 : i32
      %add3A_204 = arith.addi %mul3A_202, %add3A_203 : i32
      %get3A_205 = arith.index_cast %add3A_204 : i32 to index
      %get3A_206 = tpu.vector_load %arg11[%get3A_205] {strides = array<i32>} : memref<4352xf32, #tpu.memory_space<vmem>>, vector<16xf32>,
      %swap3A_207 = arith.index_cast %while3A_75 : i32 to index
      %swap3A_208 = arith.index_cast %while3A_91 : i32 to index
      %swap3A_209 = arith.constant 80 : index
      %swap3A_210 = tpu.vector_load %arg13[%swap3A_207, %swap3A_208, %swap3A_209] {strides = array<i32>} : memref<2x32x128xf32, #tpu.memory_space<vmem>>, vector<16xf32>,
      tpu.vector_store %arg13[%swap3A_207, %swap3A_208, %swap3A_209], %get3A_206 {strides = array<i32>} : memref<2x32x128xf32, #tpu.memory_space<vmem>>, vector<16xf32>,
      %mul3A_211 = arith.constant 128 : i32
      %mul3A_212 = arith.muli %while3A_91, %mul3A_211 : i32
      %add3A_213 = arith.constant 96 : i32
      %add3A_214 = arith.addi %mul3A_212, %add3A_213 : i32
      %get3A_215 = arith.index_cast %add3A_214 : i32 to index
      %get3A_216 = tpu.vector_load %arg10[%get3A_215] {strides = array<i32>} : memref<4352xi32, #tpu.memory_space<vmem>>, vector<16xi32>,
      %swap3A_217 = arith.index_cast %while3A_75 : i32 to index
      %swap3A_218 = arith.index_cast %while3A_91 : i32 to index
      %swap3A_219 = arith.constant 96 : index
      %swap3A_220 = tpu.vector_load %arg12[%swap3A_217, %swap3A_218, %swap3A_219] {strides = array<i32>} : memref<2x32x128xi32, #tpu.memory_space<vmem>>, vector<16xi32>,
      tpu.vector_store %arg12[%swap3A_217, %swap3A_218, %swap3A_219], %get3A_216 {strides = array<i32>} : memref<2x32x128xi32, #tpu.memory_space<vmem>>, vector<16xi32>,
      %mul3A_221 = arith.constant 128 : i32
      %mul3A_222 = arith.muli %while3A_91, %mul3A_221 : i32
      %add3A_223 = arith.constant 96 : i32
      %add3A_224 = arith.addi %mul3A_222, %add3A_223 : i32
      %get3A_225 = arith.index_cast %add3A_224 : i32 to index
      %get3A_226 = tpu.vector_load %arg11[%get3A_225] {strides = array<i32>} : memref<4352xf32, #tpu.memory_space<vmem>>, vector<16xf32>,
      %swap3A_227 = arith.index_cast %while3A_75 : i32 to index
      %swap3A_228 = arith.index_cast %while3A_91 : i32 to index
      %swap3A_229 = arith.constant 96 : index
      %swap3A_230 = tpu.vector_load %arg13[%swap3A_227, %swap3A_228, %swap3A_229] {strides = array<i32>} : memref<2x32x128xf32, #tpu.memory_space<vmem>>, vector<16xf32>,
      tpu.vector_store %arg13[%swap3A_227, %swap3A_228, %swap3A_229], %get3A_226 {strides = array<i32>} : memref<2x32x128xf32, #tpu.memory_space<vmem>>, vector<16xf32>,
      %mul3A_231 = arith.constant 128 : i32
      %mul3A_232 = arith.muli %while3A_91, %mul3A_231 : i32
      %add3A_233 = arith.constant 112 : i32
      %add3A_234 = arith.addi %mul3A_232, %add3A_233 : i32
      %get3A_235 = arith.index_cast %add3A_234 : i32 to index
      %get3A_236 = tpu.vector_load %arg10[%get3A_235] {strides = array<i32>} : memref<4352xi32, #tpu.memory_space<vmem>>, vector<16xi32>,
      %swap3A_237 = arith.index_cast %while3A_75 : i32 to index
      %swap3A_238 = arith.index_cast %while3A_91 : i32 to index
      %swap3A_239 = arith.constant 112 : index
      %swap3A_240 = tpu.vector_load %arg12[%swap3A_237, %swap3A_238, %swap3A_239] {strides = array<i32>} : memref<2x32x128xi32, #tpu.memory_space<vmem>>, vector<16xi32>,
      tpu.vector_store %arg12[%swap3A_237, %swap3A_238, %swap3A_239], %get3A_236 {strides = array<i32>} : memref<2x32x128xi32, #tpu.memory_space<vmem>>, vector<16xi32>,
      %mul3A_241 = arith.constant 128 : i32
      %mul3A_242 = arith.muli %while3A_91, %mul3A_241 : i32
      %add3A_243 = arith.constant 112 : i32
      %add3A_244 = arith.addi %mul3A_242, %add3A_243 : i32
      %get3A_245 = arith.index_cast %add3A_244 : i32 to index
      %get3A_246 = tpu.vector_load %arg11[%get3A_245] {strides = array<i32>} : memref<4352xf32, #tpu.memory_space<vmem>>, vector<16xf32>,
      %swap3A_247 = arith.index_cast %while3A_75 : i32 to index
      %swap3A_248 = arith.index_cast %while3A_91 : i32 to index
      %swap3A_249 = arith.constant 112 : index
      %swap3A_250 = tpu.vector_load %arg13[%swap3A_247, %swap3A_248, %swap3A_249] {strides = array<i32>} : memref<2x32x128xf32, #tpu.memory_space<vmem>>, vector<16xf32>,
      tpu.vector_store %arg13[%swap3A_247, %swap3A_248, %swap3A_249], %get3A_246 {strides = array<i32>} : memref<2x32x128xf32, #tpu.memory_space<vmem>>, vector<16xf32>,
    }
    %while3A_84 = arith.constant 1 : i32
    scf.for %while3A_91 = %while3A_82 to %while3A_78 step %while3A_84  : i32 {
      %mul3A_92 = arith.constant 128 : i32
      %mul3A_93 = arith.muli %while3A_91, %mul3A_92 : i32
      %add3A_94 = arith.constant 0 : i32
      %add3A_95 = arith.addi %mul3A_93, %add3A_94 : i32
      %get3A = arith.index_cast %add3A_95 : i32 to index
      %get3A_96 = tpu.vector_load %arg10[%get3A] {strides = array<i32>} : memref<4352xi32, #tpu.memory_space<vmem>>, vector<16xi32>,
      %swap3A_97 = arith.index_cast %while3A_75 : i32 to index
      %swap3A_98 = arith.index_cast %while3A_91 : i32 to index
      %swap3A_99 = arith.constant 0 : index
      %swap3A_100 = tpu.vector_load %arg12[%swap3A_97, %swap3A_98, %swap3A_99] {strides = array<i32>} : memref<2x32x128xi32, #tpu.memory_space<vmem>>, vector<16xi32>,
      tpu.vector_store %arg12[%swap3A_97, %swap3A_98, %swap3A_99], %get3A_96 {strides = array<i32>} : memref<2x32x128xi32, #tpu.memory_space<vmem>>, vector<16xi32>,
      %mul3A_101 = arith.constant 128 : i32
      %mul3A_102 = arith.muli %while3A_91, %mul3A_101 : i32
      %add3A_103 = arith.constant 0 : i32
      %add3A_104 = arith.addi %mul3A_102, %add3A_103 : i32
      %get3A_105 = arith.index_cast %add3A_104 : i32 to index
      %get3A_106 = tpu.vector_load %arg11[%get3A_105] {strides = array<i32>} : memref<4352xf32, #tpu.memory_space<vmem>>, vector<16xf32>,
      %swap3A_107 = arith.index_cast %while3A_75 : i32 to index
      %swap3A_108 = arith.index_cast %while3A_91 : i32 to index
      %swap3A_109 = arith.constant 0 : index
      %swap3A_110 = tpu.vector_load %arg13[%swap3A_107, %swap3A_108, %swap3A_109] {strides = array<i32>} : memref<2x32x128xf32, #tpu.memory_space<vmem>>, vector<16xf32>,
      tpu.vector_store %arg13[%swap3A_107, %swap3A_108, %swap3A_109], %get3A_106 {strides = array<i32>} : memref<2x32x128xf32, #tpu.memory_space<vmem>>, vector<16xf32>,
      %mul3A_111 = arith.constant 128 : i32
      %mul3A_112 = arith.muli %while3A_91, %mul3A_111 : i32
      %add3A_113 = arith.constant 16 : i32
      %add3A_114 = arith.addi %mul3A_112, %add3A_113 : i32
      %get3A_115 = arith.index_cast %add3A_114 : i32 to index
      %get3A_116 = tpu.vector_load %arg10[%get3A_115] {strides = array<i32>} : memref<4352xi32, #tpu.memory_space<vmem>>, vector<16xi32>,
      %swap3A_117 = arith.index_cast %while3A_75 : i32 to index
      %swap3A_118 = arith.index_cast %while3A_91 : i32 to index
      %swap3A_119 = arith.constant 16 : index
      %swap3A_120 = tpu.vector_load %arg12[%swap3A_117, %swap3A_118, %swap3A_119] {strides = array<i32>} : memref<2x32x128xi32, #tpu.memory_space<vmem>>, vector<16xi32>,
      tpu.vector_store %arg12[%swap3A_117, %swap3A_118, %swap3A_119], %get3A_116 {strides = array<i32>} : memref<2x32x128xi32, #tpu.memory_space<vmem>>, vector<16xi32>,
      %mul3A_121 = arith.constant 128 : i32
      %mul3A_122 = arith.muli %while3A_91, %mul3A_121 : i32
      %add3A_123 = arith.constant 16 : i32
      %add3A_124 = arith.addi %mul3A_122, %add3A_123 : i32
      %get3A_125 = arith.index_cast %add3A_124 : i32 to index
      %get3A_126 = tpu.vector_load %arg11[%get3A_125] {strides = array<i32>} : memref<4352xf32, #tpu.memory_space<vmem>>, vector<16xf32>,
      %swap3A_127 = arith.index_cast %while3A_75 : i32 to index
      %swap3A_128 = arith.index_cast %while3A_91 : i32 to index
      %swap3A_129 = arith.constant 16 : index
      %swap3A_130 = tpu.vector_load %arg13[%swap3A_127, %swap3A_128, %swap3A_129] {strides = array<i32>} : memref<2x32x128xf32, #tpu.memory_space<vmem>>, vector<16xf32>,
      tpu.vector_store %arg13[%swap3A_127, %swap3A_128, %swap3A_129], %get3A_126 {strides = array<i32>} : memref<2x32x128xf32, #tpu.memory_space<vmem>>, vector<16xf32>,
      %mul3A_131 = arith.constant 128 : i32
      %mul3A_132 = arith.muli %while3A_91, %mul3A_131 : i32
      %add3A_133 = arith.constant 32 : i32
      %add3A_134 = arith.addi %mul3A_132, %add3A_133 : i32
      %get3A_135 = arith.index_cast %add3A_134 : i32 to index
      %get3A_136 = tpu.vector_load %arg10[%get3A_135] {strides = array<i32>} : memref<4352xi32, #tpu.memory_space<vmem>>, vector<16xi32>,
      %swap3A_137 = arith.index_cast %while3A_75 : i32 to index
      %swap3A_138 = arith.index_cast %while3A_91 : i32 to index
      %swap3A_139 = arith.constant 32 : index
      %swap3A_140 = tpu.vector_load %arg12[%swap3A_137, %swap3A_138, %swap3A_139] {strides = array<i32>} : memref<2x32x128xi32, #tpu.memory_space<vmem>>, vector<16xi32>,
      tpu.vector_store %arg12[%swap3A_137, %swap3A_138, %swap3A_139], %get3A_136 {strides = array<i32>} : memref<2x32x128xi32, #tpu.memory_space<vmem>>, vector<16xi32>,
      %mul3A_141 = arith.constant 128 : i32
      %mul3A_142 = arith.muli %while3A_91, %mul3A_141 : i32
      %add3A_143 = arith.constant 32 : i32
      %add3A_144 = arith.addi %mul3A_142, %add3A_143 : i32
      %get3A_145 = arith.index_cast %add3A_144 : i32 to index
      %get3A_146 = tpu.vector_load %arg11[%get3A_145] {strides = array<i32>} : memref<4352xf32, #tpu.memory_space<vmem>>, vector<16xf32>,
      %swap3A_147 = arith.index_cast %while3A_75 : i32 to index
      %swap3A_148 = arith.index_cast %while3A_91 : i32 to index
      %swap3A_149 = arith.constant 32 : index
      %swap3A_150 = tpu.vector_load %arg13[%swap3A_147, %swap3A_148, %swap3A_149] {strides = array<i32>} : memref<2x32x128xf32, #tpu.memory_space<vmem>>, vector<16xf32>,
      tpu.vector_store %arg13[%swap3A_147, %swap3A_148, %swap3A_149], %get3A_146 {strides = array<i32>} : memref<2x32x128xf32, #tpu.memory_space<vmem>>, vector<16xf32>,
      %mul3A_151 = arith.constant 128 : i32
      %mul3A_152 = arith.muli %while3A_91, %mul3A_151 : i32
      %add3A_153 = arith.constant 48 : i32
      %add3A_154 = arith.addi %mul3A_152, %add3A_153 : i32
      %get3A_155 = arith.index_cast %add3A_154 : i32 to index
      %get3A_156 = tpu.vector_load %arg10[%get3A_155] {strides = array<i32>} : memref<4352xi32, #tpu.memory_space<vmem>>, vector<16xi32>,
      %swap3A_157 = arith.index_cast %while3A_75 : i32 to index
      %swap3A_158 = arith.index_cast %while3A_91 : i32 to index
      %swap3A_159 = arith.constant 48 : index
      %swap3A_160 = tpu.vector_load %arg12[%swap3A_157, %swap3A_158, %swap3A_159] {strides = array<i32>} : memref<2x32x128xi32, #tpu.memory_space<vmem>>, vector<16xi32>,
      tpu.vector_store %arg12[%swap3A_157, %swap3A_158, %swap3A_159], %get3A_156 {strides = array<i32>} : memref<2x32x128xi32, #tpu.memory_space<vmem>>, vector<16xi32>,
      %mul3A_161 = arith.constant 128 : i32
      %mul3A_162 = arith.muli %while3A_91, %mul3A_161 : i32
      %add3A_163 = arith.constant 48 : i32
      %add3A_164 = arith.addi %mul3A_162, %add3A_163 : i32
      %get3A_165 = arith.index_cast %add3A_164 : i32 to index
      %get3A_166 = tpu.vector_load %arg11[%get3A_165] {strides = array<i32>} : memref<4352xf32, #tpu.memory_space<vmem>>, vector<16xf32>,
      %swap3A_167 = arith.index_cast %while3A_75 : i32 to index
      %swap3A_168 = arith.index_cast %while3A_91 : i32 to index
      %swap3A_169 = arith.constant 48 : index
      %swap3A_170 = tpu.vector_load %arg13[%swap3A_167, %swap3A_168, %swap3A_169] {strides = array<i32>} : memref<2x32x128xf32, #tpu.memory_space<vmem>>, vector<16xf32>,
      tpu.vector_store %arg13[%swap3A_167, %swap3A_168, %swap3A_169], %get3A_166 {strides = array<i32>} : memref<2x32x128xf32, #tpu.memory_space<vmem>>, vector<16xf32>,
      %mul3A_171 = arith.constant 128 : i32
      %mul3A_172 = arith.muli %while3A_91, %mul3A_171 : i32
      %add3A_173 = arith.constant 64 : i32
      %add3A_174 = arith.addi %mul3A_172, %add3A_173 : i32
      %get3A_175 = arith.index_cast %add3A_174 : i32 to index
      %get3A_176 = tpu.vector_load %arg10[%get3A_175] {strides = array<i32>} : memref<4352xi32, #tpu.memory_space<vmem>>, vector<16xi32>,
      %swap3A_177 = arith.index_cast %while3A_75 : i32 to index
      %swap3A_178 = arith.index_cast %while3A_91 : i32 to index
      %swap3A_179 = arith.constant 64 : index
      %swap3A_180 = tpu.vector_load %arg12[%swap3A_177, %swap3A_178, %swap3A_179] {strides = array<i32>} : memref<2x32x128xi32, #tpu.memory_space<vmem>>, vector<16xi32>,
      tpu.vector_store %arg12[%swap3A_177, %swap3A_178, %swap3A_179], %get3A_176 {strides = array<i32>} : memref<2x32x128xi32, #tpu.memory_space<vmem>>, vector<16xi32>,
      %mul3A_181 = arith.constant 128 : i32
      %mul3A_182 = arith.muli %while3A_91, %mul3A_181 : i32
      %add3A_183 = arith.constant 64 : i32
      %add3A_184 = arith.addi %mul3A_182, %add3A_183 : i32
      %get3A_185 = arith.index_cast %add3A_184 : i32 to index
      %get3A_186 = tpu.vector_load %arg11[%get3A_185] {strides = array<i32>} : memref<4352xf32, #tpu.memory_space<vmem>>, vector<16xf32>,
      %swap3A_187 = arith.index_cast %while3A_75 : i32 to index
      %swap3A_188 = arith.index_cast %while3A_91 : i32 to index
      %swap3A_189 = arith.constant 64 : index
      %swap3A_190 = tpu.vector_load %arg13[%swap3A_187, %swap3A_188, %swap3A_189] {strides = array<i32>} : memref<2x32x128xf32, #tpu.memory_space<vmem>>, vector<16xf32>,
      tpu.vector_store %arg13[%swap3A_187, %swap3A_188, %swap3A_189], %get3A_186 {strides = array<i32>} : memref<2x32x128xf32, #tpu.memory_space<vmem>>, vector<16xf32>,
      %mul3A_191 = arith.constant 128 : i32
      %mul3A_192 = arith.muli %while3A_91, %mul3A_191 : i32
      %add3A_193 = arith.constant 80 : i32
      %add3A_194 = arith.addi %mul3A_192, %add3A_193 : i32
      %get3A_195 = arith.index_cast %add3A_194 : i32 to index
      %get3A_196 = tpu.vector_load %arg10[%get3A_195] {strides = array<i32>} : memref<4352xi32, #tpu.memory_space<vmem>>, vector<16xi32>,
      %swap3A_197 = arith.index_cast %while3A_75 : i32 to index
      %swap3A_198 = arith.index_cast %while3A_91 : i32 to index
      %swap3A_199 = arith.constant 80 : index
      %swap3A_200 = tpu.vector_load %arg12[%swap3A_197, %swap3A_198, %swap3A_199] {strides = array<i32>} : memref<2x32x128xi32, #tpu.memory_space<vmem>>, vector<16xi32>,
      tpu.vector_store %arg12[%swap3A_197, %swap3A_198, %swap3A_199], %get3A_196 {strides = array<i32>} : memref<2x32x128xi32, #tpu.memory_space<vmem>>, vector<16xi32>,
      %mul3A_201 = arith.constant 128 : i32
      %mul3A_202 = arith.muli %while3A_91, %mul3A_201 : i32
      %add3A_203 = arith.constant 80 : i32
      %add3A_204 = arith.addi %mul3A_202, %add3A_203 : i32
      %get3A_205 = arith.index_cast %add3A_204 : i32 to index
      %get3A_206 = tpu.vector_load %arg11[%get3A_205] {strides = array<i32>} : memref<4352xf32, #tpu.memory_space<vmem>>, vector<16xf32>,
      %swap3A_207 = arith.index_cast %while3A_75 : i32 to index
      %swap3A_208 = arith.index_cast %while3A_91 : i32 to index
      %swap3A_209 = arith.constant 80 : index
      %swap3A_210 = tpu.vector_load %arg13[%swap3A_207, %swap3A_208, %swap3A_209] {strides = array<i32>} : memref<2x32x128xf32, #tpu.memory_space<vmem>>, vector<16xf32>,
      tpu.vector_store %arg13[%swap3A_207, %swap3A_208, %swap3A_209], %get3A_206 {strides = array<i32>} : memref<2x32x128xf32, #tpu.memory_space<vmem>>, vector<16xf32>,
      %mul3A_211 = arith.constant 128 : i32
      %mul3A_212 = arith.muli %while3A_91, %mul3A_211 : i32
      %add3A_213 = arith.constant 96 : i32
      %add3A_214 = arith.addi %mul3A_212, %add3A_213 : i32
      %get3A_215 = arith.index_cast %add3A_214 : i32 to index
      %get3A_216 = tpu.vector_load %arg10[%get3A_215] {strides = array<i32>} : memref<4352xi32, #tpu.memory_space<vmem>>, vector<16xi32>,
      %swap3A_217 = arith.index_cast %while3A_75 : i32 to index
      %swap3A_218 = arith.index_cast %while3A_91 : i32 to index
      %swap3A_219 = arith.constant 96 : index
      %swap3A_220 = tpu.vector_load %arg12[%swap3A_217, %swap3A_218, %swap3A_219] {strides = array<i32>} : memref<2x32x128xi32, #tpu.memory_space<vmem>>, vector<16xi32>,
      tpu.vector_store %arg12[%swap3A_217, %swap3A_218, %swap3A_219], %get3A_216 {strides = array<i32>} : memref<2x32x128xi32, #tpu.memory_space<vmem>>, vector<16xi32>,
      %mul3A_221 = arith.constant 128 : i32
      %mul3A_222 = arith.muli %while3A_91, %mul3A_221 : i32
      %add3A_223 = arith.constant 96 : i32
      %add3A_224 = arith.addi %mul3A_222, %add3A_223 : i32
      %get3A_225 = arith.index_cast %add3A_224 : i32 to index
      %get3A_226 = tpu.vector_load %arg11[%get3A_225] {strides = array<i32>} : memref<4352xf32, #tpu.memory_space<vmem>>, vector<16xf32>,
      %swap3A_227 = arith.index_cast %while3A_75 : i32 to index
      %swap3A_228 = arith.index_cast %while3A_91 : i32 to index
      %swap3A_229 = arith.constant 96 : index
      %swap3A_230 = tpu.vector_load %arg13[%swap3A_227, %swap3A_228, %swap3A_229] {strides = array<i32>} : memref<2x32x128xf32, #tpu.memory_space<vmem>>, vector<16xf32>,
      tpu.vector_store %arg13[%swap3A_227, %swap3A_228, %swap3A_229], %get3A_226 {strides = array<i32>} : memref<2x32x128xf32, #tpu.memory_space<vmem>>, vector<16xf32>,
      %mul3A_231 = arith.constant 128 : i32
      %mul3A_232 = arith.muli %while3A_91, %mul3A_231 : i32
      %add3A_233 = arith.constant 112 : i32
      %add3A_234 = arith.addi %mul3A_232, %add3A_233 : i32
      %get3A_235 = arith.index_cast %add3A_234 : i32 to index
      %get3A_236 = tpu.vector_load %arg10[%get3A_235] {strides = array<i32>} : memref<4352xi32, #tpu.memory_space<vmem>>, vector<16xi32>,
      %swap3A_237 = arith.index_cast %while3A_75 : i32 to index
      %swap3A_238 = arith.index_cast %while3A_91 : i32 to index
      %swap3A_239 = arith.constant 112 : index
      %swap3A_240 = tpu.vector_load %arg12[%swap3A_237, %swap3A_238, %swap3A_239] {strides = array<i32>} : memref<2x32x128xi32, #tpu.memory_space<vmem>>, vector<16xi32>,
      tpu.vector_store %arg12[%swap3A_237, %swap3A_238, %swap3A_239], %get3A_236 {strides = array<i32>} : memref<2x32x128xi32, #tpu.memory_space<vmem>>, vector<16xi32>,
      %mul3A_241 = arith.constant 128 : i32
      %mul3A_242 = arith.muli %while3A_91, %mul3A_241 : i32
      %add3A_243 = arith.constant 112 : i32
      %add3A_244 = arith.addi %mul3A_242, %add3A_243 : i32
      %get3A_245 = arith.index_cast %add3A_244 : i32 to index
      %get3A_246 = tpu.vector_load %arg11[%get3A_245] {strides = array<i32>} : memref<4352xf32, #tpu.memory_space<vmem>>, vector<16xf32>,
      %swap3A_247 = arith.index_cast %while3A_75 : i32 to index
      %swap3A_248 = arith.index_cast %while3A_91 : i32 to index
      %swap3A_249 = arith.constant 112 : index
      %swap3A_250 = tpu.vector_load %arg13[%swap3A_247, %swap3A_248, %swap3A_249] {strides = array<i32>} : memref<2x32x128xf32, #tpu.memory_space<vmem>>, vector<16xf32>,
      tpu.vector_store %arg13[%swap3A_247, %swap3A_248, %swap3A_249], %get3A_246 {strides = array<i32>} : memref<2x32x128xf32, #tpu.memory_space<vmem>>, vector<16xf32>,
    }
    %scan3A_85 = arith.constant 0 : i32
    %scan3A_86 = arith.constant 50 : i32
    %scan3A_87 = arith.addi %scan3A_85, %scan3A_86 : i32
    %scan3A_88 = arith.constant 1 : i32
    %scan3A_89 = scf.for %scan3A_91 = %scan3A_85 to %scan3A_87 step %scan3A_88 iter_args(%scan3A_92 = %shift_right_arithmetic3A_46) -> (i32)  : i32 {
      %mul3A_93 = arith.constant 50 : i32
      %mul3A_94 = arith.muli %arg0, %mul3A_93 : i32
      %add3A_95 = arith.addi %mul3A_94, %scan3A_91 : i32
      %and3A_96 = arith.constant 1 : i32
      %and3A_97 = arith.andi %scan3A_91, %and3A_96 : i32
      %while3A_98 = arith.constant 0 : i32
      %while3A_99 = arith.constant 0 : i32
      %while3A_100 = arith.subi %scan3A_92, %while3A_99 : i32
      %while3A_101 = arith.addi %while3A_99, %while3A_100 : i32
      %while3A_102 = arith.constant 1 : i32
      %while3A_103 = arith.divsi %while3A_100, %while3A_102 : i32
      %while3A_104 = arith.muli %while3A_103, %while3A_102 : i32
      %while3A_105 = arith.addi %while3A_99, %while3A_104 : i32
      %while3A_106 = arith.constant 1 : i32
      scf.for %while3A_187 = %while3A_99 to %while3A_105 step %while3A_106  : i32 {
        "tpu.region"() ({
          %run_scoped3A = tpu.sem_alloc : memref<!tpu.dma_semaphore, #tpu.memory_space<semaphore_mem>>
          %dma_start3A_188 = arith.constant 0 : i32
          %dma_start3A_189 = tpu.memref_slice %arg13[%and3A_97, %while3A_187, %dma_start3A_188] : memref<2x32x128xf32, #tpu.memory_space<vmem>> -> memref<1x1x128xf32, #tpu.memory_space<vmem>>
          %dma_start3A_190 = tpu.memref_squeeze %dma_start3A_189 : memref<1x1x128xf32, #tpu.memory_space<vmem>> -> memref<128xf32, #tpu.memory_space<vmem>>
          %dma_start3A_191 = arith.constant 0 : i32
          %dma_start3A_192 = tpu.memref_slice %arg12[%and3A_97, %while3A_187, %dma_start3A_191] : memref<2x32x128xi32, #tpu.memory_space<vmem>> -> memref<1x1x128xi32, #tpu.memory_space<vmem>>
          %dma_start3A_193 = tpu.memref_squeeze %dma_start3A_192 : memref<1x1x128xi32, #tpu.memory_space<vmem>> -> memref<128xi32, #tpu.memory_space<vmem>>
          %dma_start3A_194 = arith.constant 0 : i32
          %dma_start3A_195 = tpu.memref_slice %arg5[%dma_start3A_194] : memref<1024000xf32, #tpu.memory_space<vmem_shared>> -> memref<1024000xf32, #tpu.memory_space<vmem_shared>>
          tpu.enqueue_indirect_dma source(%dma_start3A_190 : memref<128xf32, #tpu.memory_space<vmem>>) target(%dma_start3A_195 : memref<1024000xf32, #tpu.memory_space<vmem_shared>>) offsets(%dma_start3A_193 : memref<128xi32, #tpu.memory_space<vmem>>) semaphore(%run_scoped3A : memref<!tpu.dma_semaphore, #tpu.memory_space<semaphore_mem>>) {add = true}
          %dma_wait3A_196 = arith.constant 0 : i32
          %dma_wait3A_197 = tpu.memref_slice %arg13[%and3A_97, %while3A_187, %dma_wait3A_196] : memref<2x32x128xf32, #tpu.memory_space<vmem>> -> memref<1x1x128xf32, #tpu.memory_space<vmem>>
          %dma_wait3A_198 = tpu.memref_squeeze %dma_wait3A_197 : memref<1x1x128xf32, #tpu.memory_space<vmem>> -> memref<128xf32, #tpu.memory_space<vmem>>
          %dma_wait3A_199 = arith.constant 0 : i32
          %dma_wait3A_200 = tpu.memref_slice %arg12[%and3A_97, %while3A_187, %dma_wait3A_199] : memref<2x32x128xi32, #tpu.memory_space<vmem>> -> memref<1x1x128xi32, #tpu.memory_space<vmem>>
          %dma_wait3A_201 = tpu.memref_squeeze %dma_wait3A_200 : memref<1x1x128xi32, #tpu.memory_space<vmem>> -> memref<128xi32, #tpu.memory_space<vmem>>
          %dma_wait3A_202 = arith.constant 0 : i32
          %dma_wait3A_203 = tpu.memref_slice %arg5[%dma_wait3A_202] : memref<1024000xf32, #tpu.memory_space<vmem_shared>> -> memref<1024000xf32, #tpu.memory_space<vmem_shared>>
          tpu.wait_indirect_dma semaphore(%run_scoped3A : memref<!tpu.dma_semaphore, #tpu.memory_space<semaphore_mem>>) src(%dma_wait3A_198 : memref<128xf32, #tpu.memory_space<vmem>>) dst(%dma_wait3A_203 : memref<1024000xf32, #tpu.memory_space<vmem_shared>>)
          tpu.yield
        }) : () -> ()
      }
      %while3A_107 = arith.constant 1 : i32
      scf.for %while3A_187 = %while3A_105 to %while3A_101 step %while3A_107  : i32 {
        "tpu.region"() ({
          %run_scoped3A = tpu.sem_alloc : memref<!tpu.dma_semaphore, #tpu.memory_space<semaphore_mem>>
          %dma_start3A_188 = arith.constant 0 : i32
          %dma_start3A_189 = tpu.memref_slice %arg13[%and3A_97, %while3A_187, %dma_start3A_188] : memref<2x32x128xf32, #tpu.memory_space<vmem>> -> memref<1x1x128xf32, #tpu.memory_space<vmem>>
          %dma_start3A_190 = tpu.memref_squeeze %dma_start3A_189 : memref<1x1x128xf32, #tpu.memory_space<vmem>> -> memref<128xf32, #tpu.memory_space<vmem>>
          %dma_start3A_191 = arith.constant 0 : i32
          %dma_start3A_192 = tpu.memref_slice %arg12[%and3A_97, %while3A_187, %dma_start3A_191] : memref<2x32x128xi32, #tpu.memory_space<vmem>> -> memref<1x1x128xi32, #tpu.memory_space<vmem>>
          %dma_start3A_193 = tpu.memref_squeeze %dma_start3A_192 : memref<1x1x128xi32, #tpu.memory_space<vmem>> -> memref<128xi32, #tpu.memory_space<vmem>>
          %dma_start3A_194 = arith.constant 0 : i32
          %dma_start3A_195 = tpu.memref_slice %arg5[%dma_start3A_194] : memref<1024000xf32, #tpu.memory_space<vmem_shared>> -> memref<1024000xf32, #tpu.memory_space<vmem_shared>>
          tpu.enqueue_indirect_dma source(%dma_start3A_190 : memref<128xf32, #tpu.memory_space<vmem>>) target(%dma_start3A_195 : memref<1024000xf32, #tpu.memory_space<vmem_shared>>) offsets(%dma_start3A_193 : memref<128xi32, #tpu.memory_space<vmem>>) semaphore(%run_scoped3A : memref<!tpu.dma_semaphore, #tpu.memory_space<semaphore_mem>>) {add = true}
          %dma_wait3A_196 = arith.constant 0 : i32
          %dma_wait3A_197 = tpu.memref_slice %arg13[%and3A_97, %while3A_187, %dma_wait3A_196] : memref<2x32x128xf32, #tpu.memory_space<vmem>> -> memref<1x1x128xf32, #tpu.memory_space<vmem>>
          %dma_wait3A_198 = tpu.memref_squeeze %dma_wait3A_197 : memref<1x1x128xf32, #tpu.memory_space<vmem>> -> memref<128xf32, #tpu.memory_space<vmem>>
          %dma_wait3A_199 = arith.constant 0 : i32
          %dma_wait3A_200 = tpu.memref_slice %arg12[%and3A_97, %while3A_187, %dma_wait3A_199] : memref<2x32x128xi32, #tpu.memory_space<vmem>> -> memref<1x1x128xi32, #tpu.memory_space<vmem>>
          %dma_wait3A_201 = tpu.memref_squeeze %dma_wait3A_200 : memref<1x1x128xi32, #tpu.memory_space<vmem>> -> memref<128xi32, #tpu.memory_space<vmem>>
          %dma_wait3A_202 = arith.constant 0 : i32
          %dma_wait3A_203 = tpu.memref_slice %arg5[%dma_wait3A_202] : memref<1024000xf32, #tpu.memory_space<vmem_shared>> -> memref<1024000xf32, #tpu.memory_space<vmem_shared>>
          tpu.wait_indirect_dma semaphore(%run_scoped3A : memref<!tpu.dma_semaphore, #tpu.memory_space<semaphore_mem>>) src(%dma_wait3A_198 : memref<128xf32, #tpu.memory_space<vmem>>) dst(%dma_wait3A_203 : memref<1024000xf32, #tpu.memory_space<vmem_shared>>)
          tpu.yield
        }) : () -> ()
      }
      %barrier3A = arith.constant 0 : index
      tpu.barrier barrier_id(%barrier3A)
      %mul3A_108 = arith.constant 125 : i32
      %mul3A_109 = arith.muli %add3A_95, %mul3A_108 : i32
      %mul3A_110 = arith.constant 8192 : i32
      %mul3A_111 = arith.muli %min3A_31, %mul3A_110 : i32
      %add3A_112 = arith.addi %mul3A_109, %min3A_31 : i32
      %mul3A_113 = arith.constant 8192 : i32
      %mul3A_114 = arith.muli %add3A_112, %mul3A_113 : i32
      %dma_start3A = tpu.memref_slice %arg4[%mul3A_114] : memref<102400000xf32, #tpu.memory_space<hbm>> -> memref<65536xf32, #tpu.memory_space<hbm>>
      %dma_start3A_115 = tpu.memref_slice %arg5[%mul3A_111] : memref<1024000xf32, #tpu.memory_space<vmem_shared>> -> memref<65536xf32, #tpu.memory_space<vmem_shared>>
      tpu.enqueue_dma source(%dma_start3A_115 : memref<65536xf32, #tpu.memory_space<vmem_shared>>) target(%dma_start3A : memref<65536xf32, #tpu.memory_space<hbm>>) target_semaphore(%arg16 : memref<!tpu.dma_semaphore, #tpu.memory_space<semaphore_mem>>)
      %add3A_116 = arith.constant 1 : i32
      %add3A_117 = arith.addi %add3A_95, %add3A_116 : i32
      %sub3A = arith.constant 1 : i32
      %sub3A_118 = arith.subi %sub3A, %and3A_97 : i32
      %mul3A_119 = arith.constant 125 : i32
      %mul3A_120 = arith.muli %add3A_117, %mul3A_119 : i32
      %mul3A_121 = arith.constant 8192 : i32
      %mul3A_122 = arith.muli %mul3A_120, %mul3A_121 : i32
      %scan3A_123 = arith.constant 0 : i32
      %scan3A_124 = arith.constant 0 : i32
      %scan3A_125 = arith.constant 64 : i32
      %scan3A_126 = arith.addi %scan3A_124, %scan3A_125 : i32
      %scan3A_127 = arith.constant 1 : i32
      %scan3A_128 = scf.for %scan3A_187 = %scan3A_124 to %scan3A_126 step %scan3A_127 iter_args(%scan3A_188 = %scan3A_123) -> (i32)  : i32 {
        %get3A = arith.index_cast %scan3A_187 : i32 to index
        %get3A_189 = arith.constant 0 : index
        %get3A_190 = tpu.vector_load %arg8[%get3A, %get3A_189] {strides = array<i32>} : memref<64x64xi32, #tpu.memory_space<vmem>>, vector<16xi32>,
        %ge3A = vector.broadcast %mul3A_120 : i32 to vector<16xi32>
        %ge3A_191 = arith.cmpi sge, %get3A_190, %ge3A : vector<16xi32>
        %add3A_192 = arith.constant 125 : i32
        %add3A_193 = arith.addi %mul3A_120, %add3A_192 : i32
        %lt3A = vector.broadcast %add3A_193 : i32 to vector<16xi32>
        %lt3A_194 = arith.cmpi slt, %get3A_190, %lt3A : vector<16xi32>
        %and3A_195 = arith.andi %ge3A_191, %lt3A_194 : vector<16xi1>
        %get3A_196 = arith.index_cast %scan3A_187 : i32 to index
        %get3A_197 = arith.constant 0 : index
        %get3A_198 = tpu.vector_load %arg9[%get3A_196, %get3A_197] {strides = array<i32>} : memref<64x64xi32, #tpu.memory_space<vmem>>, vector<16xi32>,
        %sub3A_199 = vector.broadcast %mul3A_122 : i32 to vector<16xi32>
        %sub3A_200 = arith.subi %get3A_198, %sub3A_199 : vector<16xi32>
        %swap3A_201 = arith.index_cast %scan3A_188 : i32 to index
        %swap3A_202 = tpu.vector_load %arg10[%swap3A_201] masked %and3A_195 {strides = array<i32>} : memref<4352xi32, #tpu.memory_space<vmem>>, vector<16xi32>, vector<16xi1>
        tpu.vector_store %arg10[%swap3A_201], %sub3A_200 masked %and3A_195 {strides = array<i32>} : memref<4352xi32, #tpu.memory_space<vmem>>, vector<16xi32>, vector<16xi1>
        %get3A_203 = arith.index_cast %scan3A_187 : i32 to index
        %get3A_204 = arith.constant 0 : index
        %get3A_205 = tpu.vector_load %arg7[%get3A_203, %get3A_204] {strides = array<i32>} : memref<64x64xf32, #tpu.memory_space<vmem>>, vector<16xf32>,
        %swap3A_206 = arith.index_cast %scan3A_188 : i32 to index
        %swap3A_207 = tpu.vector_load %arg11[%swap3A_206] masked %and3A_195 {strides = array<i32>} : memref<4352xf32, #tpu.memory_space<vmem>>, vector<16xf32>, vector<16xi1>
        tpu.vector_store %arg11[%swap3A_206], %get3A_205 masked %and3A_195 {strides = array<i32>} : memref<4352xf32, #tpu.memory_space<vmem>>, vector<16xf32>, vector<16xi1>
        %all_reduce_population_count3A = tpu.all_reduce %and3A_195 {dim = 0 : i64, kind = #tpu.reduction_kind<sum>} : vector<16xi1> -> vector<16xi32>
        %slice3A = vector.extract_strided_slice %all_reduce_population_count3A {offsets = [0], sizes = [1], strides = [1]} : vector<16xi32> to vector<1xi32>
        %squeeze3A = vector.extract %slice3A[0] : i32 from vector<1xi32>
        %add3A_208 = arith.addi %scan3A_188, %squeeze3A : i32
        %get3A_209 = arith.index_cast %scan3A_187 : i32 to index
        %get3A_210 = arith.constant 16 : index
        %get3A_211 = tpu.vector_load %arg8[%get3A_209, %get3A_210] {strides = array<i32>} : memref<64x64xi32, #tpu.memory_space<vmem>>, vector<16xi32>,
        %ge3A_212 = vector.broadcast %mul3A_120 : i32 to vector<16xi32>
        %ge3A_213 = arith.cmpi sge, %get3A_211, %ge3A_212 : vector<16xi32>
        %add3A_214 = arith.constant 125 : i32
        %add3A_215 = arith.addi %mul3A_120, %add3A_214 : i32
        %lt3A_216 = vector.broadcast %add3A_215 : i32 to vector<16xi32>
        %lt3A_217 = arith.cmpi slt, %get3A_211, %lt3A_216 : vector<16xi32>
        %and3A_218 = arith.andi %ge3A_213, %lt3A_217 : vector<16xi1>
        %get3A_219 = arith.index_cast %scan3A_187 : i32 to index
        %get3A_220 = arith.constant 16 : index
        %get3A_221 = tpu.vector_load %arg9[%get3A_219, %get3A_220] {strides = array<i32>} : memref<64x64xi32, #tpu.memory_space<vmem>>, vector<16xi32>,
        %sub3A_222 = vector.broadcast %mul3A_122 : i32 to vector<16xi32>
        %sub3A_223 = arith.subi %get3A_221, %sub3A_222 : vector<16xi32>
        %swap3A_224 = arith.index_cast %add3A_208 : i32 to index
        %swap3A_225 = tpu.vector_load %arg10[%swap3A_224] masked %and3A_218 {strides = array<i32>} : memref<4352xi32, #tpu.memory_space<vmem>>, vector<16xi32>, vector<16xi1>
        tpu.vector_store %arg10[%swap3A_224], %sub3A_223 masked %and3A_218 {strides = array<i32>} : memref<4352xi32, #tpu.memory_space<vmem>>, vector<16xi32>, vector<16xi1>
        %get3A_226 = arith.index_cast %scan3A_187 : i32 to index
        %get3A_227 = arith.constant 16 : index
        %get3A_228 = tpu.vector_load %arg7[%get3A_226, %get3A_227] {strides = array<i32>} : memref<64x64xf32, #tpu.memory_space<vmem>>, vector<16xf32>,
        %swap3A_229 = arith.index_cast %add3A_208 : i32 to index
        %swap3A_230 = tpu.vector_load %arg11[%swap3A_229] masked %and3A_218 {strides = array<i32>} : memref<4352xf32, #tpu.memory_space<vmem>>, vector<16xf32>, vector<16xi1>
        tpu.vector_store %arg11[%swap3A_229], %get3A_228 masked %and3A_218 {strides = array<i32>} : memref<4352xf32, #tpu.memory_space<vmem>>, vector<16xf32>, vector<16xi1>
        %all_reduce_population_count3A_231 = tpu.all_reduce %and3A_218 {dim = 0 : i64, kind = #tpu.reduction_kind<sum>} : vector<16xi1> -> vector<16xi32>
        %slice3A_232 = vector.extract_strided_slice %all_reduce_population_count3A_231 {offsets = [0], sizes = [1], strides = [1]} : vector<16xi32> to vector<1xi32>
        %squeeze3A_233 = vector.extract %slice3A_232[0] : i32 from vector<1xi32>
        %add3A_234 = arith.addi %add3A_208, %squeeze3A_233 : i32
        %get3A_235 = arith.index_cast %scan3A_187 : i32 to index
        %get3A_236 = arith.constant 32 : index
        %get3A_237 = tpu.vector_load %arg8[%get3A_235, %get3A_236] {strides = array<i32>} : memref<64x64xi32, #tpu.memory_space<vmem>>, vector<16xi32>,
        %ge3A_238 = vector.broadcast %mul3A_120 : i32 to vector<16xi32>
        %ge3A_239 = arith.cmpi sge, %get3A_237, %ge3A_238 : vector<16xi32>
        %add3A_240 = arith.constant 125 : i32
        %add3A_241 = arith.addi %mul3A_120, %add3A_240 : i32
        %lt3A_242 = vector.broadcast %add3A_241 : i32 to vector<16xi32>
        %lt3A_243 = arith.cmpi slt, %get3A_237, %lt3A_242 : vector<16xi32>
        %and3A_244 = arith.andi %ge3A_239, %lt3A_243 : vector<16xi1>
        %get3A_245 = arith.index_cast %scan3A_187 : i32 to index
        %get3A_246 = arith.constant 32 : index
        %get3A_247 = tpu.vector_load %arg9[%get3A_245, %get3A_246] {strides = array<i32>} : memref<64x64xi32, #tpu.memory_space<vmem>>, vector<16xi32>,
        %sub3A_248 = vector.broadcast %mul3A_122 : i32 to vector<16xi32>
        %sub3A_249 = arith.subi %get3A_247, %sub3A_248 : vector<16xi32>
        %swap3A_250 = arith.index_cast %add3A_234 : i32 to index
        %swap3A_251 = tpu.vector_load %arg10[%swap3A_250] masked %and3A_244 {strides = array<i32>} : memref<4352xi32, #tpu.memory_space<vmem>>, vector<16xi32>, vector<16xi1>
        tpu.vector_store %arg10[%swap3A_250], %sub3A_249 masked %and3A_244 {strides = array<i32>} : memref<4352xi32, #tpu.memory_space<vmem>>, vector<16xi32>, vector<16xi1>
        %get3A_252 = arith.index_cast %scan3A_187 : i32 to index
        %get3A_253 = arith.constant 32 : index
        %get3A_254 = tpu.vector_load %arg7[%get3A_252, %get3A_253] {strides = array<i32>} : memref<64x64xf32, #tpu.memory_space<vmem>>, vector<16xf32>,
        %swap3A_255 = arith.index_cast %add3A_234 : i32 to index
        %swap3A_256 = tpu.vector_load %arg11[%swap3A_255] masked %and3A_244 {strides = array<i32>} : memref<4352xf32, #tpu.memory_space<vmem>>, vector<16xf32>, vector<16xi1>
        tpu.vector_store %arg11[%swap3A_255], %get3A_254 masked %and3A_244 {strides = array<i32>} : memref<4352xf32, #tpu.memory_space<vmem>>, vector<16xf32>, vector<16xi1>
        %all_reduce_population_count3A_257 = tpu.all_reduce %and3A_244 {dim = 0 : i64, kind = #tpu.reduction_kind<sum>} : vector<16xi1> -> vector<16xi32>
        %slice3A_258 = vector.extract_strided_slice %all_reduce_population_count3A_257 {offsets = [0], sizes = [1], strides = [1]} : vector<16xi32> to vector<1xi32>
        %squeeze3A_259 = vector.extract %slice3A_258[0] : i32 from vector<1xi32>
        %add3A_260 = arith.addi %add3A_234, %squeeze3A_259 : i32
        %get3A_261 = arith.index_cast %scan3A_187 : i32 to index
        %get3A_262 = arith.constant 48 : index
        %get3A_263 = tpu.vector_load %arg8[%get3A_261, %get3A_262] {strides = array<i32>} : memref<64x64xi32, #tpu.memory_space<vmem>>, vector<16xi32>,
        %ge3A_264 = vector.broadcast %mul3A_120 : i32 to vector<16xi32>
        %ge3A_265 = arith.cmpi sge, %get3A_263, %ge3A_264 : vector<16xi32>
        %add3A_266 = arith.constant 125 : i32
        %add3A_267 = arith.addi %mul3A_120, %add3A_266 : i32
        %lt3A_268 = vector.broadcast %add3A_267 : i32 to vector<16xi32>
        %lt3A_269 = arith.cmpi slt, %get3A_263, %lt3A_268 : vector<16xi32>
        %and3A_270 = arith.andi %ge3A_265, %lt3A_269 : vector<16xi1>
        %get3A_271 = arith.index_cast %scan3A_187 : i32 to index
        %get3A_272 = arith.constant 48 : index
        %get3A_273 = tpu.vector_load %arg9[%get3A_271, %get3A_272] {strides = array<i32>} : memref<64x64xi32, #tpu.memory_space<vmem>>, vector<16xi32>,
        %sub3A_274 = vector.broadcast %mul3A_122 : i32 to vector<16xi32>
        %sub3A_275 = arith.subi %get3A_273, %sub3A_274 : vector<16xi32>
        %swap3A_276 = arith.index_cast %add3A_260 : i32 to index
        %swap3A_277 = tpu.vector_load %arg10[%swap3A_276] masked %and3A_270 {strides = array<i32>} : memref<4352xi32, #tpu.memory_space<vmem>>, vector<16xi32>, vector<16xi1>
        tpu.vector_store %arg10[%swap3A_276], %sub3A_275 masked %and3A_270 {strides = array<i32>} : memref<4352xi32, #tpu.memory_space<vmem>>, vector<16xi32>, vector<16xi1>
        %get3A_278 = arith.index_cast %scan3A_187 : i32 to index
        %get3A_279 = arith.constant 48 : index
        %get3A_280 = tpu.vector_load %arg7[%get3A_278, %get3A_279] {strides = array<i32>} : memref<64x64xf32, #tpu.memory_space<vmem>>, vector<16xf32>,
        %swap3A_281 = arith.index_cast %add3A_260 : i32 to index
        %swap3A_282 = tpu.vector_load %arg11[%swap3A_281] masked %and3A_270 {strides = array<i32>} : memref<4352xf32, #tpu.memory_space<vmem>>, vector<16xf32>, vector<16xi1>
        tpu.vector_store %arg11[%swap3A_281], %get3A_280 masked %and3A_270 {strides = array<i32>} : memref<4352xf32, #tpu.memory_space<vmem>>, vector<16xf32>, vector<16xi1>
        %all_reduce_population_count3A_283 = tpu.all_reduce %and3A_270 {dim = 0 : i64, kind = #tpu.reduction_kind<sum>} : vector<16xi1> -> vector<16xi32>
        %slice3A_284 = vector.extract_strided_slice %all_reduce_population_count3A_283 {offsets = [0], sizes = [1], strides = [1]} : vector<16xi32> to vector<1xi32>
        %squeeze3A_285 = vector.extract %slice3A_284[0] : i32 from vector<1xi32>
        %add3A_286 = arith.addi %add3A_260, %squeeze3A_285 : i32
        scf.yield %add3A_286 : i32
      }
      %scan3A_129 = arith.constant 64 : i32
      %add3A_130 = arith.constant 127 : i32
      %add3A_131 = arith.addi %scan3A_128, %add3A_130 : i32
      %shift_right_arithmetic3A_132 = arith.constant 7 : i32
      %shift_right_arithmetic3A_133 = arith.shrsi %add3A_131, %shift_right_arithmetic3A_132 : i32
      %mul3A_134 = arith.constant 64 : i32
      %mul3A_135 = arith.muli %arg1, %mul3A_134 : i32
      %shift_right_arithmetic3A_136 = arith.constant 7 : i32
      %shift_right_arithmetic3A_137 = arith.shrsi %mul3A_135, %shift_right_arithmetic3A_136 : i32
      %mul3A_138 = arith.constant 1024 : i32
      %mul3A_139 = arith.muli %shift_right_arithmetic3A_137, %mul3A_138 : i32
      %and3A_140 = arith.constant 127 : i32
      %and3A_141 = arith.andi %mul3A_135, %and3A_140 : i32
      %add3A_142 = arith.addi %mul3A_139, %and3A_141 : i32
      %add3A_143 = vector.broadcast %add3A_142 : i32 to vector<16xi32>
      %add3A_144 = arith.addi %broadcast_in_dim3A_2, %add3A_143 : vector<16xi32>
      %swap3A_145 = arith.index_cast %scan3A_128 : i32 to index
      %swap3A_146 = tpu.vector_load %arg10[%swap3A_145] {strides = array<i32>} : memref<4352xi32, #tpu.memory_space<vmem>>, vector<16xi32>,
      tpu.vector_store %arg10[%swap3A_145], %add3A_144 {strides = array<i32>} : memref<4352xi32, #tpu.memory_space<vmem>>, vector<16xi32>,
      %swap3A_147 = arith.index_cast %scan3A_128 : i32 to index
      %swap3A_148 = tpu.vector_load %arg11[%swap3A_147] {strides = array<i32>} : memref<4352xf32, #tpu.memory_space<vmem>>, vector<16xf32>,
      tpu.vector_store %arg11[%swap3A_147], %broadcast_in_dim3A_0 {strides = array<i32>} : memref<4352xf32, #tpu.memory_space<vmem>>, vector<16xf32>,
      %add3A_149 = arith.constant 15 : i32
      %add3A_150 = arith.addi %scan3A_128, %add3A_149 : i32
      %shift_right_arithmetic3A_151 = arith.constant 4 : i32
      %shift_right_arithmetic3A_152 = arith.shrsi %add3A_150, %shift_right_arithmetic3A_151 : i32
      %mul3A_153 = arith.constant 16 : i32
      %mul3A_154 = arith.muli %shift_right_arithmetic3A_133, %mul3A_153 : i32
      %while3A_155 = arith.constant 0 : i32
      %while3A_156 = arith.subi %mul3A_154, %shift_right_arithmetic3A_152 : i32
      %while3A_157 = arith.addi %shift_right_arithmetic3A_152, %while3A_156 : i32
      %while3A_158 = arith.constant 1 : i32
      %while3A_159 = arith.divsi %while3A_156, %while3A_158 : i32
      %while3A_160 = arith.muli %while3A_159, %while3A_158 : i32
      %while3A_161 = arith.addi %shift_right_arithmetic3A_152, %while3A_160 : i32
      %while3A_162 = arith.constant 1 : i32
      scf.for %while3A_187 = %shift_right_arithmetic3A_152 to %while3A_161 step %while3A_162  : i32 {
        %mul3A_188 = arith.constant 16 : i32
        %mul3A_189 = arith.muli %while3A_187, %mul3A_188 : i32
        %swap3A_190 = arith.index_cast %mul3A_189 : i32 to index
        %swap3A_191 = tpu.vector_load %arg10[%swap3A_190] {strides = array<i32>} : memref<4352xi32, #tpu.memory_space<vmem>>, vector<16xi32>,
        tpu.vector_store %arg10[%swap3A_190], %add3A_144 {strides = array<i32>} : memref<4352xi32, #tpu.memory_space<vmem>>, vector<16xi32>,
        %mul3A_192 = arith.constant 16 : i32
        %mul3A_193 = arith.muli %while3A_187, %mul3A_192 : i32
        %swap3A_194 = arith.index_cast %mul3A_193 : i32 to index
        %swap3A_195 = tpu.vector_load %arg11[%swap3A_194] {strides = array<i32>} : memref<4352xf32, #tpu.memory_space<vmem>>, vector<16xf32>,
        tpu.vector_store %arg11[%swap3A_194], %broadcast_in_dim3A_0 {strides = array<i32>} : memref<4352xf32, #tpu.memory_space<vmem>>, vector<16xf32>,
      }
      %while3A_163 = arith.constant 1 : i32
      scf.for %while3A_187 = %while3A_161 to %while3A_157 step %while3A_163  : i32 {
        %mul3A_188 = arith.constant 16 : i32
        %mul3A_189 = arith.muli %while3A_187, %mul3A_188 : i32
        %swap3A_190 = arith.index_cast %mul3A_189 : i32 to index
        %swap3A_191 = tpu.vector_load %arg10[%swap3A_190] {strides = array<i32>} : memref<4352xi32, #tpu.memory_space<vmem>>, vector<16xi32>,
        tpu.vector_store %arg10[%swap3A_190], %add3A_144 {strides = array<i32>} : memref<4352xi32, #tpu.memory_space<vmem>>, vector<16xi32>,
        %mul3A_192 = arith.constant 16 : i32
        %mul3A_193 = arith.muli %while3A_187, %mul3A_192 : i32
        %swap3A_194 = arith.index_cast %mul3A_193 : i32 to index
        %swap3A_195 = tpu.vector_load %arg11[%swap3A_194] {strides = array<i32>} : memref<4352xf32, #tpu.memory_space<vmem>>, vector<16xf32>,
        tpu.vector_store %arg11[%swap3A_194], %broadcast_in_dim3A_0 {strides = array<i32>} : memref<4352xf32, #tpu.memory_space<vmem>>, vector<16xf32>,
      }
      %while3A_164 = arith.constant 0 : i32
      %while3A_165 = arith.constant 0 : i32
      %while3A_166 = arith.subi %shift_right_arithmetic3A_133, %while3A_165 : i32
      %while3A_167 = arith.addi %while3A_165, %while3A_166 : i32
      %while3A_168 = arith.constant 1 : i32
      %while3A_169 = arith.divsi %while3A_166, %while3A_168 : i32
      %while3A_170 = arith.muli %while3A_169, %while3A_168 : i32
      %while3A_171 = arith.addi %while3A_165, %while3A_170 : i32
      %while3A_172 = arith.constant 1 : i32
      scf.for %while3A_187 = %while3A_165 to %while3A_171 step %while3A_172  : i32 {
        %mul3A_188 = arith.constant 128 : i32
        %mul3A_189 = arith.muli %while3A_187, %mul3A_188 : i32
        %add3A_190 = arith.constant 0 : i32
        %add3A_191 = arith.addi %mul3A_189, %add3A_190 : i32
        %get3A = arith.index_cast %add3A_191 : i32 to index
        %get3A_192 = tpu.vector_load %arg10[%get3A] {strides = array<i32>} : memref<4352xi32, #tpu.memory_space<vmem>>, vector<16xi32>,
        %swap3A_193 = arith.index_cast %sub3A_118 : i32 to index
        %swap3A_194 = arith.index_cast %while3A_187 : i32 to index
        %swap3A_195 = arith.constant 0 : index
        %swap3A_196 = tpu.vector_load %arg12[%swap3A_193, %swap3A_194, %swap3A_195] {strides = array<i32>} : memref<2x32x128xi32, #tpu.memory_space<vmem>>, vector<16xi32>,
        tpu.vector_store %arg12[%swap3A_193, %swap3A_194, %swap3A_195], %get3A_192 {strides = array<i32>} : memref<2x32x128xi32, #tpu.memory_space<vmem>>, vector<16xi32>,
        %mul3A_197 = arith.constant 128 : i32
        %mul3A_198 = arith.muli %while3A_187, %mul3A_197 : i32
        %add3A_199 = arith.constant 0 : i32
        %add3A_200 = arith.addi %mul3A_198, %add3A_199 : i32
        %get3A_201 = arith.index_cast %add3A_200 : i32 to index
        %get3A_202 = tpu.vector_load %arg11[%get3A_201] {strides = array<i32>} : memref<4352xf32, #tpu.memory_space<vmem>>, vector<16xf32>,
        %swap3A_203 = arith.index_cast %sub3A_118 : i32 to index
        %swap3A_204 = arith.index_cast %while3A_187 : i32 to index
        %swap3A_205 = arith.constant 0 : index
        %swap3A_206 = tpu.vector_load %arg13[%swap3A_203, %swap3A_204, %swap3A_205] {strides = array<i32>} : memref<2x32x128xf32, #tpu.memory_space<vmem>>, vector<16xf32>,
        tpu.vector_store %arg13[%swap3A_203, %swap3A_204, %swap3A_205], %get3A_202 {strides = array<i32>} : memref<2x32x128xf32, #tpu.memory_space<vmem>>, vector<16xf32>,
        %mul3A_207 = arith.constant 128 : i32
        %mul3A_208 = arith.muli %while3A_187, %mul3A_207 : i32
        %add3A_209 = arith.constant 16 : i32
        %add3A_210 = arith.addi %mul3A_208, %add3A_209 : i32
        %get3A_211 = arith.index_cast %add3A_210 : i32 to index
        %get3A_212 = tpu.vector_load %arg10[%get3A_211] {strides = array<i32>} : memref<4352xi32, #tpu.memory_space<vmem>>, vector<16xi32>,
        %swap3A_213 = arith.index_cast %sub3A_118 : i32 to index
        %swap3A_214 = arith.index_cast %while3A_187 : i32 to index
        %swap3A_215 = arith.constant 16 : index
        %swap3A_216 = tpu.vector_load %arg12[%swap3A_213, %swap3A_214, %swap3A_215] {strides = array<i32>} : memref<2x32x128xi32, #tpu.memory_space<vmem>>, vector<16xi32>,
        tpu.vector_store %arg12[%swap3A_213, %swap3A_214, %swap3A_215], %get3A_212 {strides = array<i32>} : memref<2x32x128xi32, #tpu.memory_space<vmem>>, vector<16xi32>,
        %mul3A_217 = arith.constant 128 : i32
        %mul3A_218 = arith.muli %while3A_187, %mul3A_217 : i32
        %add3A_219 = arith.constant 16 : i32
        %add3A_220 = arith.addi %mul3A_218, %add3A_219 : i32
        %get3A_221 = arith.index_cast %add3A_220 : i32 to index
        %get3A_222 = tpu.vector_load %arg11[%get3A_221] {strides = array<i32>} : memref<4352xf32, #tpu.memory_space<vmem>>, vector<16xf32>,
        %swap3A_223 = arith.index_cast %sub3A_118 : i32 to index
        %swap3A_224 = arith.index_cast %while3A_187 : i32 to index
        %swap3A_225 = arith.constant 16 : index
        %swap3A_226 = tpu.vector_load %arg13[%swap3A_223, %swap3A_224, %swap3A_225] {strides = array<i32>} : memref<2x32x128xf32, #tpu.memory_space<vmem>>, vector<16xf32>,
        tpu.vector_store %arg13[%swap3A_223, %swap3A_224, %swap3A_225], %get3A_222 {strides = array<i32>} : memref<2x32x128xf32, #tpu.memory_space<vmem>>, vector<16xf32>,
        %mul3A_227 = arith.constant 128 : i32
        %mul3A_228 = arith.muli %while3A_187, %mul3A_227 : i32
        %add3A_229 = arith.constant 32 : i32
        %add3A_230 = arith.addi %mul3A_228, %add3A_229 : i32
        %get3A_231 = arith.index_cast %add3A_230 : i32 to index
        %get3A_232 = tpu.vector_load %arg10[%get3A_231] {strides = array<i32>} : memref<4352xi32, #tpu.memory_space<vmem>>, vector<16xi32>,
        %swap3A_233 = arith.index_cast %sub3A_118 : i32 to index
        %swap3A_234 = arith.index_cast %while3A_187 : i32 to index
        %swap3A_235 = arith.constant 32 : index
        %swap3A_236 = tpu.vector_load %arg12[%swap3A_233, %swap3A_234, %swap3A_235] {strides = array<i32>} : memref<2x32x128xi32, #tpu.memory_space<vmem>>, vector<16xi32>,
        tpu.vector_store %arg12[%swap3A_233, %swap3A_234, %swap3A_235], %get3A_232 {strides = array<i32>} : memref<2x32x128xi32, #tpu.memory_space<vmem>>, vector<16xi32>,
        %mul3A_237 = arith.constant 128 : i32
        %mul3A_238 = arith.muli %while3A_187, %mul3A_237 : i32
        %add3A_239 = arith.constant 32 : i32
        %add3A_240 = arith.addi %mul3A_238, %add3A_239 : i32
        %get3A_241 = arith.index_cast %add3A_240 : i32 to index
        %get3A_242 = tpu.vector_load %arg11[%get3A_241] {strides = array<i32>} : memref<4352xf32, #tpu.memory_space<vmem>>, vector<16xf32>,
        %swap3A_243 = arith.index_cast %sub3A_118 : i32 to index
        %swap3A_244 = arith.index_cast %while3A_187 : i32 to index
        %swap3A_245 = arith.constant 32 : index
        %swap3A_246 = tpu.vector_load %arg13[%swap3A_243, %swap3A_244, %swap3A_245] {strides = array<i32>} : memref<2x32x128xf32, #tpu.memory_space<vmem>>, vector<16xf32>,
        tpu.vector_store %arg13[%swap3A_243, %swap3A_244, %swap3A_245], %get3A_242 {strides = array<i32>} : memref<2x32x128xf32, #tpu.memory_space<vmem>>, vector<16xf32>,
        %mul3A_247 = arith.constant 128 : i32
        %mul3A_248 = arith.muli %while3A_187, %mul3A_247 : i32
        %add3A_249 = arith.constant 48 : i32
        %add3A_250 = arith.addi %mul3A_248, %add3A_249 : i32
        %get3A_251 = arith.index_cast %add3A_250 : i32 to index
        %get3A_252 = tpu.vector_load %arg10[%get3A_251] {strides = array<i32>} : memref<4352xi32, #tpu.memory_space<vmem>>, vector<16xi32>,
        %swap3A_253 = arith.index_cast %sub3A_118 : i32 to index
        %swap3A_254 = arith.index_cast %while3A_187 : i32 to index
        %swap3A_255 = arith.constant 48 : index
        %swap3A_256 = tpu.vector_load %arg12[%swap3A_253, %swap3A_254, %swap3A_255] {strides = array<i32>} : memref<2x32x128xi32, #tpu.memory_space<vmem>>, vector<16xi32>,
        tpu.vector_store %arg12[%swap3A_253, %swap3A_254, %swap3A_255], %get3A_252 {strides = array<i32>} : memref<2x32x128xi32, #tpu.memory_space<vmem>>, vector<16xi32>,
        %mul3A_257 = arith.constant 128 : i32
        %mul3A_258 = arith.muli %while3A_187, %mul3A_257 : i32
        %add3A_259 = arith.constant 48 : i32
        %add3A_260 = arith.addi %mul3A_258, %add3A_259 : i32
        %get3A_261 = arith.index_cast %add3A_260 : i32 to index
        %get3A_262 = tpu.vector_load %arg11[%get3A_261] {strides = array<i32>} : memref<4352xf32, #tpu.memory_space<vmem>>, vector<16xf32>,
        %swap3A_263 = arith.index_cast %sub3A_118 : i32 to index
        %swap3A_264 = arith.index_cast %while3A_187 : i32 to index
        %swap3A_265 = arith.constant 48 : index
        %swap3A_266 = tpu.vector_load %arg13[%swap3A_263, %swap3A_264, %swap3A_265] {strides = array<i32>} : memref<2x32x128xf32, #tpu.memory_space<vmem>>, vector<16xf32>,
        tpu.vector_store %arg13[%swap3A_263, %swap3A_264, %swap3A_265], %get3A_262 {strides = array<i32>} : memref<2x32x128xf32, #tpu.memory_space<vmem>>, vector<16xf32>,
        %mul3A_267 = arith.constant 128 : i32
        %mul3A_268 = arith.muli %while3A_187, %mul3A_267 : i32
        %add3A_269 = arith.constant 64 : i32
        %add3A_270 = arith.addi %mul3A_268, %add3A_269 : i32
        %get3A_271 = arith.index_cast %add3A_270 : i32 to index
        %get3A_272 = tpu.vector_load %arg10[%get3A_271] {strides = array<i32>} : memref<4352xi32, #tpu.memory_space<vmem>>, vector<16xi32>,
        %swap3A_273 = arith.index_cast %sub3A_118 : i32 to index
        %swap3A_274 = arith.index_cast %while3A_187 : i32 to index
        %swap3A_275 = arith.constant 64 : index
        %swap3A_276 = tpu.vector_load %arg12[%swap3A_273, %swap3A_274, %swap3A_275] {strides = array<i32>} : memref<2x32x128xi32, #tpu.memory_space<vmem>>, vector<16xi32>,
        tpu.vector_store %arg12[%swap3A_273, %swap3A_274, %swap3A_275], %get3A_272 {strides = array<i32>} : memref<2x32x128xi32, #tpu.memory_space<vmem>>, vector<16xi32>,
        %mul3A_277 = arith.constant 128 : i32
        %mul3A_278 = arith.muli %while3A_187, %mul3A_277 : i32
        %add3A_279 = arith.constant 64 : i32
        %add3A_280 = arith.addi %mul3A_278, %add3A_279 : i32
        %get3A_281 = arith.index_cast %add3A_280 : i32 to index
        %get3A_282 = tpu.vector_load %arg11[%get3A_281] {strides = array<i32>} : memref<4352xf32, #tpu.memory_space<vmem>>, vector<16xf32>,
        %swap3A_283 = arith.index_cast %sub3A_118 : i32 to index
        %swap3A_284 = arith.index_cast %while3A_187 : i32 to index
        %swap3A_285 = arith.constant 64 : index
        %swap3A_286 = tpu.vector_load %arg13[%swap3A_283, %swap3A_284, %swap3A_285] {strides = array<i32>} : memref<2x32x128xf32, #tpu.memory_space<vmem>>, vector<16xf32>,
        tpu.vector_store %arg13[%swap3A_283, %swap3A_284, %swap3A_285], %get3A_282 {strides = array<i32>} : memref<2x32x128xf32, #tpu.memory_space<vmem>>, vector<16xf32>,
        %mul3A_287 = arith.constant 128 : i32
        %mul3A_288 = arith.muli %while3A_187, %mul3A_287 : i32
        %add3A_289 = arith.constant 80 : i32
        %add3A_290 = arith.addi %mul3A_288, %add3A_289 : i32
        %get3A_291 = arith.index_cast %add3A_290 : i32 to index
        %get3A_292 = tpu.vector_load %arg10[%get3A_291] {strides = array<i32>} : memref<4352xi32, #tpu.memory_space<vmem>>, vector<16xi32>,
        %swap3A_293 = arith.index_cast %sub3A_118 : i32 to index
        %swap3A_294 = arith.index_cast %while3A_187 : i32 to index
        %swap3A_295 = arith.constant 80 : index
        %swap3A_296 = tpu.vector_load %arg12[%swap3A_293, %swap3A_294, %swap3A_295] {strides = array<i32>} : memref<2x32x128xi32, #tpu.memory_space<vmem>>, vector<16xi32>,
        tpu.vector_store %arg12[%swap3A_293, %swap3A_294, %swap3A_295], %get3A_292 {strides = array<i32>} : memref<2x32x128xi32, #tpu.memory_space<vmem>>, vector<16xi32>,
        %mul3A_297 = arith.constant 128 : i32
        %mul3A_298 = arith.muli %while3A_187, %mul3A_297 : i32
        %add3A_299 = arith.constant 80 : i32
        %add3A_300 = arith.addi %mul3A_298, %add3A_299 : i32
        %get3A_301 = arith.index_cast %add3A_300 : i32 to index
        %get3A_302 = tpu.vector_load %arg11[%get3A_301] {strides = array<i32>} : memref<4352xf32, #tpu.memory_space<vmem>>, vector<16xf32>,
        %swap3A_303 = arith.index_cast %sub3A_118 : i32 to index
        %swap3A_304 = arith.index_cast %while3A_187 : i32 to index
        %swap3A_305 = arith.constant 80 : index
        %swap3A_306 = tpu.vector_load %arg13[%swap3A_303, %swap3A_304, %swap3A_305] {strides = array<i32>} : memref<2x32x128xf32, #tpu.memory_space<vmem>>, vector<16xf32>,
        tpu.vector_store %arg13[%swap3A_303, %swap3A_304, %swap3A_305], %get3A_302 {strides = array<i32>} : memref<2x32x128xf32, #tpu.memory_space<vmem>>, vector<16xf32>,
        %mul3A_307 = arith.constant 128 : i32
        %mul3A_308 = arith.muli %while3A_187, %mul3A_307 : i32
        %add3A_309 = arith.constant 96 : i32
        %add3A_310 = arith.addi %mul3A_308, %add3A_309 : i32
        %get3A_311 = arith.index_cast %add3A_310 : i32 to index
        %get3A_312 = tpu.vector_load %arg10[%get3A_311] {strides = array<i32>} : memref<4352xi32, #tpu.memory_space<vmem>>, vector<16xi32>,
        %swap3A_313 = arith.index_cast %sub3A_118 : i32 to index
        %swap3A_314 = arith.index_cast %while3A_187 : i32 to index
        %swap3A_315 = arith.constant 96 : index
        %swap3A_316 = tpu.vector_load %arg12[%swap3A_313, %swap3A_314, %swap3A_315] {strides = array<i32>} : memref<2x32x128xi32, #tpu.memory_space<vmem>>, vector<16xi32>,
        tpu.vector_store %arg12[%swap3A_313, %swap3A_314, %swap3A_315], %get3A_312 {strides = array<i32>} : memref<2x32x128xi32, #tpu.memory_space<vmem>>, vector<16xi32>,
        %mul3A_317 = arith.constant 128 : i32
        %mul3A_318 = arith.muli %while3A_187, %mul3A_317 : i32
        %add3A_319 = arith.constant 96 : i32
        %add3A_320 = arith.addi %mul3A_318, %add3A_319 : i32
        %get3A_321 = arith.index_cast %add3A_320 : i32 to index
        %get3A_322 = tpu.vector_load %arg11[%get3A_321] {strides = array<i32>} : memref<4352xf32, #tpu.memory_space<vmem>>, vector<16xf32>,
        %swap3A_323 = arith.index_cast %sub3A_118 : i32 to index
        %swap3A_324 = arith.index_cast %while3A_187 : i32 to index
        %swap3A_325 = arith.constant 96 : index
        %swap3A_326 = tpu.vector_load %arg13[%swap3A_323, %swap3A_324, %swap3A_325] {strides = array<i32>} : memref<2x32x128xf32, #tpu.memory_space<vmem>>, vector<16xf32>,
        tpu.vector_store %arg13[%swap3A_323, %swap3A_324, %swap3A_325], %get3A_322 {strides = array<i32>} : memref<2x32x128xf32, #tpu.memory_space<vmem>>, vector<16xf32>,
        %mul3A_327 = arith.constant 128 : i32
        %mul3A_328 = arith.muli %while3A_187, %mul3A_327 : i32
        %add3A_329 = arith.constant 112 : i32
        %add3A_330 = arith.addi %mul3A_328, %add3A_329 : i32
        %get3A_331 = arith.index_cast %add3A_330 : i32 to index
        %get3A_332 = tpu.vector_load %arg10[%get3A_331] {strides = array<i32>} : memref<4352xi32, #tpu.memory_space<vmem>>, vector<16xi32>,
        %swap3A_333 = arith.index_cast %sub3A_118 : i32 to index
        %swap3A_334 = arith.index_cast %while3A_187 : i32 to index
        %swap3A_335 = arith.constant 112 : index
        %swap3A_336 = tpu.vector_load %arg12[%swap3A_333, %swap3A_334, %swap3A_335] {strides = array<i32>} : memref<2x32x128xi32, #tpu.memory_space<vmem>>, vector<16xi32>,
        tpu.vector_store %arg12[%swap3A_333, %swap3A_334, %swap3A_335], %get3A_332 {strides = array<i32>} : memref<2x32x128xi32, #tpu.memory_space<vmem>>, vector<16xi32>,
        %mul3A_337 = arith.constant 128 : i32
        %mul3A_338 = arith.muli %while3A_187, %mul3A_337 : i32
        %add3A_339 = arith.constant 112 : i32
        %add3A_340 = arith.addi %mul3A_338, %add3A_339 : i32
        %get3A_341 = arith.index_cast %add3A_340 : i32 to index
        %get3A_342 = tpu.vector_load %arg11[%get3A_341] {strides = array<i32>} : memref<4352xf32, #tpu.memory_space<vmem>>, vector<16xf32>,
        %swap3A_343 = arith.index_cast %sub3A_118 : i32 to index
        %swap3A_344 = arith.index_cast %while3A_187 : i32 to index
        %swap3A_345 = arith.constant 112 : index
        %swap3A_346 = tpu.vector_load %arg13[%swap3A_343, %swap3A_344, %swap3A_345] {strides = array<i32>} : memref<2x32x128xf32, #tpu.memory_space<vmem>>, vector<16xf32>,
        tpu.vector_store %arg13[%swap3A_343, %swap3A_344, %swap3A_345], %get3A_342 {strides = array<i32>} : memref<2x32x128xf32, #tpu.memory_space<vmem>>, vector<16xf32>,
      }
      %while3A_173 = arith.constant 1 : i32
      scf.for %while3A_187 = %while3A_171 to %while3A_167 step %while3A_173  : i32 {
        %mul3A_188 = arith.constant 128 : i32
        %mul3A_189 = arith.muli %while3A_187, %mul3A_188 : i32
        %add3A_190 = arith.constant 0 : i32
        %add3A_191 = arith.addi %mul3A_189, %add3A_190 : i32
        %get3A = arith.index_cast %add3A_191 : i32 to index
        %get3A_192 = tpu.vector_load %arg10[%get3A] {strides = array<i32>} : memref<4352xi32, #tpu.memory_space<vmem>>, vector<16xi32>,
        %swap3A_193 = arith.index_cast %sub3A_118 : i32 to index
        %swap3A_194 = arith.index_cast %while3A_187 : i32 to index
        %swap3A_195 = arith.constant 0 : index
        %swap3A_196 = tpu.vector_load %arg12[%swap3A_193, %swap3A_194, %swap3A_195] {strides = array<i32>} : memref<2x32x128xi32, #tpu.memory_space<vmem>>, vector<16xi32>,
        tpu.vector_store %arg12[%swap3A_193, %swap3A_194, %swap3A_195], %get3A_192 {strides = array<i32>} : memref<2x32x128xi32, #tpu.memory_space<vmem>>, vector<16xi32>,
        %mul3A_197 = arith.constant 128 : i32
        %mul3A_198 = arith.muli %while3A_187, %mul3A_197 : i32
        %add3A_199 = arith.constant 0 : i32
        %add3A_200 = arith.addi %mul3A_198, %add3A_199 : i32
        %get3A_201 = arith.index_cast %add3A_200 : i32 to index
        %get3A_202 = tpu.vector_load %arg11[%get3A_201] {strides = array<i32>} : memref<4352xf32, #tpu.memory_space<vmem>>, vector<16xf32>,
        %swap3A_203 = arith.index_cast %sub3A_118 : i32 to index
        %swap3A_204 = arith.index_cast %while3A_187 : i32 to index
        %swap3A_205 = arith.constant 0 : index
        %swap3A_206 = tpu.vector_load %arg13[%swap3A_203, %swap3A_204, %swap3A_205] {strides = array<i32>} : memref<2x32x128xf32, #tpu.memory_space<vmem>>, vector<16xf32>,
        tpu.vector_store %arg13[%swap3A_203, %swap3A_204, %swap3A_205], %get3A_202 {strides = array<i32>} : memref<2x32x128xf32, #tpu.memory_space<vmem>>, vector<16xf32>,
        %mul3A_207 = arith.constant 128 : i32
        %mul3A_208 = arith.muli %while3A_187, %mul3A_207 : i32
        %add3A_209 = arith.constant 16 : i32
        %add3A_210 = arith.addi %mul3A_208, %add3A_209 : i32
        %get3A_211 = arith.index_cast %add3A_210 : i32 to index
        %get3A_212 = tpu.vector_load %arg10[%get3A_211] {strides = array<i32>} : memref<4352xi32, #tpu.memory_space<vmem>>, vector<16xi32>,
        %swap3A_213 = arith.index_cast %sub3A_118 : i32 to index
        %swap3A_214 = arith.index_cast %while3A_187 : i32 to index
        %swap3A_215 = arith.constant 16 : index
        %swap3A_216 = tpu.vector_load %arg12[%swap3A_213, %swap3A_214, %swap3A_215] {strides = array<i32>} : memref<2x32x128xi32, #tpu.memory_space<vmem>>, vector<16xi32>,
        tpu.vector_store %arg12[%swap3A_213, %swap3A_214, %swap3A_215], %get3A_212 {strides = array<i32>} : memref<2x32x128xi32, #tpu.memory_space<vmem>>, vector<16xi32>,
        %mul3A_217 = arith.constant 128 : i32
        %mul3A_218 = arith.muli %while3A_187, %mul3A_217 : i32
        %add3A_219 = arith.constant 16 : i32
        %add3A_220 = arith.addi %mul3A_218, %add3A_219 : i32
        %get3A_221 = arith.index_cast %add3A_220 : i32 to index
        %get3A_222 = tpu.vector_load %arg11[%get3A_221] {strides = array<i32>} : memref<4352xf32, #tpu.memory_space<vmem>>, vector<16xf32>,
        %swap3A_223 = arith.index_cast %sub3A_118 : i32 to index
        %swap3A_224 = arith.index_cast %while3A_187 : i32 to index
        %swap3A_225 = arith.constant 16 : index
        %swap3A_226 = tpu.vector_load %arg13[%swap3A_223, %swap3A_224, %swap3A_225] {strides = array<i32>} : memref<2x32x128xf32, #tpu.memory_space<vmem>>, vector<16xf32>,
        tpu.vector_store %arg13[%swap3A_223, %swap3A_224, %swap3A_225], %get3A_222 {strides = array<i32>} : memref<2x32x128xf32, #tpu.memory_space<vmem>>, vector<16xf32>,
        %mul3A_227 = arith.constant 128 : i32
        %mul3A_228 = arith.muli %while3A_187, %mul3A_227 : i32
        %add3A_229 = arith.constant 32 : i32
        %add3A_230 = arith.addi %mul3A_228, %add3A_229 : i32
        %get3A_231 = arith.index_cast %add3A_230 : i32 to index
        %get3A_232 = tpu.vector_load %arg10[%get3A_231] {strides = array<i32>} : memref<4352xi32, #tpu.memory_space<vmem>>, vector<16xi32>,
        %swap3A_233 = arith.index_cast %sub3A_118 : i32 to index
        %swap3A_234 = arith.index_cast %while3A_187 : i32 to index
        %swap3A_235 = arith.constant 32 : index
        %swap3A_236 = tpu.vector_load %arg12[%swap3A_233, %swap3A_234, %swap3A_235] {strides = array<i32>} : memref<2x32x128xi32, #tpu.memory_space<vmem>>, vector<16xi32>,
        tpu.vector_store %arg12[%swap3A_233, %swap3A_234, %swap3A_235], %get3A_232 {strides = array<i32>} : memref<2x32x128xi32, #tpu.memory_space<vmem>>, vector<16xi32>,
        %mul3A_237 = arith.constant 128 : i32
        %mul3A_238 = arith.muli %while3A_187, %mul3A_237 : i32
        %add3A_239 = arith.constant 32 : i32
        %add3A_240 = arith.addi %mul3A_238, %add3A_239 : i32
        %get3A_241 = arith.index_cast %add3A_240 : i32 to index
        %get3A_242 = tpu.vector_load %arg11[%get3A_241] {strides = array<i32>} : memref<4352xf32, #tpu.memory_space<vmem>>, vector<16xf32>,
        %swap3A_243 = arith.index_cast %sub3A_118 : i32 to index
        %swap3A_244 = arith.index_cast %while3A_187 : i32 to index
        %swap3A_245 = arith.constant 32 : index
        %swap3A_246 = tpu.vector_load %arg13[%swap3A_243, %swap3A_244, %swap3A_245] {strides = array<i32>} : memref<2x32x128xf32, #tpu.memory_space<vmem>>, vector<16xf32>,
        tpu.vector_store %arg13[%swap3A_243, %swap3A_244, %swap3A_245], %get3A_242 {strides = array<i32>} : memref<2x32x128xf32, #tpu.memory_space<vmem>>, vector<16xf32>,
        %mul3A_247 = arith.constant 128 : i32
        %mul3A_248 = arith.muli %while3A_187, %mul3A_247 : i32
        %add3A_249 = arith.constant 48 : i32
        %add3A_250 = arith.addi %mul3A_248, %add3A_249 : i32
        %get3A_251 = arith.index_cast %add3A_250 : i32 to index
        %get3A_252 = tpu.vector_load %arg10[%get3A_251] {strides = array<i32>} : memref<4352xi32, #tpu.memory_space<vmem>>, vector<16xi32>,
        %swap3A_253 = arith.index_cast %sub3A_118 : i32 to index
        %swap3A_254 = arith.index_cast %while3A_187 : i32 to index
        %swap3A_255 = arith.constant 48 : index
        %swap3A_256 = tpu.vector_load %arg12[%swap3A_253, %swap3A_254, %swap3A_255] {strides = array<i32>} : memref<2x32x128xi32, #tpu.memory_space<vmem>>, vector<16xi32>,
        tpu.vector_store %arg12[%swap3A_253, %swap3A_254, %swap3A_255], %get3A_252 {strides = array<i32>} : memref<2x32x128xi32, #tpu.memory_space<vmem>>, vector<16xi32>,
        %mul3A_257 = arith.constant 128 : i32
        %mul3A_258 = arith.muli %while3A_187, %mul3A_257 : i32
        %add3A_259 = arith.constant 48 : i32
        %add3A_260 = arith.addi %mul3A_258, %add3A_259 : i32
        %get3A_261 = arith.index_cast %add3A_260 : i32 to index
        %get3A_262 = tpu.vector_load %arg11[%get3A_261] {strides = array<i32>} : memref<4352xf32, #tpu.memory_space<vmem>>, vector<16xf32>,
        %swap3A_263 = arith.index_cast %sub3A_118 : i32 to index
        %swap3A_264 = arith.index_cast %while3A_187 : i32 to index
        %swap3A_265 = arith.constant 48 : index
        %swap3A_266 = tpu.vector_load %arg13[%swap3A_263, %swap3A_264, %swap3A_265] {strides = array<i32>} : memref<2x32x128xf32, #tpu.memory_space<vmem>>, vector<16xf32>,
        tpu.vector_store %arg13[%swap3A_263, %swap3A_264, %swap3A_265], %get3A_262 {strides = array<i32>} : memref<2x32x128xf32, #tpu.memory_space<vmem>>, vector<16xf32>,
        %mul3A_267 = arith.constant 128 : i32
        %mul3A_268 = arith.muli %while3A_187, %mul3A_267 : i32
        %add3A_269 = arith.constant 64 : i32
        %add3A_270 = arith.addi %mul3A_268, %add3A_269 : i32
        %get3A_271 = arith.index_cast %add3A_270 : i32 to index
        %get3A_272 = tpu.vector_load %arg10[%get3A_271] {strides = array<i32>} : memref<4352xi32, #tpu.memory_space<vmem>>, vector<16xi32>,
        %swap3A_273 = arith.index_cast %sub3A_118 : i32 to index
        %swap3A_274 = arith.index_cast %while3A_187 : i32 to index
        %swap3A_275 = arith.constant 64 : index
        %swap3A_276 = tpu.vector_load %arg12[%swap3A_273, %swap3A_274, %swap3A_275] {strides = array<i32>} : memref<2x32x128xi32, #tpu.memory_space<vmem>>, vector<16xi32>,
        tpu.vector_store %arg12[%swap3A_273, %swap3A_274, %swap3A_275], %get3A_272 {strides = array<i32>} : memref<2x32x128xi32, #tpu.memory_space<vmem>>, vector<16xi32>,
        %mul3A_277 = arith.constant 128 : i32
        %mul3A_278 = arith.muli %while3A_187, %mul3A_277 : i32
        %add3A_279 = arith.constant 64 : i32
        %add3A_280 = arith.addi %mul3A_278, %add3A_279 : i32
        %get3A_281 = arith.index_cast %add3A_280 : i32 to index
        %get3A_282 = tpu.vector_load %arg11[%get3A_281] {strides = array<i32>} : memref<4352xf32, #tpu.memory_space<vmem>>, vector<16xf32>,
        %swap3A_283 = arith.index_cast %sub3A_118 : i32 to index
        %swap3A_284 = arith.index_cast %while3A_187 : i32 to index
        %swap3A_285 = arith.constant 64 : index
        %swap3A_286 = tpu.vector_load %arg13[%swap3A_283, %swap3A_284, %swap3A_285] {strides = array<i32>} : memref<2x32x128xf32, #tpu.memory_space<vmem>>, vector<16xf32>,
        tpu.vector_store %arg13[%swap3A_283, %swap3A_284, %swap3A_285], %get3A_282 {strides = array<i32>} : memref<2x32x128xf32, #tpu.memory_space<vmem>>, vector<16xf32>,
        %mul3A_287 = arith.constant 128 : i32
        %mul3A_288 = arith.muli %while3A_187, %mul3A_287 : i32
        %add3A_289 = arith.constant 80 : i32
        %add3A_290 = arith.addi %mul3A_288, %add3A_289 : i32
        %get3A_291 = arith.index_cast %add3A_290 : i32 to index
        %get3A_292 = tpu.vector_load %arg10[%get3A_291] {strides = array<i32>} : memref<4352xi32, #tpu.memory_space<vmem>>, vector<16xi32>,
        %swap3A_293 = arith.index_cast %sub3A_118 : i32 to index
        %swap3A_294 = arith.index_cast %while3A_187 : i32 to index
        %swap3A_295 = arith.constant 80 : index
        %swap3A_296 = tpu.vector_load %arg12[%swap3A_293, %swap3A_294, %swap3A_295] {strides = array<i32>} : memref<2x32x128xi32, #tpu.memory_space<vmem>>, vector<16xi32>,
        tpu.vector_store %arg12[%swap3A_293, %swap3A_294, %swap3A_295], %get3A_292 {strides = array<i32>} : memref<2x32x128xi32, #tpu.memory_space<vmem>>, vector<16xi32>,
        %mul3A_297 = arith.constant 128 : i32
        %mul3A_298 = arith.muli %while3A_187, %mul3A_297 : i32
        %add3A_299 = arith.constant 80 : i32
        %add3A_300 = arith.addi %mul3A_298, %add3A_299 : i32
        %get3A_301 = arith.index_cast %add3A_300 : i32 to index
        %get3A_302 = tpu.vector_load %arg11[%get3A_301] {strides = array<i32>} : memref<4352xf32, #tpu.memory_space<vmem>>, vector<16xf32>,
        %swap3A_303 = arith.index_cast %sub3A_118 : i32 to index
        %swap3A_304 = arith.index_cast %while3A_187 : i32 to index
        %swap3A_305 = arith.constant 80 : index
        %swap3A_306 = tpu.vector_load %arg13[%swap3A_303, %swap3A_304, %swap3A_305] {strides = array<i32>} : memref<2x32x128xf32, #tpu.memory_space<vmem>>, vector<16xf32>,
        tpu.vector_store %arg13[%swap3A_303, %swap3A_304, %swap3A_305], %get3A_302 {strides = array<i32>} : memref<2x32x128xf32, #tpu.memory_space<vmem>>, vector<16xf32>,
        %mul3A_307 = arith.constant 128 : i32
        %mul3A_308 = arith.muli %while3A_187, %mul3A_307 : i32
        %add3A_309 = arith.constant 96 : i32
        %add3A_310 = arith.addi %mul3A_308, %add3A_309 : i32
        %get3A_311 = arith.index_cast %add3A_310 : i32 to index
        %get3A_312 = tpu.vector_load %arg10[%get3A_311] {strides = array<i32>} : memref<4352xi32, #tpu.memory_space<vmem>>, vector<16xi32>,
        %swap3A_313 = arith.index_cast %sub3A_118 : i32 to index
        %swap3A_314 = arith.index_cast %while3A_187 : i32 to index
        %swap3A_315 = arith.constant 96 : index
        %swap3A_316 = tpu.vector_load %arg12[%swap3A_313, %swap3A_314, %swap3A_315] {strides = array<i32>} : memref<2x32x128xi32, #tpu.memory_space<vmem>>, vector<16xi32>,
        tpu.vector_store %arg12[%swap3A_313, %swap3A_314, %swap3A_315], %get3A_312 {strides = array<i32>} : memref<2x32x128xi32, #tpu.memory_space<vmem>>, vector<16xi32>,
        %mul3A_317 = arith.constant 128 : i32
        %mul3A_318 = arith.muli %while3A_187, %mul3A_317 : i32
        %add3A_319 = arith.constant 96 : i32
        %add3A_320 = arith.addi %mul3A_318, %add3A_319 : i32
        %get3A_321 = arith.index_cast %add3A_320 : i32 to index
        %get3A_322 = tpu.vector_load %arg11[%get3A_321] {strides = array<i32>} : memref<4352xf32, #tpu.memory_space<vmem>>, vector<16xf32>,
        %swap3A_323 = arith.index_cast %sub3A_118 : i32 to index
        %swap3A_324 = arith.index_cast %while3A_187 : i32 to index
        %swap3A_325 = arith.constant 96 : index
        %swap3A_326 = tpu.vector_load %arg13[%swap3A_323, %swap3A_324, %swap3A_325] {strides = array<i32>} : memref<2x32x128xf32, #tpu.memory_space<vmem>>, vector<16xf32>,
        tpu.vector_store %arg13[%swap3A_323, %swap3A_324, %swap3A_325], %get3A_322 {strides = array<i32>} : memref<2x32x128xf32, #tpu.memory_space<vmem>>, vector<16xf32>,
        %mul3A_327 = arith.constant 128 : i32
        %mul3A_328 = arith.muli %while3A_187, %mul3A_327 : i32
        %add3A_329 = arith.constant 112 : i32
        %add3A_330 = arith.addi %mul3A_328, %add3A_329 : i32
        %get3A_331 = arith.index_cast %add3A_330 : i32 to index
        %get3A_332 = tpu.vector_load %arg10[%get3A_331] {strides = array<i32>} : memref<4352xi32, #tpu.memory_space<vmem>>, vector<16xi32>,
        %swap3A_333 = arith.index_cast %sub3A_118 : i32 to index
        %swap3A_334 = arith.index_cast %while3A_187 : i32 to index
        %swap3A_335 = arith.constant 112 : index
        %swap3A_336 = tpu.vector_load %arg12[%swap3A_333, %swap3A_334, %swap3A_335] {strides = array<i32>} : memref<2x32x128xi32, #tpu.memory_space<vmem>>, vector<16xi32>,
        tpu.vector_store %arg12[%swap3A_333, %swap3A_334, %swap3A_335], %get3A_332 {strides = array<i32>} : memref<2x32x128xi32, #tpu.memory_space<vmem>>, vector<16xi32>,
        %mul3A_337 = arith.constant 128 : i32
        %mul3A_338 = arith.muli %while3A_187, %mul3A_337 : i32
        %add3A_339 = arith.constant 112 : i32
        %add3A_340 = arith.addi %mul3A_338, %add3A_339 : i32
        %get3A_341 = arith.index_cast %add3A_340 : i32 to index
        %get3A_342 = tpu.vector_load %arg11[%get3A_341] {strides = array<i32>} : memref<4352xf32, #tpu.memory_space<vmem>>, vector<16xf32>,
        %swap3A_343 = arith.index_cast %sub3A_118 : i32 to index
        %swap3A_344 = arith.index_cast %while3A_187 : i32 to index
        %swap3A_345 = arith.constant 112 : index
        %swap3A_346 = tpu.vector_load %arg13[%swap3A_343, %swap3A_344, %swap3A_345] {strides = array<i32>} : memref<2x32x128xf32, #tpu.memory_space<vmem>>, vector<16xf32>,
        tpu.vector_store %arg13[%swap3A_343, %swap3A_344, %swap3A_345], %get3A_342 {strides = array<i32>} : memref<2x32x128xf32, #tpu.memory_space<vmem>>, vector<16xf32>,
      }
      %dma_wait3A = tpu.memref_slice %arg4[%mul3A_114] : memref<102400000xf32, #tpu.memory_space<hbm>> -> memref<65536xf32, #tpu.memory_space<hbm>>
      %dma_wait3A_174 = tpu.memref_slice %arg5[%mul3A_111] : memref<1024000xf32, #tpu.memory_space<vmem_shared>> -> memref<65536xf32, #tpu.memory_space<vmem_shared>>
      tpu.wait_dma2 semaphore(%arg16 : memref<!tpu.dma_semaphore, #tpu.memory_space<semaphore_mem>>) src(%dma_wait3A_174 : memref<65536xf32, #tpu.memory_space<vmem_shared>>) dst(%dma_wait3A : memref<65536xf32, #tpu.memory_space<hbm>>)
      %barrier3A_175 = arith.constant 0 : index
      tpu.barrier barrier_id(%barrier3A_175)
      %while3A_176 = arith.constant 0 : i32
      %while3A_177 = arith.constant 0 : i32
      %while3A_178 = arith.subi %scan3A_92, %while3A_177 : i32
      %while3A_179 = arith.addi %while3A_177, %while3A_178 : i32
      %while3A_180 = arith.constant 1 : i32
      %while3A_181 = arith.divsi %while3A_178, %while3A_180 : i32
      %while3A_182 = arith.muli %while3A_181, %while3A_180 : i32
      %while3A_183 = arith.addi %while3A_177, %while3A_182 : i32
      %while3A_184 = arith.constant 1 : i32
      scf.for %while3A_187 = %while3A_177 to %while3A_183 step %while3A_184  : i32 {
        "tpu.region"() ({
          %run_scoped3A = tpu.sem_alloc : memref<!tpu.dma_semaphore, #tpu.memory_space<semaphore_mem>>
          %dma_start3A_188 = arith.constant 0 : i32
          %dma_start3A_189 = tpu.memref_slice %arg12[%and3A_97, %while3A_187, %dma_start3A_188] : memref<2x32x128xi32, #tpu.memory_space<vmem>> -> memref<1x1x128xi32, #tpu.memory_space<vmem>>
          %dma_start3A_190 = tpu.memref_squeeze %dma_start3A_189 : memref<1x1x128xi32, #tpu.memory_space<vmem>> -> memref<128xi32, #tpu.memory_space<vmem>>
          %dma_start3A_191 = arith.constant 0 : i32
          %dma_start3A_192 = tpu.memref_slice %arg5[%dma_start3A_191] : memref<1024000xf32, #tpu.memory_space<vmem_shared>> -> memref<1024000xf32, #tpu.memory_space<vmem_shared>>
          tpu.enqueue_indirect_dma source(%arg15 : memref<128xf32, #tpu.memory_space<vmem>>) target(%dma_start3A_192 : memref<1024000xf32, #tpu.memory_space<vmem_shared>>) offsets(%dma_start3A_190 : memref<128xi32, #tpu.memory_space<vmem>>) semaphore(%run_scoped3A : memref<!tpu.dma_semaphore, #tpu.memory_space<semaphore_mem>>)
          %dma_wait3A_193 = arith.constant 0 : i32
          %dma_wait3A_194 = tpu.memref_slice %arg12[%and3A_97, %while3A_187, %dma_wait3A_193] : memref<2x32x128xi32, #tpu.memory_space<vmem>> -> memref<1x1x128xi32, #tpu.memory_space<vmem>>
          %dma_wait3A_195 = tpu.memref_squeeze %dma_wait3A_194 : memref<1x1x128xi32, #tpu.memory_space<vmem>> -> memref<128xi32, #tpu.memory_space<vmem>>
          %dma_wait3A_196 = arith.constant 0 : i32
          %dma_wait3A_197 = tpu.memref_slice %arg5[%dma_wait3A_196] : memref<1024000xf32, #tpu.memory_space<vmem_shared>> -> memref<1024000xf32, #tpu.memory_space<vmem_shared>>
          tpu.wait_indirect_dma semaphore(%run_scoped3A : memref<!tpu.dma_semaphore, #tpu.memory_space<semaphore_mem>>) src(%arg15 : memref<128xf32, #tpu.memory_space<vmem>>) dst(%dma_wait3A_197 : memref<1024000xf32, #tpu.memory_space<vmem_shared>>)
          tpu.yield
        }) : () -> ()
      }
      %while3A_185 = arith.constant 1 : i32
      scf.for %while3A_187 = %while3A_183 to %while3A_179 step %while3A_185  : i32 {
        "tpu.region"() ({
          %run_scoped3A = tpu.sem_alloc : memref<!tpu.dma_semaphore, #tpu.memory_space<semaphore_mem>>
          %dma_start3A_188 = arith.constant 0 : i32
          %dma_start3A_189 = tpu.memref_slice %arg12[%and3A_97, %while3A_187, %dma_start3A_188] : memref<2x32x128xi32, #tpu.memory_space<vmem>> -> memref<1x1x128xi32, #tpu.memory_space<vmem>>
          %dma_start3A_190 = tpu.memref_squeeze %dma_start3A_189 : memref<1x1x128xi32, #tpu.memory_space<vmem>> -> memref<128xi32, #tpu.memory_space<vmem>>
          %dma_start3A_191 = arith.constant 0 : i32
          %dma_start3A_192 = tpu.memref_slice %arg5[%dma_start3A_191] : memref<1024000xf32, #tpu.memory_space<vmem_shared>> -> memref<1024000xf32, #tpu.memory_space<vmem_shared>>
          tpu.enqueue_indirect_dma source(%arg15 : memref<128xf32, #tpu.memory_space<vmem>>) target(%dma_start3A_192 : memref<1024000xf32, #tpu.memory_space<vmem_shared>>) offsets(%dma_start3A_190 : memref<128xi32, #tpu.memory_space<vmem>>) semaphore(%run_scoped3A : memref<!tpu.dma_semaphore, #tpu.memory_space<semaphore_mem>>)
          %dma_wait3A_193 = arith.constant 0 : i32
          %dma_wait3A_194 = tpu.memref_slice %arg12[%and3A_97, %while3A_187, %dma_wait3A_193] : memref<2x32x128xi32, #tpu.memory_space<vmem>> -> memref<1x1x128xi32, #tpu.memory_space<vmem>>
          %dma_wait3A_195 = tpu.memref_squeeze %dma_wait3A_194 : memref<1x1x128xi32, #tpu.memory_space<vmem>> -> memref<128xi32, #tpu.memory_space<vmem>>
          %dma_wait3A_196 = arith.constant 0 : i32
          %dma_wait3A_197 = tpu.memref_slice %arg5[%dma_wait3A_196] : memref<1024000xf32, #tpu.memory_space<vmem_shared>> -> memref<1024000xf32, #tpu.memory_space<vmem_shared>>
          tpu.wait_indirect_dma semaphore(%run_scoped3A : memref<!tpu.dma_semaphore, #tpu.memory_space<semaphore_mem>>) src(%arg15 : memref<128xf32, #tpu.memory_space<vmem>>) dst(%dma_wait3A_197 : memref<1024000xf32, #tpu.memory_space<vmem_shared>>)
          tpu.yield
        }) : () -> ()
      }
      %barrier3A_186 = arith.constant 0 : index
      tpu.barrier barrier_id(%barrier3A_186)
      scf.yield %shift_right_arithmetic3A_133 : i32
    }
    %scan3A_90 = arith.constant 50 : i32
    return
  }
}

module attributes {stable_mosaic.version = 14 : i64} {
  func.func @_probs_body(%arg0: i32, %arg1: memref<256x50x64xf32, #tpu.memory_space<vmem>>, %arg2: memref<256x64xf32, #tpu.memory_space<vmem>>, %arg3: memref<64x64xf32, #tpu.memory_space<vmem>>, %arg4: memref<64x64xf32, #tpu.memory_space<vmem>>, %arg5: memref<1x64xf32, #tpu.memory_space<vmem>>, %arg6: memref<256x64xf32, #tpu.memory_space<vmem>>, %arg7: memref<256x64xf32, #tpu.memory_space<vmem>>) attributes {dimension_semantics = [#tpu.dimension_semantics<arbitrary>], iteration_bounds = array<i64: 4>, scalar_prefetch = 0 : i64, scratch_operands = 1 : i64, tpu.core_type = #tpu.core_type<tc>, window_params = [{transform_indices = @transform_0, window_bounds = array<i64: 256, 50, 64>}, {transform_indices = @transform_1, window_bounds = array<i64: 256, 64>}, {pipeline_mode = #tpu.pipeline_mode<synchronous>, transform_indices = @transform_2, window_bounds = array<i64: 64, 64>}, {pipeline_mode = #tpu.pipeline_mode<synchronous>, transform_indices = @transform_3, window_bounds = array<i64: 64, 64>}, {pipeline_mode = #tpu.pipeline_mode<synchronous>, transform_indices = @transform_4, window_bounds = array<i64: 1, 64>}, {transform_indices = @transform_5, window_bounds = array<i64: 256, 64>}]} {
    %get3A = arith.constant 0 : index
    %get3A_0 = arith.constant 0 : index
    %get3A_1 = vector.load %arg2[%get3A, %get3A_0] : memref<256x64xf32, #tpu.memory_space<vmem>>, vector<256x64xf32>
    %get3A_2 = arith.constant 0 : index
    %get3A_3 = arith.constant 0 : index
    %get3A_4 = vector.load %arg4[%get3A_2, %get3A_3] : memref<64x64xf32, #tpu.memory_space<vmem>>, vector<64x64xf32>
    %dot_general3A = arith.constant dense<0.000000e+00> : vector<256x64xf32>
    %dot_general3A_5 = tpu.matmul %get3A_1, %get3A_4, %dot_general3A {dimension_numbers = #tpu.dot_dimension_numbers<[1], [0], [0], [1], [0, 0, 1, 1], [], []>, transpose_lhs_hint = false} : vector<256x64xf32>, vector<64x64xf32>, vector<256x64xf32> -> vector<256x64xf32>
    %get3A_6 = arith.constant 0 : index
    %get3A_7 = arith.constant 0 : index
    %get3A_8 = vector.load %arg5[%get3A_6, %get3A_7] : memref<1x64xf32, #tpu.memory_space<vmem>>, vector<1x64xf32>
    %get3A_9 = arith.constant 0 : index
    %get3A_10 = arith.constant 0 : index
    %get3A_11 = arith.constant 0 : index
    %get3A_12 = vector.load %arg1[%get3A_9, %get3A_10, %get3A_11] : memref<256x50x64xf32, #tpu.memory_space<vmem>>, vector<256x1x64xf32>
    %get3A_13 = vector.shape_cast %get3A_12 : vector<256x1x64xf32> to vector<256x64xf32>
    %get3A_14 = arith.constant 0 : index
    %get3A_15 = arith.constant 0 : index
    %get3A_16 = vector.load %arg3[%get3A_14, %get3A_15] : memref<64x64xf32, #tpu.memory_space<vmem>>, vector<64x64xf32>
    %dot_general3A_17 = arith.constant dense<0.000000e+00> : vector<256x64xf32>
    %dot_general3A_18 = tpu.matmul %get3A_13, %get3A_16, %dot_general3A_17 {dimension_numbers = #tpu.dot_dimension_numbers<[1], [0], [0], [1], [0, 0, 1, 1], [], []>, transpose_lhs_hint = false} : vector<256x64xf32>, vector<64x64xf32>, vector<256x64xf32> -> vector<256x64xf32>
    %add3A = arith.addf %dot_general3A_18, %dot_general3A_5 : vector<256x64xf32>
    %tanh3A = math.tanh %add3A : vector<256x64xf32>
    %mul3A = vector.broadcast %get3A_8 : vector<1x64xf32> to vector<256x64xf32>
    %mul3A_19 = arith.mulf %tanh3A, %mul3A : vector<256x64xf32>
    %reduce_sum3A = arith.constant dense<0.000000e+00> : vector<256xf32>
    %reduce_sum3A_20 = vector.multi_reduction <add>, %mul3A_19, %reduce_sum3A [1] : vector<256x64xf32> to vector<256xf32>
    %broadcast_in_dim3A = vector.shape_cast %reduce_sum3A_20 : vector<256xf32> to vector<256x1xf32>
    %swap3A = arith.constant 0 : index
    %swap3A_21 = arith.constant 0 : index
    %swap3A_22 = vector.load %arg7[%swap3A, %swap3A_21] : memref<256x64xf32, #tpu.memory_space<vmem>>, vector<256x1xf32>
    tpu.vector_store %arg7[%swap3A, %swap3A_21], %broadcast_in_dim3A {strides = array<i32>} : memref<256x64xf32, #tpu.memory_space<vmem>>, vector<256x1xf32>,
    %get3A_23 = arith.constant 0 : index
    %get3A_24 = arith.constant 1 : index
    %get3A_25 = arith.constant 0 : index
    %get3A_26 = vector.load %arg1[%get3A_23, %get3A_24, %get3A_25] : memref<256x50x64xf32, #tpu.memory_space<vmem>>, vector<256x1x64xf32>
    %get3A_27 = vector.shape_cast %get3A_26 : vector<256x1x64xf32> to vector<256x64xf32>
    %get3A_28 = arith.constant 0 : index
    %get3A_29 = arith.constant 0 : index
    %get3A_30 = vector.load %arg3[%get3A_28, %get3A_29] : memref<64x64xf32, #tpu.memory_space<vmem>>, vector<64x64xf32>
    %dot_general3A_31 = arith.constant dense<0.000000e+00> : vector<256x64xf32>
    %dot_general3A_32 = tpu.matmul %get3A_27, %get3A_30, %dot_general3A_31 {dimension_numbers = #tpu.dot_dimension_numbers<[1], [0], [0], [1], [0, 0, 1, 1], [], []>, transpose_lhs_hint = false} : vector<256x64xf32>, vector<64x64xf32>, vector<256x64xf32> -> vector<256x64xf32>
    %add3A_33 = arith.addf %dot_general3A_32, %dot_general3A_5 : vector<256x64xf32>
    %tanh3A_34 = math.tanh %add3A_33 : vector<256x64xf32>
    %mul3A_35 = vector.broadcast %get3A_8 : vector<1x64xf32> to vector<256x64xf32>
    %mul3A_36 = arith.mulf %tanh3A_34, %mul3A_35 : vector<256x64xf32>
    %reduce_sum3A_37 = arith.constant dense<0.000000e+00> : vector<256xf32>
    %reduce_sum3A_38 = vector.multi_reduction <add>, %mul3A_36, %reduce_sum3A_37 [1] : vector<256x64xf32> to vector<256xf32>
    %broadcast_in_dim3A_39 = vector.shape_cast %reduce_sum3A_38 : vector<256xf32> to vector<256x1xf32>
    %swap3A_40 = arith.constant 0 : index
    %swap3A_41 = arith.constant 1 : index
    %swap3A_42 = vector.load %arg7[%swap3A_40, %swap3A_41] : memref<256x64xf32, #tpu.memory_space<vmem>>, vector<256x1xf32>
    tpu.vector_store %arg7[%swap3A_40, %swap3A_41], %broadcast_in_dim3A_39 {strides = array<i32>} : memref<256x64xf32, #tpu.memory_space<vmem>>, vector<256x1xf32>,
    %get3A_43 = arith.constant 0 : index
    %get3A_44 = arith.constant 2 : index
    %get3A_45 = arith.constant 0 : index
    %get3A_46 = vector.load %arg1[%get3A_43, %get3A_44, %get3A_45] : memref<256x50x64xf32, #tpu.memory_space<vmem>>, vector<256x1x64xf32>
    %get3A_47 = vector.shape_cast %get3A_46 : vector<256x1x64xf32> to vector<256x64xf32>
    %get3A_48 = arith.constant 0 : index
    %get3A_49 = arith.constant 0 : index
    %get3A_50 = vector.load %arg3[%get3A_48, %get3A_49] : memref<64x64xf32, #tpu.memory_space<vmem>>, vector<64x64xf32>
    %dot_general3A_51 = arith.constant dense<0.000000e+00> : vector<256x64xf32>
    %dot_general3A_52 = tpu.matmul %get3A_47, %get3A_50, %dot_general3A_51 {dimension_numbers = #tpu.dot_dimension_numbers<[1], [0], [0], [1], [0, 0, 1, 1], [], []>, transpose_lhs_hint = false} : vector<256x64xf32>, vector<64x64xf32>, vector<256x64xf32> -> vector<256x64xf32>
    %add3A_53 = arith.addf %dot_general3A_52, %dot_general3A_5 : vector<256x64xf32>
    %tanh3A_54 = math.tanh %add3A_53 : vector<256x64xf32>
    %mul3A_55 = vector.broadcast %get3A_8 : vector<1x64xf32> to vector<256x64xf32>
    %mul3A_56 = arith.mulf %tanh3A_54, %mul3A_55 : vector<256x64xf32>
    %reduce_sum3A_57 = arith.constant dense<0.000000e+00> : vector<256xf32>
    %reduce_sum3A_58 = vector.multi_reduction <add>, %mul3A_56, %reduce_sum3A_57 [1] : vector<256x64xf32> to vector<256xf32>
    %broadcast_in_dim3A_59 = vector.shape_cast %reduce_sum3A_58 : vector<256xf32> to vector<256x1xf32>
    %swap3A_60 = arith.constant 0 : index
    %swap3A_61 = arith.constant 2 : index
    %swap3A_62 = vector.load %arg7[%swap3A_60, %swap3A_61] : memref<256x64xf32, #tpu.memory_space<vmem>>, vector<256x1xf32>
    tpu.vector_store %arg7[%swap3A_60, %swap3A_61], %broadcast_in_dim3A_59 {strides = array<i32>} : memref<256x64xf32, #tpu.memory_space<vmem>>, vector<256x1xf32>,
    %get3A_63 = arith.constant 0 : index
    %get3A_64 = arith.constant 3 : index
    %get3A_65 = arith.constant 0 : index
    %get3A_66 = vector.load %arg1[%get3A_63, %get3A_64, %get3A_65] : memref<256x50x64xf32, #tpu.memory_space<vmem>>, vector<256x1x64xf32>
    %get3A_67 = vector.shape_cast %get3A_66 : vector<256x1x64xf32> to vector<256x64xf32>
    %get3A_68 = arith.constant 0 : index
    %get3A_69 = arith.constant 0 : index
    %get3A_70 = vector.load %arg3[%get3A_68, %get3A_69] : memref<64x64xf32, #tpu.memory_space<vmem>>, vector<64x64xf32>
    %dot_general3A_71 = arith.constant dense<0.000000e+00> : vector<256x64xf32>
    %dot_general3A_72 = tpu.matmul %get3A_67, %get3A_70, %dot_general3A_71 {dimension_numbers = #tpu.dot_dimension_numbers<[1], [0], [0], [1], [0, 0, 1, 1], [], []>, transpose_lhs_hint = false} : vector<256x64xf32>, vector<64x64xf32>, vector<256x64xf32> -> vector<256x64xf32>
    %add3A_73 = arith.addf %dot_general3A_72, %dot_general3A_5 : vector<256x64xf32>
    %tanh3A_74 = math.tanh %add3A_73 : vector<256x64xf32>
    %mul3A_75 = vector.broadcast %get3A_8 : vector<1x64xf32> to vector<256x64xf32>
    %mul3A_76 = arith.mulf %tanh3A_74, %mul3A_75 : vector<256x64xf32>
    %reduce_sum3A_77 = arith.constant dense<0.000000e+00> : vector<256xf32>
    %reduce_sum3A_78 = vector.multi_reduction <add>, %mul3A_76, %reduce_sum3A_77 [1] : vector<256x64xf32> to vector<256xf32>
    %broadcast_in_dim3A_79 = vector.shape_cast %reduce_sum3A_78 : vector<256xf32> to vector<256x1xf32>
    %swap3A_80 = arith.constant 0 : index
    %swap3A_81 = arith.constant 3 : index
    %swap3A_82 = vector.load %arg7[%swap3A_80, %swap3A_81] : memref<256x64xf32, #tpu.memory_space<vmem>>, vector<256x1xf32>
    tpu.vector_store %arg7[%swap3A_80, %swap3A_81], %broadcast_in_dim3A_79 {strides = array<i32>} : memref<256x64xf32, #tpu.memory_space<vmem>>, vector<256x1xf32>,
    %get3A_83 = arith.constant 0 : index
    %get3A_84 = arith.constant 4 : index
    %get3A_85 = arith.constant 0 : index
    %get3A_86 = vector.load %arg1[%get3A_83, %get3A_84, %get3A_85] : memref<256x50x64xf32, #tpu.memory_space<vmem>>, vector<256x1x64xf32>
    %get3A_87 = vector.shape_cast %get3A_86 : vector<256x1x64xf32> to vector<256x64xf32>
    %get3A_88 = arith.constant 0 : index
    %get3A_89 = arith.constant 0 : index
    %get3A_90 = vector.load %arg3[%get3A_88, %get3A_89] : memref<64x64xf32, #tpu.memory_space<vmem>>, vector<64x64xf32>
    %dot_general3A_91 = arith.constant dense<0.000000e+00> : vector<256x64xf32>
    %dot_general3A_92 = tpu.matmul %get3A_87, %get3A_90, %dot_general3A_91 {dimension_numbers = #tpu.dot_dimension_numbers<[1], [0], [0], [1], [0, 0, 1, 1], [], []>, transpose_lhs_hint = false} : vector<256x64xf32>, vector<64x64xf32>, vector<256x64xf32> -> vector<256x64xf32>
    %add3A_93 = arith.addf %dot_general3A_92, %dot_general3A_5 : vector<256x64xf32>
    %tanh3A_94 = math.tanh %add3A_93 : vector<256x64xf32>
    %mul3A_95 = vector.broadcast %get3A_8 : vector<1x64xf32> to vector<256x64xf32>
    %mul3A_96 = arith.mulf %tanh3A_94, %mul3A_95 : vector<256x64xf32>
    %reduce_sum3A_97 = arith.constant dense<0.000000e+00> : vector<256xf32>
    %reduce_sum3A_98 = vector.multi_reduction <add>, %mul3A_96, %reduce_sum3A_97 [1] : vector<256x64xf32> to vector<256xf32>
    %broadcast_in_dim3A_99 = vector.shape_cast %reduce_sum3A_98 : vector<256xf32> to vector<256x1xf32>
    %swap3A_100 = arith.constant 0 : index
    %swap3A_101 = arith.constant 4 : index
    %swap3A_102 = vector.load %arg7[%swap3A_100, %swap3A_101] : memref<256x64xf32, #tpu.memory_space<vmem>>, vector<256x1xf32>
    tpu.vector_store %arg7[%swap3A_100, %swap3A_101], %broadcast_in_dim3A_99 {strides = array<i32>} : memref<256x64xf32, #tpu.memory_space<vmem>>, vector<256x1xf32>,
    %get3A_103 = arith.constant 0 : index
    %get3A_104 = arith.constant 5 : index
    %get3A_105 = arith.constant 0 : index
    %get3A_106 = vector.load %arg1[%get3A_103, %get3A_104, %get3A_105] : memref<256x50x64xf32, #tpu.memory_space<vmem>>, vector<256x1x64xf32>
    %get3A_107 = vector.shape_cast %get3A_106 : vector<256x1x64xf32> to vector<256x64xf32>
    %get3A_108 = arith.constant 0 : index
    %get3A_109 = arith.constant 0 : index
    %get3A_110 = vector.load %arg3[%get3A_108, %get3A_109] : memref<64x64xf32, #tpu.memory_space<vmem>>, vector<64x64xf32>
    %dot_general3A_111 = arith.constant dense<0.000000e+00> : vector<256x64xf32>
    %dot_general3A_112 = tpu.matmul %get3A_107, %get3A_110, %dot_general3A_111 {dimension_numbers = #tpu.dot_dimension_numbers<[1], [0], [0], [1], [0, 0, 1, 1], [], []>, transpose_lhs_hint = false} : vector<256x64xf32>, vector<64x64xf32>, vector<256x64xf32> -> vector<256x64xf32>
    %add3A_113 = arith.addf %dot_general3A_112, %dot_general3A_5 : vector<256x64xf32>
    %tanh3A_114 = math.tanh %add3A_113 : vector<256x64xf32>
    %mul3A_115 = vector.broadcast %get3A_8 : vector<1x64xf32> to vector<256x64xf32>
    %mul3A_116 = arith.mulf %tanh3A_114, %mul3A_115 : vector<256x64xf32>
    %reduce_sum3A_117 = arith.constant dense<0.000000e+00> : vector<256xf32>
    %reduce_sum3A_118 = vector.multi_reduction <add>, %mul3A_116, %reduce_sum3A_117 [1] : vector<256x64xf32> to vector<256xf32>
    %broadcast_in_dim3A_119 = vector.shape_cast %reduce_sum3A_118 : vector<256xf32> to vector<256x1xf32>
    %swap3A_120 = arith.constant 0 : index
    %swap3A_121 = arith.constant 5 : index
    %swap3A_122 = vector.load %arg7[%swap3A_120, %swap3A_121] : memref<256x64xf32, #tpu.memory_space<vmem>>, vector<256x1xf32>
    tpu.vector_store %arg7[%swap3A_120, %swap3A_121], %broadcast_in_dim3A_119 {strides = array<i32>} : memref<256x64xf32, #tpu.memory_space<vmem>>, vector<256x1xf32>,
    %get3A_123 = arith.constant 0 : index
    %get3A_124 = arith.constant 6 : index
    %get3A_125 = arith.constant 0 : index
    %get3A_126 = vector.load %arg1[%get3A_123, %get3A_124, %get3A_125] : memref<256x50x64xf32, #tpu.memory_space<vmem>>, vector<256x1x64xf32>
    %get3A_127 = vector.shape_cast %get3A_126 : vector<256x1x64xf32> to vector<256x64xf32>
    %get3A_128 = arith.constant 0 : index
    %get3A_129 = arith.constant 0 : index
    %get3A_130 = vector.load %arg3[%get3A_128, %get3A_129] : memref<64x64xf32, #tpu.memory_space<vmem>>, vector<64x64xf32>
    %dot_general3A_131 = arith.constant dense<0.000000e+00> : vector<256x64xf32>
    %dot_general3A_132 = tpu.matmul %get3A_127, %get3A_130, %dot_general3A_131 {dimension_numbers = #tpu.dot_dimension_numbers<[1], [0], [0], [1], [0, 0, 1, 1], [], []>, transpose_lhs_hint = false} : vector<256x64xf32>, vector<64x64xf32>, vector<256x64xf32> -> vector<256x64xf32>
    %add3A_133 = arith.addf %dot_general3A_132, %dot_general3A_5 : vector<256x64xf32>
    %tanh3A_134 = math.tanh %add3A_133 : vector<256x64xf32>
    %mul3A_135 = vector.broadcast %get3A_8 : vector<1x64xf32> to vector<256x64xf32>
    %mul3A_136 = arith.mulf %tanh3A_134, %mul3A_135 : vector<256x64xf32>
    %reduce_sum3A_137 = arith.constant dense<0.000000e+00> : vector<256xf32>
    %reduce_sum3A_138 = vector.multi_reduction <add>, %mul3A_136, %reduce_sum3A_137 [1] : vector<256x64xf32> to vector<256xf32>
    %broadcast_in_dim3A_139 = vector.shape_cast %reduce_sum3A_138 : vector<256xf32> to vector<256x1xf32>
    %swap3A_140 = arith.constant 0 : index
    %swap3A_141 = arith.constant 6 : index
    %swap3A_142 = vector.load %arg7[%swap3A_140, %swap3A_141] : memref<256x64xf32, #tpu.memory_space<vmem>>, vector<256x1xf32>
    tpu.vector_store %arg7[%swap3A_140, %swap3A_141], %broadcast_in_dim3A_139 {strides = array<i32>} : memref<256x64xf32, #tpu.memory_space<vmem>>, vector<256x1xf32>,
    %get3A_143 = arith.constant 0 : index
    %get3A_144 = arith.constant 7 : index
    %get3A_145 = arith.constant 0 : index
    %get3A_146 = vector.load %arg1[%get3A_143, %get3A_144, %get3A_145] : memref<256x50x64xf32, #tpu.memory_space<vmem>>, vector<256x1x64xf32>
    %get3A_147 = vector.shape_cast %get3A_146 : vector<256x1x64xf32> to vector<256x64xf32>
    %get3A_148 = arith.constant 0 : index
    %get3A_149 = arith.constant 0 : index
    %get3A_150 = vector.load %arg3[%get3A_148, %get3A_149] : memref<64x64xf32, #tpu.memory_space<vmem>>, vector<64x64xf32>
    %dot_general3A_151 = arith.constant dense<0.000000e+00> : vector<256x64xf32>
    %dot_general3A_152 = tpu.matmul %get3A_147, %get3A_150, %dot_general3A_151 {dimension_numbers = #tpu.dot_dimension_numbers<[1], [0], [0], [1], [0, 0, 1, 1], [], []>, transpose_lhs_hint = false} : vector<256x64xf32>, vector<64x64xf32>, vector<256x64xf32> -> vector<256x64xf32>
    %add3A_153 = arith.addf %dot_general3A_152, %dot_general3A_5 : vector<256x64xf32>
    %tanh3A_154 = math.tanh %add3A_153 : vector<256x64xf32>
    %mul3A_155 = vector.broadcast %get3A_8 : vector<1x64xf32> to vector<256x64xf32>
    %mul3A_156 = arith.mulf %tanh3A_154, %mul3A_155 : vector<256x64xf32>
    %reduce_sum3A_157 = arith.constant dense<0.000000e+00> : vector<256xf32>
    %reduce_sum3A_158 = vector.multi_reduction <add>, %mul3A_156, %reduce_sum3A_157 [1] : vector<256x64xf32> to vector<256xf32>
    %broadcast_in_dim3A_159 = vector.shape_cast %reduce_sum3A_158 : vector<256xf32> to vector<256x1xf32>
    %swap3A_160 = arith.constant 0 : index
    %swap3A_161 = arith.constant 7 : index
    %swap3A_162 = vector.load %arg7[%swap3A_160, %swap3A_161] : memref<256x64xf32, #tpu.memory_space<vmem>>, vector<256x1xf32>
    tpu.vector_store %arg7[%swap3A_160, %swap3A_161], %broadcast_in_dim3A_159 {strides = array<i32>} : memref<256x64xf32, #tpu.memory_space<vmem>>, vector<256x1xf32>,
    %get3A_163 = arith.constant 0 : index
    %get3A_164 = arith.constant 8 : index
    %get3A_165 = arith.constant 0 : index
    %get3A_166 = vector.load %arg1[%get3A_163, %get3A_164, %get3A_165] : memref<256x50x64xf32, #tpu.memory_space<vmem>>, vector<256x1x64xf32>
    %get3A_167 = vector.shape_cast %get3A_166 : vector<256x1x64xf32> to vector<256x64xf32>
    %get3A_168 = arith.constant 0 : index
    %get3A_169 = arith.constant 0 : index
    %get3A_170 = vector.load %arg3[%get3A_168, %get3A_169] : memref<64x64xf32, #tpu.memory_space<vmem>>, vector<64x64xf32>
    %dot_general3A_171 = arith.constant dense<0.000000e+00> : vector<256x64xf32>
    %dot_general3A_172 = tpu.matmul %get3A_167, %get3A_170, %dot_general3A_171 {dimension_numbers = #tpu.dot_dimension_numbers<[1], [0], [0], [1], [0, 0, 1, 1], [], []>, transpose_lhs_hint = false} : vector<256x64xf32>, vector<64x64xf32>, vector<256x64xf32> -> vector<256x64xf32>
    %add3A_173 = arith.addf %dot_general3A_172, %dot_general3A_5 : vector<256x64xf32>
    %tanh3A_174 = math.tanh %add3A_173 : vector<256x64xf32>
    %mul3A_175 = vector.broadcast %get3A_8 : vector<1x64xf32> to vector<256x64xf32>
    %mul3A_176 = arith.mulf %tanh3A_174, %mul3A_175 : vector<256x64xf32>
    %reduce_sum3A_177 = arith.constant dense<0.000000e+00> : vector<256xf32>
    %reduce_sum3A_178 = vector.multi_reduction <add>, %mul3A_176, %reduce_sum3A_177 [1] : vector<256x64xf32> to vector<256xf32>
    %broadcast_in_dim3A_179 = vector.shape_cast %reduce_sum3A_178 : vector<256xf32> to vector<256x1xf32>
    %swap3A_180 = arith.constant 0 : index
    %swap3A_181 = arith.constant 8 : index
    %swap3A_182 = vector.load %arg7[%swap3A_180, %swap3A_181] : memref<256x64xf32, #tpu.memory_space<vmem>>, vector<256x1xf32>
    tpu.vector_store %arg7[%swap3A_180, %swap3A_181], %broadcast_in_dim3A_179 {strides = array<i32>} : memref<256x64xf32, #tpu.memory_space<vmem>>, vector<256x1xf32>,
    %get3A_183 = arith.constant 0 : index
    %get3A_184 = arith.constant 9 : index
    %get3A_185 = arith.constant 0 : index
    %get3A_186 = vector.load %arg1[%get3A_183, %get3A_184, %get3A_185] : memref<256x50x64xf32, #tpu.memory_space<vmem>>, vector<256x1x64xf32>
    %get3A_187 = vector.shape_cast %get3A_186 : vector<256x1x64xf32> to vector<256x64xf32>
    %get3A_188 = arith.constant 0 : index
    %get3A_189 = arith.constant 0 : index
    %get3A_190 = vector.load %arg3[%get3A_188, %get3A_189] : memref<64x64xf32, #tpu.memory_space<vmem>>, vector<64x64xf32>
    %dot_general3A_191 = arith.constant dense<0.000000e+00> : vector<256x64xf32>
    %dot_general3A_192 = tpu.matmul %get3A_187, %get3A_190, %dot_general3A_191 {dimension_numbers = #tpu.dot_dimension_numbers<[1], [0], [0], [1], [0, 0, 1, 1], [], []>, transpose_lhs_hint = false} : vector<256x64xf32>, vector<64x64xf32>, vector<256x64xf32> -> vector<256x64xf32>
    %add3A_193 = arith.addf %dot_general3A_192, %dot_general3A_5 : vector<256x64xf32>
    %tanh3A_194 = math.tanh %add3A_193 : vector<256x64xf32>
    %mul3A_195 = vector.broadcast %get3A_8 : vector<1x64xf32> to vector<256x64xf32>
    %mul3A_196 = arith.mulf %tanh3A_194, %mul3A_195 : vector<256x64xf32>
    %reduce_sum3A_197 = arith.constant dense<0.000000e+00> : vector<256xf32>
    %reduce_sum3A_198 = vector.multi_reduction <add>, %mul3A_196, %reduce_sum3A_197 [1] : vector<256x64xf32> to vector<256xf32>
    %broadcast_in_dim3A_199 = vector.shape_cast %reduce_sum3A_198 : vector<256xf32> to vector<256x1xf32>
    %swap3A_200 = arith.constant 0 : index
    %swap3A_201 = arith.constant 9 : index
    %swap3A_202 = vector.load %arg7[%swap3A_200, %swap3A_201] : memref<256x64xf32, #tpu.memory_space<vmem>>, vector<256x1xf32>
    tpu.vector_store %arg7[%swap3A_200, %swap3A_201], %broadcast_in_dim3A_199 {strides = array<i32>} : memref<256x64xf32, #tpu.memory_space<vmem>>, vector<256x1xf32>,
    %get3A_203 = arith.constant 0 : index
    %get3A_204 = arith.constant 10 : index
    %get3A_205 = arith.constant 0 : index
    %get3A_206 = vector.load %arg1[%get3A_203, %get3A_204, %get3A_205] : memref<256x50x64xf32, #tpu.memory_space<vmem>>, vector<256x1x64xf32>
    %get3A_207 = vector.shape_cast %get3A_206 : vector<256x1x64xf32> to vector<256x64xf32>
    %get3A_208 = arith.constant 0 : index
    %get3A_209 = arith.constant 0 : index
    %get3A_210 = vector.load %arg3[%get3A_208, %get3A_209] : memref<64x64xf32, #tpu.memory_space<vmem>>, vector<64x64xf32>
    %dot_general3A_211 = arith.constant dense<0.000000e+00> : vector<256x64xf32>
    %dot_general3A_212 = tpu.matmul %get3A_207, %get3A_210, %dot_general3A_211 {dimension_numbers = #tpu.dot_dimension_numbers<[1], [0], [0], [1], [0, 0, 1, 1], [], []>, transpose_lhs_hint = false} : vector<256x64xf32>, vector<64x64xf32>, vector<256x64xf32> -> vector<256x64xf32>
    %add3A_213 = arith.addf %dot_general3A_212, %dot_general3A_5 : vector<256x64xf32>
    %tanh3A_214 = math.tanh %add3A_213 : vector<256x64xf32>
    %mul3A_215 = vector.broadcast %get3A_8 : vector<1x64xf32> to vector<256x64xf32>
    %mul3A_216 = arith.mulf %tanh3A_214, %mul3A_215 : vector<256x64xf32>
    %reduce_sum3A_217 = arith.constant dense<0.000000e+00> : vector<256xf32>
    %reduce_sum3A_218 = vector.multi_reduction <add>, %mul3A_216, %reduce_sum3A_217 [1] : vector<256x64xf32> to vector<256xf32>
    %broadcast_in_dim3A_219 = vector.shape_cast %reduce_sum3A_218 : vector<256xf32> to vector<256x1xf32>
    %swap3A_220 = arith.constant 0 : index
    %swap3A_221 = arith.constant 10 : index
    %swap3A_222 = vector.load %arg7[%swap3A_220, %swap3A_221] : memref<256x64xf32, #tpu.memory_space<vmem>>, vector<256x1xf32>
    tpu.vector_store %arg7[%swap3A_220, %swap3A_221], %broadcast_in_dim3A_219 {strides = array<i32>} : memref<256x64xf32, #tpu.memory_space<vmem>>, vector<256x1xf32>,
    %get3A_223 = arith.constant 0 : index
    %get3A_224 = arith.constant 11 : index
    %get3A_225 = arith.constant 0 : index
    %get3A_226 = vector.load %arg1[%get3A_223, %get3A_224, %get3A_225] : memref<256x50x64xf32, #tpu.memory_space<vmem>>, vector<256x1x64xf32>
    %get3A_227 = vector.shape_cast %get3A_226 : vector<256x1x64xf32> to vector<256x64xf32>
    %get3A_228 = arith.constant 0 : index
    %get3A_229 = arith.constant 0 : index
    %get3A_230 = vector.load %arg3[%get3A_228, %get3A_229] : memref<64x64xf32, #tpu.memory_space<vmem>>, vector<64x64xf32>
    %dot_general3A_231 = arith.constant dense<0.000000e+00> : vector<256x64xf32>
    %dot_general3A_232 = tpu.matmul %get3A_227, %get3A_230, %dot_general3A_231 {dimension_numbers = #tpu.dot_dimension_numbers<[1], [0], [0], [1], [0, 0, 1, 1], [], []>, transpose_lhs_hint = false} : vector<256x64xf32>, vector<64x64xf32>, vector<256x64xf32> -> vector<256x64xf32>
    %add3A_233 = arith.addf %dot_general3A_232, %dot_general3A_5 : vector<256x64xf32>
    %tanh3A_234 = math.tanh %add3A_233 : vector<256x64xf32>
    %mul3A_235 = vector.broadcast %get3A_8 : vector<1x64xf32> to vector<256x64xf32>
    %mul3A_236 = arith.mulf %tanh3A_234, %mul3A_235 : vector<256x64xf32>
    %reduce_sum3A_237 = arith.constant dense<0.000000e+00> : vector<256xf32>
    %reduce_sum3A_238 = vector.multi_reduction <add>, %mul3A_236, %reduce_sum3A_237 [1] : vector<256x64xf32> to vector<256xf32>
    %broadcast_in_dim3A_239 = vector.shape_cast %reduce_sum3A_238 : vector<256xf32> to vector<256x1xf32>
    %swap3A_240 = arith.constant 0 : index
    %swap3A_241 = arith.constant 11 : index
    %swap3A_242 = vector.load %arg7[%swap3A_240, %swap3A_241] : memref<256x64xf32, #tpu.memory_space<vmem>>, vector<256x1xf32>
    tpu.vector_store %arg7[%swap3A_240, %swap3A_241], %broadcast_in_dim3A_239 {strides = array<i32>} : memref<256x64xf32, #tpu.memory_space<vmem>>, vector<256x1xf32>,
    %get3A_243 = arith.constant 0 : index
    %get3A_244 = arith.constant 12 : index
    %get3A_245 = arith.constant 0 : index
    %get3A_246 = vector.load %arg1[%get3A_243, %get3A_244, %get3A_245] : memref<256x50x64xf32, #tpu.memory_space<vmem>>, vector<256x1x64xf32>
    %get3A_247 = vector.shape_cast %get3A_246 : vector<256x1x64xf32> to vector<256x64xf32>
    %get3A_248 = arith.constant 0 : index
    %get3A_249 = arith.constant 0 : index
    %get3A_250 = vector.load %arg3[%get3A_248, %get3A_249] : memref<64x64xf32, #tpu.memory_space<vmem>>, vector<64x64xf32>
    %dot_general3A_251 = arith.constant dense<0.000000e+00> : vector<256x64xf32>
    %dot_general3A_252 = tpu.matmul %get3A_247, %get3A_250, %dot_general3A_251 {dimension_numbers = #tpu.dot_dimension_numbers<[1], [0], [0], [1], [0, 0, 1, 1], [], []>, transpose_lhs_hint = false} : vector<256x64xf32>, vector<64x64xf32>, vector<256x64xf32> -> vector<256x64xf32>
    %add3A_253 = arith.addf %dot_general3A_252, %dot_general3A_5 : vector<256x64xf32>
    %tanh3A_254 = math.tanh %add3A_253 : vector<256x64xf32>
    %mul3A_255 = vector.broadcast %get3A_8 : vector<1x64xf32> to vector<256x64xf32>
    %mul3A_256 = arith.mulf %tanh3A_254, %mul3A_255 : vector<256x64xf32>
    %reduce_sum3A_257 = arith.constant dense<0.000000e+00> : vector<256xf32>
    %reduce_sum3A_258 = vector.multi_reduction <add>, %mul3A_256, %reduce_sum3A_257 [1] : vector<256x64xf32> to vector<256xf32>
    %broadcast_in_dim3A_259 = vector.shape_cast %reduce_sum3A_258 : vector<256xf32> to vector<256x1xf32>
    %swap3A_260 = arith.constant 0 : index
    %swap3A_261 = arith.constant 12 : index
    %swap3A_262 = vector.load %arg7[%swap3A_260, %swap3A_261] : memref<256x64xf32, #tpu.memory_space<vmem>>, vector<256x1xf32>
    tpu.vector_store %arg7[%swap3A_260, %swap3A_261], %broadcast_in_dim3A_259 {strides = array<i32>} : memref<256x64xf32, #tpu.memory_space<vmem>>, vector<256x1xf32>,
    %get3A_263 = arith.constant 0 : index
    %get3A_264 = arith.constant 13 : index
    %get3A_265 = arith.constant 0 : index
    %get3A_266 = vector.load %arg1[%get3A_263, %get3A_264, %get3A_265] : memref<256x50x64xf32, #tpu.memory_space<vmem>>, vector<256x1x64xf32>
    %get3A_267 = vector.shape_cast %get3A_266 : vector<256x1x64xf32> to vector<256x64xf32>
    %get3A_268 = arith.constant 0 : index
    %get3A_269 = arith.constant 0 : index
    %get3A_270 = vector.load %arg3[%get3A_268, %get3A_269] : memref<64x64xf32, #tpu.memory_space<vmem>>, vector<64x64xf32>
    %dot_general3A_271 = arith.constant dense<0.000000e+00> : vector<256x64xf32>
    %dot_general3A_272 = tpu.matmul %get3A_267, %get3A_270, %dot_general3A_271 {dimension_numbers = #tpu.dot_dimension_numbers<[1], [0], [0], [1], [0, 0, 1, 1], [], []>, transpose_lhs_hint = false} : vector<256x64xf32>, vector<64x64xf32>, vector<256x64xf32> -> vector<256x64xf32>
    %add3A_273 = arith.addf %dot_general3A_272, %dot_general3A_5 : vector<256x64xf32>
    %tanh3A_274 = math.tanh %add3A_273 : vector<256x64xf32>
    %mul3A_275 = vector.broadcast %get3A_8 : vector<1x64xf32> to vector<256x64xf32>
    %mul3A_276 = arith.mulf %tanh3A_274, %mul3A_275 : vector<256x64xf32>
    %reduce_sum3A_277 = arith.constant dense<0.000000e+00> : vector<256xf32>
    %reduce_sum3A_278 = vector.multi_reduction <add>, %mul3A_276, %reduce_sum3A_277 [1] : vector<256x64xf32> to vector<256xf32>
    %broadcast_in_dim3A_279 = vector.shape_cast %reduce_sum3A_278 : vector<256xf32> to vector<256x1xf32>
    %swap3A_280 = arith.constant 0 : index
    %swap3A_281 = arith.constant 13 : index
    %swap3A_282 = vector.load %arg7[%swap3A_280, %swap3A_281] : memref<256x64xf32, #tpu.memory_space<vmem>>, vector<256x1xf32>
    tpu.vector_store %arg7[%swap3A_280, %swap3A_281], %broadcast_in_dim3A_279 {strides = array<i32>} : memref<256x64xf32, #tpu.memory_space<vmem>>, vector<256x1xf32>,
    %get3A_283 = arith.constant 0 : index
    %get3A_284 = arith.constant 14 : index
    %get3A_285 = arith.constant 0 : index
    %get3A_286 = vector.load %arg1[%get3A_283, %get3A_284, %get3A_285] : memref<256x50x64xf32, #tpu.memory_space<vmem>>, vector<256x1x64xf32>
    %get3A_287 = vector.shape_cast %get3A_286 : vector<256x1x64xf32> to vector<256x64xf32>
    %get3A_288 = arith.constant 0 : index
    %get3A_289 = arith.constant 0 : index
    %get3A_290 = vector.load %arg3[%get3A_288, %get3A_289] : memref<64x64xf32, #tpu.memory_space<vmem>>, vector<64x64xf32>
    %dot_general3A_291 = arith.constant dense<0.000000e+00> : vector<256x64xf32>
    %dot_general3A_292 = tpu.matmul %get3A_287, %get3A_290, %dot_general3A_291 {dimension_numbers = #tpu.dot_dimension_numbers<[1], [0], [0], [1], [0, 0, 1, 1], [], []>, transpose_lhs_hint = false} : vector<256x64xf32>, vector<64x64xf32>, vector<256x64xf32> -> vector<256x64xf32>
    %add3A_293 = arith.addf %dot_general3A_292, %dot_general3A_5 : vector<256x64xf32>
    %tanh3A_294 = math.tanh %add3A_293 : vector<256x64xf32>
    %mul3A_295 = vector.broadcast %get3A_8 : vector<1x64xf32> to vector<256x64xf32>
    %mul3A_296 = arith.mulf %tanh3A_294, %mul3A_295 : vector<256x64xf32>
    %reduce_sum3A_297 = arith.constant dense<0.000000e+00> : vector<256xf32>
    %reduce_sum3A_298 = vector.multi_reduction <add>, %mul3A_296, %reduce_sum3A_297 [1] : vector<256x64xf32> to vector<256xf32>
    %broadcast_in_dim3A_299 = vector.shape_cast %reduce_sum3A_298 : vector<256xf32> to vector<256x1xf32>
    %swap3A_300 = arith.constant 0 : index
    %swap3A_301 = arith.constant 14 : index
    %swap3A_302 = vector.load %arg7[%swap3A_300, %swap3A_301] : memref<256x64xf32, #tpu.memory_space<vmem>>, vector<256x1xf32>
    tpu.vector_store %arg7[%swap3A_300, %swap3A_301], %broadcast_in_dim3A_299 {strides = array<i32>} : memref<256x64xf32, #tpu.memory_space<vmem>>, vector<256x1xf32>,
    %get3A_303 = arith.constant 0 : index
    %get3A_304 = arith.constant 15 : index
    %get3A_305 = arith.constant 0 : index
    %get3A_306 = vector.load %arg1[%get3A_303, %get3A_304, %get3A_305] : memref<256x50x64xf32, #tpu.memory_space<vmem>>, vector<256x1x64xf32>
    %get3A_307 = vector.shape_cast %get3A_306 : vector<256x1x64xf32> to vector<256x64xf32>
    %get3A_308 = arith.constant 0 : index
    %get3A_309 = arith.constant 0 : index
    %get3A_310 = vector.load %arg3[%get3A_308, %get3A_309] : memref<64x64xf32, #tpu.memory_space<vmem>>, vector<64x64xf32>
    %dot_general3A_311 = arith.constant dense<0.000000e+00> : vector<256x64xf32>
    %dot_general3A_312 = tpu.matmul %get3A_307, %get3A_310, %dot_general3A_311 {dimension_numbers = #tpu.dot_dimension_numbers<[1], [0], [0], [1], [0, 0, 1, 1], [], []>, transpose_lhs_hint = false} : vector<256x64xf32>, vector<64x64xf32>, vector<256x64xf32> -> vector<256x64xf32>
    %add3A_313 = arith.addf %dot_general3A_312, %dot_general3A_5 : vector<256x64xf32>
    %tanh3A_314 = math.tanh %add3A_313 : vector<256x64xf32>
    %mul3A_315 = vector.broadcast %get3A_8 : vector<1x64xf32> to vector<256x64xf32>
    %mul3A_316 = arith.mulf %tanh3A_314, %mul3A_315 : vector<256x64xf32>
    %reduce_sum3A_317 = arith.constant dense<0.000000e+00> : vector<256xf32>
    %reduce_sum3A_318 = vector.multi_reduction <add>, %mul3A_316, %reduce_sum3A_317 [1] : vector<256x64xf32> to vector<256xf32>
    %broadcast_in_dim3A_319 = vector.shape_cast %reduce_sum3A_318 : vector<256xf32> to vector<256x1xf32>
    %swap3A_320 = arith.constant 0 : index
    %swap3A_321 = arith.constant 15 : index
    %swap3A_322 = vector.load %arg7[%swap3A_320, %swap3A_321] : memref<256x64xf32, #tpu.memory_space<vmem>>, vector<256x1xf32>
    tpu.vector_store %arg7[%swap3A_320, %swap3A_321], %broadcast_in_dim3A_319 {strides = array<i32>} : memref<256x64xf32, #tpu.memory_space<vmem>>, vector<256x1xf32>,
    %get3A_323 = arith.constant 0 : index
    %get3A_324 = arith.constant 16 : index
    %get3A_325 = arith.constant 0 : index
    %get3A_326 = vector.load %arg1[%get3A_323, %get3A_324, %get3A_325] : memref<256x50x64xf32, #tpu.memory_space<vmem>>, vector<256x1x64xf32>
    %get3A_327 = vector.shape_cast %get3A_326 : vector<256x1x64xf32> to vector<256x64xf32>
    %get3A_328 = arith.constant 0 : index
    %get3A_329 = arith.constant 0 : index
    %get3A_330 = vector.load %arg3[%get3A_328, %get3A_329] : memref<64x64xf32, #tpu.memory_space<vmem>>, vector<64x64xf32>
    %dot_general3A_331 = arith.constant dense<0.000000e+00> : vector<256x64xf32>
    %dot_general3A_332 = tpu.matmul %get3A_327, %get3A_330, %dot_general3A_331 {dimension_numbers = #tpu.dot_dimension_numbers<[1], [0], [0], [1], [0, 0, 1, 1], [], []>, transpose_lhs_hint = false} : vector<256x64xf32>, vector<64x64xf32>, vector<256x64xf32> -> vector<256x64xf32>
    %add3A_333 = arith.addf %dot_general3A_332, %dot_general3A_5 : vector<256x64xf32>
    %tanh3A_334 = math.tanh %add3A_333 : vector<256x64xf32>
    %mul3A_335 = vector.broadcast %get3A_8 : vector<1x64xf32> to vector<256x64xf32>
    %mul3A_336 = arith.mulf %tanh3A_334, %mul3A_335 : vector<256x64xf32>
    %reduce_sum3A_337 = arith.constant dense<0.000000e+00> : vector<256xf32>
    %reduce_sum3A_338 = vector.multi_reduction <add>, %mul3A_336, %reduce_sum3A_337 [1] : vector<256x64xf32> to vector<256xf32>
    %broadcast_in_dim3A_339 = vector.shape_cast %reduce_sum3A_338 : vector<256xf32> to vector<256x1xf32>
    %swap3A_340 = arith.constant 0 : index
    %swap3A_341 = arith.constant 16 : index
    %swap3A_342 = vector.load %arg7[%swap3A_340, %swap3A_341] : memref<256x64xf32, #tpu.memory_space<vmem>>, vector<256x1xf32>
    tpu.vector_store %arg7[%swap3A_340, %swap3A_341], %broadcast_in_dim3A_339 {strides = array<i32>} : memref<256x64xf32, #tpu.memory_space<vmem>>, vector<256x1xf32>,
    %get3A_343 = arith.constant 0 : index
    %get3A_344 = arith.constant 17 : index
    %get3A_345 = arith.constant 0 : index
    %get3A_346 = vector.load %arg1[%get3A_343, %get3A_344, %get3A_345] : memref<256x50x64xf32, #tpu.memory_space<vmem>>, vector<256x1x64xf32>
    %get3A_347 = vector.shape_cast %get3A_346 : vector<256x1x64xf32> to vector<256x64xf32>
    %get3A_348 = arith.constant 0 : index
    %get3A_349 = arith.constant 0 : index
    %get3A_350 = vector.load %arg3[%get3A_348, %get3A_349] : memref<64x64xf32, #tpu.memory_space<vmem>>, vector<64x64xf32>
    %dot_general3A_351 = arith.constant dense<0.000000e+00> : vector<256x64xf32>
    %dot_general3A_352 = tpu.matmul %get3A_347, %get3A_350, %dot_general3A_351 {dimension_numbers = #tpu.dot_dimension_numbers<[1], [0], [0], [1], [0, 0, 1, 1], [], []>, transpose_lhs_hint = false} : vector<256x64xf32>, vector<64x64xf32>, vector<256x64xf32> -> vector<256x64xf32>
    %add3A_353 = arith.addf %dot_general3A_352, %dot_general3A_5 : vector<256x64xf32>
    %tanh3A_354 = math.tanh %add3A_353 : vector<256x64xf32>
    %mul3A_355 = vector.broadcast %get3A_8 : vector<1x64xf32> to vector<256x64xf32>
    %mul3A_356 = arith.mulf %tanh3A_354, %mul3A_355 : vector<256x64xf32>
    %reduce_sum3A_357 = arith.constant dense<0.000000e+00> : vector<256xf32>
    %reduce_sum3A_358 = vector.multi_reduction <add>, %mul3A_356, %reduce_sum3A_357 [1] : vector<256x64xf32> to vector<256xf32>
    %broadcast_in_dim3A_359 = vector.shape_cast %reduce_sum3A_358 : vector<256xf32> to vector<256x1xf32>
    %swap3A_360 = arith.constant 0 : index
    %swap3A_361 = arith.constant 17 : index
    %swap3A_362 = vector.load %arg7[%swap3A_360, %swap3A_361] : memref<256x64xf32, #tpu.memory_space<vmem>>, vector<256x1xf32>
    tpu.vector_store %arg7[%swap3A_360, %swap3A_361], %broadcast_in_dim3A_359 {strides = array<i32>} : memref<256x64xf32, #tpu.memory_space<vmem>>, vector<256x1xf32>,
    %get3A_363 = arith.constant 0 : index
    %get3A_364 = arith.constant 18 : index
    %get3A_365 = arith.constant 0 : index
    %get3A_366 = vector.load %arg1[%get3A_363, %get3A_364, %get3A_365] : memref<256x50x64xf32, #tpu.memory_space<vmem>>, vector<256x1x64xf32>
    %get3A_367 = vector.shape_cast %get3A_366 : vector<256x1x64xf32> to vector<256x64xf32>
    %get3A_368 = arith.constant 0 : index
    %get3A_369 = arith.constant 0 : index
    %get3A_370 = vector.load %arg3[%get3A_368, %get3A_369] : memref<64x64xf32, #tpu.memory_space<vmem>>, vector<64x64xf32>
    %dot_general3A_371 = arith.constant dense<0.000000e+00> : vector<256x64xf32>
    %dot_general3A_372 = tpu.matmul %get3A_367, %get3A_370, %dot_general3A_371 {dimension_numbers = #tpu.dot_dimension_numbers<[1], [0], [0], [1], [0, 0, 1, 1], [], []>, transpose_lhs_hint = false} : vector<256x64xf32>, vector<64x64xf32>, vector<256x64xf32> -> vector<256x64xf32>
    %add3A_373 = arith.addf %dot_general3A_372, %dot_general3A_5 : vector<256x64xf32>
    %tanh3A_374 = math.tanh %add3A_373 : vector<256x64xf32>
    %mul3A_375 = vector.broadcast %get3A_8 : vector<1x64xf32> to vector<256x64xf32>
    %mul3A_376 = arith.mulf %tanh3A_374, %mul3A_375 : vector<256x64xf32>
    %reduce_sum3A_377 = arith.constant dense<0.000000e+00> : vector<256xf32>
    %reduce_sum3A_378 = vector.multi_reduction <add>, %mul3A_376, %reduce_sum3A_377 [1] : vector<256x64xf32> to vector<256xf32>
    %broadcast_in_dim3A_379 = vector.shape_cast %reduce_sum3A_378 : vector<256xf32> to vector<256x1xf32>
    %swap3A_380 = arith.constant 0 : index
    %swap3A_381 = arith.constant 18 : index
    %swap3A_382 = vector.load %arg7[%swap3A_380, %swap3A_381] : memref<256x64xf32, #tpu.memory_space<vmem>>, vector<256x1xf32>
    tpu.vector_store %arg7[%swap3A_380, %swap3A_381], %broadcast_in_dim3A_379 {strides = array<i32>} : memref<256x64xf32, #tpu.memory_space<vmem>>, vector<256x1xf32>,
    %get3A_383 = arith.constant 0 : index
    %get3A_384 = arith.constant 19 : index
    %get3A_385 = arith.constant 0 : index
    %get3A_386 = vector.load %arg1[%get3A_383, %get3A_384, %get3A_385] : memref<256x50x64xf32, #tpu.memory_space<vmem>>, vector<256x1x64xf32>
    %get3A_387 = vector.shape_cast %get3A_386 : vector<256x1x64xf32> to vector<256x64xf32>
    %get3A_388 = arith.constant 0 : index
    %get3A_389 = arith.constant 0 : index
    %get3A_390 = vector.load %arg3[%get3A_388, %get3A_389] : memref<64x64xf32, #tpu.memory_space<vmem>>, vector<64x64xf32>
    %dot_general3A_391 = arith.constant dense<0.000000e+00> : vector<256x64xf32>
    %dot_general3A_392 = tpu.matmul %get3A_387, %get3A_390, %dot_general3A_391 {dimension_numbers = #tpu.dot_dimension_numbers<[1], [0], [0], [1], [0, 0, 1, 1], [], []>, transpose_lhs_hint = false} : vector<256x64xf32>, vector<64x64xf32>, vector<256x64xf32> -> vector<256x64xf32>
    %add3A_393 = arith.addf %dot_general3A_392, %dot_general3A_5 : vector<256x64xf32>
    %tanh3A_394 = math.tanh %add3A_393 : vector<256x64xf32>
    %mul3A_395 = vector.broadcast %get3A_8 : vector<1x64xf32> to vector<256x64xf32>
    %mul3A_396 = arith.mulf %tanh3A_394, %mul3A_395 : vector<256x64xf32>
    %reduce_sum3A_397 = arith.constant dense<0.000000e+00> : vector<256xf32>
    %reduce_sum3A_398 = vector.multi_reduction <add>, %mul3A_396, %reduce_sum3A_397 [1] : vector<256x64xf32> to vector<256xf32>
    %broadcast_in_dim3A_399 = vector.shape_cast %reduce_sum3A_398 : vector<256xf32> to vector<256x1xf32>
    %swap3A_400 = arith.constant 0 : index
    %swap3A_401 = arith.constant 19 : index
    %swap3A_402 = vector.load %arg7[%swap3A_400, %swap3A_401] : memref<256x64xf32, #tpu.memory_space<vmem>>, vector<256x1xf32>
    tpu.vector_store %arg7[%swap3A_400, %swap3A_401], %broadcast_in_dim3A_399 {strides = array<i32>} : memref<256x64xf32, #tpu.memory_space<vmem>>, vector<256x1xf32>,
    %get3A_403 = arith.constant 0 : index
    %get3A_404 = arith.constant 20 : index
    %get3A_405 = arith.constant 0 : index
    %get3A_406 = vector.load %arg1[%get3A_403, %get3A_404, %get3A_405] : memref<256x50x64xf32, #tpu.memory_space<vmem>>, vector<256x1x64xf32>
    %get3A_407 = vector.shape_cast %get3A_406 : vector<256x1x64xf32> to vector<256x64xf32>
    %get3A_408 = arith.constant 0 : index
    %get3A_409 = arith.constant 0 : index
    %get3A_410 = vector.load %arg3[%get3A_408, %get3A_409] : memref<64x64xf32, #tpu.memory_space<vmem>>, vector<64x64xf32>
    %dot_general3A_411 = arith.constant dense<0.000000e+00> : vector<256x64xf32>
    %dot_general3A_412 = tpu.matmul %get3A_407, %get3A_410, %dot_general3A_411 {dimension_numbers = #tpu.dot_dimension_numbers<[1], [0], [0], [1], [0, 0, 1, 1], [], []>, transpose_lhs_hint = false} : vector<256x64xf32>, vector<64x64xf32>, vector<256x64xf32> -> vector<256x64xf32>
    %add3A_413 = arith.addf %dot_general3A_412, %dot_general3A_5 : vector<256x64xf32>
    %tanh3A_414 = math.tanh %add3A_413 : vector<256x64xf32>
    %mul3A_415 = vector.broadcast %get3A_8 : vector<1x64xf32> to vector<256x64xf32>
    %mul3A_416 = arith.mulf %tanh3A_414, %mul3A_415 : vector<256x64xf32>
    %reduce_sum3A_417 = arith.constant dense<0.000000e+00> : vector<256xf32>
    %reduce_sum3A_418 = vector.multi_reduction <add>, %mul3A_416, %reduce_sum3A_417 [1] : vector<256x64xf32> to vector<256xf32>
    %broadcast_in_dim3A_419 = vector.shape_cast %reduce_sum3A_418 : vector<256xf32> to vector<256x1xf32>
    %swap3A_420 = arith.constant 0 : index
    %swap3A_421 = arith.constant 20 : index
    %swap3A_422 = vector.load %arg7[%swap3A_420, %swap3A_421] : memref<256x64xf32, #tpu.memory_space<vmem>>, vector<256x1xf32>
    tpu.vector_store %arg7[%swap3A_420, %swap3A_421], %broadcast_in_dim3A_419 {strides = array<i32>} : memref<256x64xf32, #tpu.memory_space<vmem>>, vector<256x1xf32>,
    %get3A_423 = arith.constant 0 : index
    %get3A_424 = arith.constant 21 : index
    %get3A_425 = arith.constant 0 : index
    %get3A_426 = vector.load %arg1[%get3A_423, %get3A_424, %get3A_425] : memref<256x50x64xf32, #tpu.memory_space<vmem>>, vector<256x1x64xf32>
    %get3A_427 = vector.shape_cast %get3A_426 : vector<256x1x64xf32> to vector<256x64xf32>
    %get3A_428 = arith.constant 0 : index
    %get3A_429 = arith.constant 0 : index
    %get3A_430 = vector.load %arg3[%get3A_428, %get3A_429] : memref<64x64xf32, #tpu.memory_space<vmem>>, vector<64x64xf32>
    %dot_general3A_431 = arith.constant dense<0.000000e+00> : vector<256x64xf32>
    %dot_general3A_432 = tpu.matmul %get3A_427, %get3A_430, %dot_general3A_431 {dimension_numbers = #tpu.dot_dimension_numbers<[1], [0], [0], [1], [0, 0, 1, 1], [], []>, transpose_lhs_hint = false} : vector<256x64xf32>, vector<64x64xf32>, vector<256x64xf32> -> vector<256x64xf32>
    %add3A_433 = arith.addf %dot_general3A_432, %dot_general3A_5 : vector<256x64xf32>
    %tanh3A_434 = math.tanh %add3A_433 : vector<256x64xf32>
    %mul3A_435 = vector.broadcast %get3A_8 : vector<1x64xf32> to vector<256x64xf32>
    %mul3A_436 = arith.mulf %tanh3A_434, %mul3A_435 : vector<256x64xf32>
    %reduce_sum3A_437 = arith.constant dense<0.000000e+00> : vector<256xf32>
    %reduce_sum3A_438 = vector.multi_reduction <add>, %mul3A_436, %reduce_sum3A_437 [1] : vector<256x64xf32> to vector<256xf32>
    %broadcast_in_dim3A_439 = vector.shape_cast %reduce_sum3A_438 : vector<256xf32> to vector<256x1xf32>
    %swap3A_440 = arith.constant 0 : index
    %swap3A_441 = arith.constant 21 : index
    %swap3A_442 = vector.load %arg7[%swap3A_440, %swap3A_441] : memref<256x64xf32, #tpu.memory_space<vmem>>, vector<256x1xf32>
    tpu.vector_store %arg7[%swap3A_440, %swap3A_441], %broadcast_in_dim3A_439 {strides = array<i32>} : memref<256x64xf32, #tpu.memory_space<vmem>>, vector<256x1xf32>,
    %get3A_443 = arith.constant 0 : index
    %get3A_444 = arith.constant 22 : index
    %get3A_445 = arith.constant 0 : index
    %get3A_446 = vector.load %arg1[%get3A_443, %get3A_444, %get3A_445] : memref<256x50x64xf32, #tpu.memory_space<vmem>>, vector<256x1x64xf32>
    %get3A_447 = vector.shape_cast %get3A_446 : vector<256x1x64xf32> to vector<256x64xf32>
    %get3A_448 = arith.constant 0 : index
    %get3A_449 = arith.constant 0 : index
    %get3A_450 = vector.load %arg3[%get3A_448, %get3A_449] : memref<64x64xf32, #tpu.memory_space<vmem>>, vector<64x64xf32>
    %dot_general3A_451 = arith.constant dense<0.000000e+00> : vector<256x64xf32>
    %dot_general3A_452 = tpu.matmul %get3A_447, %get3A_450, %dot_general3A_451 {dimension_numbers = #tpu.dot_dimension_numbers<[1], [0], [0], [1], [0, 0, 1, 1], [], []>, transpose_lhs_hint = false} : vector<256x64xf32>, vector<64x64xf32>, vector<256x64xf32> -> vector<256x64xf32>
    %add3A_453 = arith.addf %dot_general3A_452, %dot_general3A_5 : vector<256x64xf32>
    %tanh3A_454 = math.tanh %add3A_453 : vector<256x64xf32>
    %mul3A_455 = vector.broadcast %get3A_8 : vector<1x64xf32> to vector<256x64xf32>
    %mul3A_456 = arith.mulf %tanh3A_454, %mul3A_455 : vector<256x64xf32>
    %reduce_sum3A_457 = arith.constant dense<0.000000e+00> : vector<256xf32>
    %reduce_sum3A_458 = vector.multi_reduction <add>, %mul3A_456, %reduce_sum3A_457 [1] : vector<256x64xf32> to vector<256xf32>
    %broadcast_in_dim3A_459 = vector.shape_cast %reduce_sum3A_458 : vector<256xf32> to vector<256x1xf32>
    %swap3A_460 = arith.constant 0 : index
    %swap3A_461 = arith.constant 22 : index
    %swap3A_462 = vector.load %arg7[%swap3A_460, %swap3A_461] : memref<256x64xf32, #tpu.memory_space<vmem>>, vector<256x1xf32>
    tpu.vector_store %arg7[%swap3A_460, %swap3A_461], %broadcast_in_dim3A_459 {strides = array<i32>} : memref<256x64xf32, #tpu.memory_space<vmem>>, vector<256x1xf32>,
    %get3A_463 = arith.constant 0 : index
    %get3A_464 = arith.constant 23 : index
    %get3A_465 = arith.constant 0 : index
    %get3A_466 = vector.load %arg1[%get3A_463, %get3A_464, %get3A_465] : memref<256x50x64xf32, #tpu.memory_space<vmem>>, vector<256x1x64xf32>
    %get3A_467 = vector.shape_cast %get3A_466 : vector<256x1x64xf32> to vector<256x64xf32>
    %get3A_468 = arith.constant 0 : index
    %get3A_469 = arith.constant 0 : index
    %get3A_470 = vector.load %arg3[%get3A_468, %get3A_469] : memref<64x64xf32, #tpu.memory_space<vmem>>, vector<64x64xf32>
    %dot_general3A_471 = arith.constant dense<0.000000e+00> : vector<256x64xf32>
    %dot_general3A_472 = tpu.matmul %get3A_467, %get3A_470, %dot_general3A_471 {dimension_numbers = #tpu.dot_dimension_numbers<[1], [0], [0], [1], [0, 0, 1, 1], [], []>, transpose_lhs_hint = false} : vector<256x64xf32>, vector<64x64xf32>, vector<256x64xf32> -> vector<256x64xf32>
    %add3A_473 = arith.addf %dot_general3A_472, %dot_general3A_5 : vector<256x64xf32>
    %tanh3A_474 = math.tanh %add3A_473 : vector<256x64xf32>
    %mul3A_475 = vector.broadcast %get3A_8 : vector<1x64xf32> to vector<256x64xf32>
    %mul3A_476 = arith.mulf %tanh3A_474, %mul3A_475 : vector<256x64xf32>
    %reduce_sum3A_477 = arith.constant dense<0.000000e+00> : vector<256xf32>
    %reduce_sum3A_478 = vector.multi_reduction <add>, %mul3A_476, %reduce_sum3A_477 [1] : vector<256x64xf32> to vector<256xf32>
    %broadcast_in_dim3A_479 = vector.shape_cast %reduce_sum3A_478 : vector<256xf32> to vector<256x1xf32>
    %swap3A_480 = arith.constant 0 : index
    %swap3A_481 = arith.constant 23 : index
    %swap3A_482 = vector.load %arg7[%swap3A_480, %swap3A_481] : memref<256x64xf32, #tpu.memory_space<vmem>>, vector<256x1xf32>
    tpu.vector_store %arg7[%swap3A_480, %swap3A_481], %broadcast_in_dim3A_479 {strides = array<i32>} : memref<256x64xf32, #tpu.memory_space<vmem>>, vector<256x1xf32>,
    %get3A_483 = arith.constant 0 : index
    %get3A_484 = arith.constant 24 : index
    %get3A_485 = arith.constant 0 : index
    %get3A_486 = vector.load %arg1[%get3A_483, %get3A_484, %get3A_485] : memref<256x50x64xf32, #tpu.memory_space<vmem>>, vector<256x1x64xf32>
    %get3A_487 = vector.shape_cast %get3A_486 : vector<256x1x64xf32> to vector<256x64xf32>
    %get3A_488 = arith.constant 0 : index
    %get3A_489 = arith.constant 0 : index
    %get3A_490 = vector.load %arg3[%get3A_488, %get3A_489] : memref<64x64xf32, #tpu.memory_space<vmem>>, vector<64x64xf32>
    %dot_general3A_491 = arith.constant dense<0.000000e+00> : vector<256x64xf32>
    %dot_general3A_492 = tpu.matmul %get3A_487, %get3A_490, %dot_general3A_491 {dimension_numbers = #tpu.dot_dimension_numbers<[1], [0], [0], [1], [0, 0, 1, 1], [], []>, transpose_lhs_hint = false} : vector<256x64xf32>, vector<64x64xf32>, vector<256x64xf32> -> vector<256x64xf32>
    %add3A_493 = arith.addf %dot_general3A_492, %dot_general3A_5 : vector<256x64xf32>
    %tanh3A_494 = math.tanh %add3A_493 : vector<256x64xf32>
    %mul3A_495 = vector.broadcast %get3A_8 : vector<1x64xf32> to vector<256x64xf32>
    %mul3A_496 = arith.mulf %tanh3A_494, %mul3A_495 : vector<256x64xf32>
    %reduce_sum3A_497 = arith.constant dense<0.000000e+00> : vector<256xf32>
    %reduce_sum3A_498 = vector.multi_reduction <add>, %mul3A_496, %reduce_sum3A_497 [1] : vector<256x64xf32> to vector<256xf32>
    %broadcast_in_dim3A_499 = vector.shape_cast %reduce_sum3A_498 : vector<256xf32> to vector<256x1xf32>
    %swap3A_500 = arith.constant 0 : index
    %swap3A_501 = arith.constant 24 : index
    %swap3A_502 = vector.load %arg7[%swap3A_500, %swap3A_501] : memref<256x64xf32, #tpu.memory_space<vmem>>, vector<256x1xf32>
    tpu.vector_store %arg7[%swap3A_500, %swap3A_501], %broadcast_in_dim3A_499 {strides = array<i32>} : memref<256x64xf32, #tpu.memory_space<vmem>>, vector<256x1xf32>,
    %get3A_503 = arith.constant 0 : index
    %get3A_504 = arith.constant 25 : index
    %get3A_505 = arith.constant 0 : index
    %get3A_506 = vector.load %arg1[%get3A_503, %get3A_504, %get3A_505] : memref<256x50x64xf32, #tpu.memory_space<vmem>>, vector<256x1x64xf32>
    %get3A_507 = vector.shape_cast %get3A_506 : vector<256x1x64xf32> to vector<256x64xf32>
    %get3A_508 = arith.constant 0 : index
    %get3A_509 = arith.constant 0 : index
    %get3A_510 = vector.load %arg3[%get3A_508, %get3A_509] : memref<64x64xf32, #tpu.memory_space<vmem>>, vector<64x64xf32>
    %dot_general3A_511 = arith.constant dense<0.000000e+00> : vector<256x64xf32>
    %dot_general3A_512 = tpu.matmul %get3A_507, %get3A_510, %dot_general3A_511 {dimension_numbers = #tpu.dot_dimension_numbers<[1], [0], [0], [1], [0, 0, 1, 1], [], []>, transpose_lhs_hint = false} : vector<256x64xf32>, vector<64x64xf32>, vector<256x64xf32> -> vector<256x64xf32>
    %add3A_513 = arith.addf %dot_general3A_512, %dot_general3A_5 : vector<256x64xf32>
    %tanh3A_514 = math.tanh %add3A_513 : vector<256x64xf32>
    %mul3A_515 = vector.broadcast %get3A_8 : vector<1x64xf32> to vector<256x64xf32>
    %mul3A_516 = arith.mulf %tanh3A_514, %mul3A_515 : vector<256x64xf32>
    %reduce_sum3A_517 = arith.constant dense<0.000000e+00> : vector<256xf32>
    %reduce_sum3A_518 = vector.multi_reduction <add>, %mul3A_516, %reduce_sum3A_517 [1] : vector<256x64xf32> to vector<256xf32>
    %broadcast_in_dim3A_519 = vector.shape_cast %reduce_sum3A_518 : vector<256xf32> to vector<256x1xf32>
    %swap3A_520 = arith.constant 0 : index
    %swap3A_521 = arith.constant 25 : index
    %swap3A_522 = vector.load %arg7[%swap3A_520, %swap3A_521] : memref<256x64xf32, #tpu.memory_space<vmem>>, vector<256x1xf32>
    tpu.vector_store %arg7[%swap3A_520, %swap3A_521], %broadcast_in_dim3A_519 {strides = array<i32>} : memref<256x64xf32, #tpu.memory_space<vmem>>, vector<256x1xf32>,
    %get3A_523 = arith.constant 0 : index
    %get3A_524 = arith.constant 26 : index
    %get3A_525 = arith.constant 0 : index
    %get3A_526 = vector.load %arg1[%get3A_523, %get3A_524, %get3A_525] : memref<256x50x64xf32, #tpu.memory_space<vmem>>, vector<256x1x64xf32>
    %get3A_527 = vector.shape_cast %get3A_526 : vector<256x1x64xf32> to vector<256x64xf32>
    %get3A_528 = arith.constant 0 : index
    %get3A_529 = arith.constant 0 : index
    %get3A_530 = vector.load %arg3[%get3A_528, %get3A_529] : memref<64x64xf32, #tpu.memory_space<vmem>>, vector<64x64xf32>
    %dot_general3A_531 = arith.constant dense<0.000000e+00> : vector<256x64xf32>
    %dot_general3A_532 = tpu.matmul %get3A_527, %get3A_530, %dot_general3A_531 {dimension_numbers = #tpu.dot_dimension_numbers<[1], [0], [0], [1], [0, 0, 1, 1], [], []>, transpose_lhs_hint = false} : vector<256x64xf32>, vector<64x64xf32>, vector<256x64xf32> -> vector<256x64xf32>
    %add3A_533 = arith.addf %dot_general3A_532, %dot_general3A_5 : vector<256x64xf32>
    %tanh3A_534 = math.tanh %add3A_533 : vector<256x64xf32>
    %mul3A_535 = vector.broadcast %get3A_8 : vector<1x64xf32> to vector<256x64xf32>
    %mul3A_536 = arith.mulf %tanh3A_534, %mul3A_535 : vector<256x64xf32>
    %reduce_sum3A_537 = arith.constant dense<0.000000e+00> : vector<256xf32>
    %reduce_sum3A_538 = vector.multi_reduction <add>, %mul3A_536, %reduce_sum3A_537 [1] : vector<256x64xf32> to vector<256xf32>
    %broadcast_in_dim3A_539 = vector.shape_cast %reduce_sum3A_538 : vector<256xf32> to vector<256x1xf32>
    %swap3A_540 = arith.constant 0 : index
    %swap3A_541 = arith.constant 26 : index
    %swap3A_542 = vector.load %arg7[%swap3A_540, %swap3A_541] : memref<256x64xf32, #tpu.memory_space<vmem>>, vector<256x1xf32>
    tpu.vector_store %arg7[%swap3A_540, %swap3A_541], %broadcast_in_dim3A_539 {strides = array<i32>} : memref<256x64xf32, #tpu.memory_space<vmem>>, vector<256x1xf32>,
    %get3A_543 = arith.constant 0 : index
    %get3A_544 = arith.constant 27 : index
    %get3A_545 = arith.constant 0 : index
    %get3A_546 = vector.load %arg1[%get3A_543, %get3A_544, %get3A_545] : memref<256x50x64xf32, #tpu.memory_space<vmem>>, vector<256x1x64xf32>
    %get3A_547 = vector.shape_cast %get3A_546 : vector<256x1x64xf32> to vector<256x64xf32>
    %get3A_548 = arith.constant 0 : index
    %get3A_549 = arith.constant 0 : index
    %get3A_550 = vector.load %arg3[%get3A_548, %get3A_549] : memref<64x64xf32, #tpu.memory_space<vmem>>, vector<64x64xf32>
    %dot_general3A_551 = arith.constant dense<0.000000e+00> : vector<256x64xf32>
    %dot_general3A_552 = tpu.matmul %get3A_547, %get3A_550, %dot_general3A_551 {dimension_numbers = #tpu.dot_dimension_numbers<[1], [0], [0], [1], [0, 0, 1, 1], [], []>, transpose_lhs_hint = false} : vector<256x64xf32>, vector<64x64xf32>, vector<256x64xf32> -> vector<256x64xf32>
    %add3A_553 = arith.addf %dot_general3A_552, %dot_general3A_5 : vector<256x64xf32>
    %tanh3A_554 = math.tanh %add3A_553 : vector<256x64xf32>
    %mul3A_555 = vector.broadcast %get3A_8 : vector<1x64xf32> to vector<256x64xf32>
    %mul3A_556 = arith.mulf %tanh3A_554, %mul3A_555 : vector<256x64xf32>
    %reduce_sum3A_557 = arith.constant dense<0.000000e+00> : vector<256xf32>
    %reduce_sum3A_558 = vector.multi_reduction <add>, %mul3A_556, %reduce_sum3A_557 [1] : vector<256x64xf32> to vector<256xf32>
    %broadcast_in_dim3A_559 = vector.shape_cast %reduce_sum3A_558 : vector<256xf32> to vector<256x1xf32>
    %swap3A_560 = arith.constant 0 : index
    %swap3A_561 = arith.constant 27 : index
    %swap3A_562 = vector.load %arg7[%swap3A_560, %swap3A_561] : memref<256x64xf32, #tpu.memory_space<vmem>>, vector<256x1xf32>
    tpu.vector_store %arg7[%swap3A_560, %swap3A_561], %broadcast_in_dim3A_559 {strides = array<i32>} : memref<256x64xf32, #tpu.memory_space<vmem>>, vector<256x1xf32>,
    %get3A_563 = arith.constant 0 : index
    %get3A_564 = arith.constant 28 : index
    %get3A_565 = arith.constant 0 : index
    %get3A_566 = vector.load %arg1[%get3A_563, %get3A_564, %get3A_565] : memref<256x50x64xf32, #tpu.memory_space<vmem>>, vector<256x1x64xf32>
    %get3A_567 = vector.shape_cast %get3A_566 : vector<256x1x64xf32> to vector<256x64xf32>
    %get3A_568 = arith.constant 0 : index
    %get3A_569 = arith.constant 0 : index
    %get3A_570 = vector.load %arg3[%get3A_568, %get3A_569] : memref<64x64xf32, #tpu.memory_space<vmem>>, vector<64x64xf32>
    %dot_general3A_571 = arith.constant dense<0.000000e+00> : vector<256x64xf32>
    %dot_general3A_572 = tpu.matmul %get3A_567, %get3A_570, %dot_general3A_571 {dimension_numbers = #tpu.dot_dimension_numbers<[1], [0], [0], [1], [0, 0, 1, 1], [], []>, transpose_lhs_hint = false} : vector<256x64xf32>, vector<64x64xf32>, vector<256x64xf32> -> vector<256x64xf32>
    %add3A_573 = arith.addf %dot_general3A_572, %dot_general3A_5 : vector<256x64xf32>
    %tanh3A_574 = math.tanh %add3A_573 : vector<256x64xf32>
    %mul3A_575 = vector.broadcast %get3A_8 : vector<1x64xf32> to vector<256x64xf32>
    %mul3A_576 = arith.mulf %tanh3A_574, %mul3A_575 : vector<256x64xf32>
    %reduce_sum3A_577 = arith.constant dense<0.000000e+00> : vector<256xf32>
    %reduce_sum3A_578 = vector.multi_reduction <add>, %mul3A_576, %reduce_sum3A_577 [1] : vector<256x64xf32> to vector<256xf32>
    %broadcast_in_dim3A_579 = vector.shape_cast %reduce_sum3A_578 : vector<256xf32> to vector<256x1xf32>
    %swap3A_580 = arith.constant 0 : index
    %swap3A_581 = arith.constant 28 : index
    %swap3A_582 = vector.load %arg7[%swap3A_580, %swap3A_581] : memref<256x64xf32, #tpu.memory_space<vmem>>, vector<256x1xf32>
    tpu.vector_store %arg7[%swap3A_580, %swap3A_581], %broadcast_in_dim3A_579 {strides = array<i32>} : memref<256x64xf32, #tpu.memory_space<vmem>>, vector<256x1xf32>,
    %get3A_583 = arith.constant 0 : index
    %get3A_584 = arith.constant 29 : index
    %get3A_585 = arith.constant 0 : index
    %get3A_586 = vector.load %arg1[%get3A_583, %get3A_584, %get3A_585] : memref<256x50x64xf32, #tpu.memory_space<vmem>>, vector<256x1x64xf32>
    %get3A_587 = vector.shape_cast %get3A_586 : vector<256x1x64xf32> to vector<256x64xf32>
    %get3A_588 = arith.constant 0 : index
    %get3A_589 = arith.constant 0 : index
    %get3A_590 = vector.load %arg3[%get3A_588, %get3A_589] : memref<64x64xf32, #tpu.memory_space<vmem>>, vector<64x64xf32>
    %dot_general3A_591 = arith.constant dense<0.000000e+00> : vector<256x64xf32>
    %dot_general3A_592 = tpu.matmul %get3A_587, %get3A_590, %dot_general3A_591 {dimension_numbers = #tpu.dot_dimension_numbers<[1], [0], [0], [1], [0, 0, 1, 1], [], []>, transpose_lhs_hint = false} : vector<256x64xf32>, vector<64x64xf32>, vector<256x64xf32> -> vector<256x64xf32>
    %add3A_593 = arith.addf %dot_general3A_592, %dot_general3A_5 : vector<256x64xf32>
    %tanh3A_594 = math.tanh %add3A_593 : vector<256x64xf32>
    %mul3A_595 = vector.broadcast %get3A_8 : vector<1x64xf32> to vector<256x64xf32>
    %mul3A_596 = arith.mulf %tanh3A_594, %mul3A_595 : vector<256x64xf32>
    %reduce_sum3A_597 = arith.constant dense<0.000000e+00> : vector<256xf32>
    %reduce_sum3A_598 = vector.multi_reduction <add>, %mul3A_596, %reduce_sum3A_597 [1] : vector<256x64xf32> to vector<256xf32>
    %broadcast_in_dim3A_599 = vector.shape_cast %reduce_sum3A_598 : vector<256xf32> to vector<256x1xf32>
    %swap3A_600 = arith.constant 0 : index
    %swap3A_601 = arith.constant 29 : index
    %swap3A_602 = vector.load %arg7[%swap3A_600, %swap3A_601] : memref<256x64xf32, #tpu.memory_space<vmem>>, vector<256x1xf32>
    tpu.vector_store %arg7[%swap3A_600, %swap3A_601], %broadcast_in_dim3A_599 {strides = array<i32>} : memref<256x64xf32, #tpu.memory_space<vmem>>, vector<256x1xf32>,
    %get3A_603 = arith.constant 0 : index
    %get3A_604 = arith.constant 30 : index
    %get3A_605 = arith.constant 0 : index
    %get3A_606 = vector.load %arg1[%get3A_603, %get3A_604, %get3A_605] : memref<256x50x64xf32, #tpu.memory_space<vmem>>, vector<256x1x64xf32>
    %get3A_607 = vector.shape_cast %get3A_606 : vector<256x1x64xf32> to vector<256x64xf32>
    %get3A_608 = arith.constant 0 : index
    %get3A_609 = arith.constant 0 : index
    %get3A_610 = vector.load %arg3[%get3A_608, %get3A_609] : memref<64x64xf32, #tpu.memory_space<vmem>>, vector<64x64xf32>
    %dot_general3A_611 = arith.constant dense<0.000000e+00> : vector<256x64xf32>
    %dot_general3A_612 = tpu.matmul %get3A_607, %get3A_610, %dot_general3A_611 {dimension_numbers = #tpu.dot_dimension_numbers<[1], [0], [0], [1], [0, 0, 1, 1], [], []>, transpose_lhs_hint = false} : vector<256x64xf32>, vector<64x64xf32>, vector<256x64xf32> -> vector<256x64xf32>
    %add3A_613 = arith.addf %dot_general3A_612, %dot_general3A_5 : vector<256x64xf32>
    %tanh3A_614 = math.tanh %add3A_613 : vector<256x64xf32>
    %mul3A_615 = vector.broadcast %get3A_8 : vector<1x64xf32> to vector<256x64xf32>
    %mul3A_616 = arith.mulf %tanh3A_614, %mul3A_615 : vector<256x64xf32>
    %reduce_sum3A_617 = arith.constant dense<0.000000e+00> : vector<256xf32>
    %reduce_sum3A_618 = vector.multi_reduction <add>, %mul3A_616, %reduce_sum3A_617 [1] : vector<256x64xf32> to vector<256xf32>
    %broadcast_in_dim3A_619 = vector.shape_cast %reduce_sum3A_618 : vector<256xf32> to vector<256x1xf32>
    %swap3A_620 = arith.constant 0 : index
    %swap3A_621 = arith.constant 30 : index
    %swap3A_622 = vector.load %arg7[%swap3A_620, %swap3A_621] : memref<256x64xf32, #tpu.memory_space<vmem>>, vector<256x1xf32>
    tpu.vector_store %arg7[%swap3A_620, %swap3A_621], %broadcast_in_dim3A_619 {strides = array<i32>} : memref<256x64xf32, #tpu.memory_space<vmem>>, vector<256x1xf32>,
    %get3A_623 = arith.constant 0 : index
    %get3A_624 = arith.constant 31 : index
    %get3A_625 = arith.constant 0 : index
    %get3A_626 = vector.load %arg1[%get3A_623, %get3A_624, %get3A_625] : memref<256x50x64xf32, #tpu.memory_space<vmem>>, vector<256x1x64xf32>
    %get3A_627 = vector.shape_cast %get3A_626 : vector<256x1x64xf32> to vector<256x64xf32>
    %get3A_628 = arith.constant 0 : index
    %get3A_629 = arith.constant 0 : index
    %get3A_630 = vector.load %arg3[%get3A_628, %get3A_629] : memref<64x64xf32, #tpu.memory_space<vmem>>, vector<64x64xf32>
    %dot_general3A_631 = arith.constant dense<0.000000e+00> : vector<256x64xf32>
    %dot_general3A_632 = tpu.matmul %get3A_627, %get3A_630, %dot_general3A_631 {dimension_numbers = #tpu.dot_dimension_numbers<[1], [0], [0], [1], [0, 0, 1, 1], [], []>, transpose_lhs_hint = false} : vector<256x64xf32>, vector<64x64xf32>, vector<256x64xf32> -> vector<256x64xf32>
    %add3A_633 = arith.addf %dot_general3A_632, %dot_general3A_5 : vector<256x64xf32>
    %tanh3A_634 = math.tanh %add3A_633 : vector<256x64xf32>
    %mul3A_635 = vector.broadcast %get3A_8 : vector<1x64xf32> to vector<256x64xf32>
    %mul3A_636 = arith.mulf %tanh3A_634, %mul3A_635 : vector<256x64xf32>
    %reduce_sum3A_637 = arith.constant dense<0.000000e+00> : vector<256xf32>
    %reduce_sum3A_638 = vector.multi_reduction <add>, %mul3A_636, %reduce_sum3A_637 [1] : vector<256x64xf32> to vector<256xf32>
    %broadcast_in_dim3A_639 = vector.shape_cast %reduce_sum3A_638 : vector<256xf32> to vector<256x1xf32>
    %swap3A_640 = arith.constant 0 : index
    %swap3A_641 = arith.constant 31 : index
    %swap3A_642 = vector.load %arg7[%swap3A_640, %swap3A_641] : memref<256x64xf32, #tpu.memory_space<vmem>>, vector<256x1xf32>
    tpu.vector_store %arg7[%swap3A_640, %swap3A_641], %broadcast_in_dim3A_639 {strides = array<i32>} : memref<256x64xf32, #tpu.memory_space<vmem>>, vector<256x1xf32>,
    %get3A_643 = arith.constant 0 : index
    %get3A_644 = arith.constant 32 : index
    %get3A_645 = arith.constant 0 : index
    %get3A_646 = vector.load %arg1[%get3A_643, %get3A_644, %get3A_645] : memref<256x50x64xf32, #tpu.memory_space<vmem>>, vector<256x1x64xf32>
    %get3A_647 = vector.shape_cast %get3A_646 : vector<256x1x64xf32> to vector<256x64xf32>
    %get3A_648 = arith.constant 0 : index
    %get3A_649 = arith.constant 0 : index
    %get3A_650 = vector.load %arg3[%get3A_648, %get3A_649] : memref<64x64xf32, #tpu.memory_space<vmem>>, vector<64x64xf32>
    %dot_general3A_651 = arith.constant dense<0.000000e+00> : vector<256x64xf32>
    %dot_general3A_652 = tpu.matmul %get3A_647, %get3A_650, %dot_general3A_651 {dimension_numbers = #tpu.dot_dimension_numbers<[1], [0], [0], [1], [0, 0, 1, 1], [], []>, transpose_lhs_hint = false} : vector<256x64xf32>, vector<64x64xf32>, vector<256x64xf32> -> vector<256x64xf32>
    %add3A_653 = arith.addf %dot_general3A_652, %dot_general3A_5 : vector<256x64xf32>
    %tanh3A_654 = math.tanh %add3A_653 : vector<256x64xf32>
    %mul3A_655 = vector.broadcast %get3A_8 : vector<1x64xf32> to vector<256x64xf32>
    %mul3A_656 = arith.mulf %tanh3A_654, %mul3A_655 : vector<256x64xf32>
    %reduce_sum3A_657 = arith.constant dense<0.000000e+00> : vector<256xf32>
    %reduce_sum3A_658 = vector.multi_reduction <add>, %mul3A_656, %reduce_sum3A_657 [1] : vector<256x64xf32> to vector<256xf32>
    %broadcast_in_dim3A_659 = vector.shape_cast %reduce_sum3A_658 : vector<256xf32> to vector<256x1xf32>
    %swap3A_660 = arith.constant 0 : index
    %swap3A_661 = arith.constant 32 : index
    %swap3A_662 = vector.load %arg7[%swap3A_660, %swap3A_661] : memref<256x64xf32, #tpu.memory_space<vmem>>, vector<256x1xf32>
    tpu.vector_store %arg7[%swap3A_660, %swap3A_661], %broadcast_in_dim3A_659 {strides = array<i32>} : memref<256x64xf32, #tpu.memory_space<vmem>>, vector<256x1xf32>,
    %get3A_663 = arith.constant 0 : index
    %get3A_664 = arith.constant 33 : index
    %get3A_665 = arith.constant 0 : index
    %get3A_666 = vector.load %arg1[%get3A_663, %get3A_664, %get3A_665] : memref<256x50x64xf32, #tpu.memory_space<vmem>>, vector<256x1x64xf32>
    %get3A_667 = vector.shape_cast %get3A_666 : vector<256x1x64xf32> to vector<256x64xf32>
    %get3A_668 = arith.constant 0 : index
    %get3A_669 = arith.constant 0 : index
    %get3A_670 = vector.load %arg3[%get3A_668, %get3A_669] : memref<64x64xf32, #tpu.memory_space<vmem>>, vector<64x64xf32>
    %dot_general3A_671 = arith.constant dense<0.000000e+00> : vector<256x64xf32>
    %dot_general3A_672 = tpu.matmul %get3A_667, %get3A_670, %dot_general3A_671 {dimension_numbers = #tpu.dot_dimension_numbers<[1], [0], [0], [1], [0, 0, 1, 1], [], []>, transpose_lhs_hint = false} : vector<256x64xf32>, vector<64x64xf32>, vector<256x64xf32> -> vector<256x64xf32>
    %add3A_673 = arith.addf %dot_general3A_672, %dot_general3A_5 : vector<256x64xf32>
    %tanh3A_674 = math.tanh %add3A_673 : vector<256x64xf32>
    %mul3A_675 = vector.broadcast %get3A_8 : vector<1x64xf32> to vector<256x64xf32>
    %mul3A_676 = arith.mulf %tanh3A_674, %mul3A_675 : vector<256x64xf32>
    %reduce_sum3A_677 = arith.constant dense<0.000000e+00> : vector<256xf32>
    %reduce_sum3A_678 = vector.multi_reduction <add>, %mul3A_676, %reduce_sum3A_677 [1] : vector<256x64xf32> to vector<256xf32>
    %broadcast_in_dim3A_679 = vector.shape_cast %reduce_sum3A_678 : vector<256xf32> to vector<256x1xf32>
    %swap3A_680 = arith.constant 0 : index
    %swap3A_681 = arith.constant 33 : index
    %swap3A_682 = vector.load %arg7[%swap3A_680, %swap3A_681] : memref<256x64xf32, #tpu.memory_space<vmem>>, vector<256x1xf32>
    tpu.vector_store %arg7[%swap3A_680, %swap3A_681], %broadcast_in_dim3A_679 {strides = array<i32>} : memref<256x64xf32, #tpu.memory_space<vmem>>, vector<256x1xf32>,
    %get3A_683 = arith.constant 0 : index
    %get3A_684 = arith.constant 34 : index
    %get3A_685 = arith.constant 0 : index
    %get3A_686 = vector.load %arg1[%get3A_683, %get3A_684, %get3A_685] : memref<256x50x64xf32, #tpu.memory_space<vmem>>, vector<256x1x64xf32>
    %get3A_687 = vector.shape_cast %get3A_686 : vector<256x1x64xf32> to vector<256x64xf32>
    %get3A_688 = arith.constant 0 : index
    %get3A_689 = arith.constant 0 : index
    %get3A_690 = vector.load %arg3[%get3A_688, %get3A_689] : memref<64x64xf32, #tpu.memory_space<vmem>>, vector<64x64xf32>
    %dot_general3A_691 = arith.constant dense<0.000000e+00> : vector<256x64xf32>
    %dot_general3A_692 = tpu.matmul %get3A_687, %get3A_690, %dot_general3A_691 {dimension_numbers = #tpu.dot_dimension_numbers<[1], [0], [0], [1], [0, 0, 1, 1], [], []>, transpose_lhs_hint = false} : vector<256x64xf32>, vector<64x64xf32>, vector<256x64xf32> -> vector<256x64xf32>
    %add3A_693 = arith.addf %dot_general3A_692, %dot_general3A_5 : vector<256x64xf32>
    %tanh3A_694 = math.tanh %add3A_693 : vector<256x64xf32>
    %mul3A_695 = vector.broadcast %get3A_8 : vector<1x64xf32> to vector<256x64xf32>
    %mul3A_696 = arith.mulf %tanh3A_694, %mul3A_695 : vector<256x64xf32>
    %reduce_sum3A_697 = arith.constant dense<0.000000e+00> : vector<256xf32>
    %reduce_sum3A_698 = vector.multi_reduction <add>, %mul3A_696, %reduce_sum3A_697 [1] : vector<256x64xf32> to vector<256xf32>
    %broadcast_in_dim3A_699 = vector.shape_cast %reduce_sum3A_698 : vector<256xf32> to vector<256x1xf32>
    %swap3A_700 = arith.constant 0 : index
    %swap3A_701 = arith.constant 34 : index
    %swap3A_702 = vector.load %arg7[%swap3A_700, %swap3A_701] : memref<256x64xf32, #tpu.memory_space<vmem>>, vector<256x1xf32>
    tpu.vector_store %arg7[%swap3A_700, %swap3A_701], %broadcast_in_dim3A_699 {strides = array<i32>} : memref<256x64xf32, #tpu.memory_space<vmem>>, vector<256x1xf32>,
    %get3A_703 = arith.constant 0 : index
    %get3A_704 = arith.constant 35 : index
    %get3A_705 = arith.constant 0 : index
    %get3A_706 = vector.load %arg1[%get3A_703, %get3A_704, %get3A_705] : memref<256x50x64xf32, #tpu.memory_space<vmem>>, vector<256x1x64xf32>
    %get3A_707 = vector.shape_cast %get3A_706 : vector<256x1x64xf32> to vector<256x64xf32>
    %get3A_708 = arith.constant 0 : index
    %get3A_709 = arith.constant 0 : index
    %get3A_710 = vector.load %arg3[%get3A_708, %get3A_709] : memref<64x64xf32, #tpu.memory_space<vmem>>, vector<64x64xf32>
    %dot_general3A_711 = arith.constant dense<0.000000e+00> : vector<256x64xf32>
    %dot_general3A_712 = tpu.matmul %get3A_707, %get3A_710, %dot_general3A_711 {dimension_numbers = #tpu.dot_dimension_numbers<[1], [0], [0], [1], [0, 0, 1, 1], [], []>, transpose_lhs_hint = false} : vector<256x64xf32>, vector<64x64xf32>, vector<256x64xf32> -> vector<256x64xf32>
    %add3A_713 = arith.addf %dot_general3A_712, %dot_general3A_5 : vector<256x64xf32>
    %tanh3A_714 = math.tanh %add3A_713 : vector<256x64xf32>
    %mul3A_715 = vector.broadcast %get3A_8 : vector<1x64xf32> to vector<256x64xf32>
    %mul3A_716 = arith.mulf %tanh3A_714, %mul3A_715 : vector<256x64xf32>
    %reduce_sum3A_717 = arith.constant dense<0.000000e+00> : vector<256xf32>
    %reduce_sum3A_718 = vector.multi_reduction <add>, %mul3A_716, %reduce_sum3A_717 [1] : vector<256x64xf32> to vector<256xf32>
    %broadcast_in_dim3A_719 = vector.shape_cast %reduce_sum3A_718 : vector<256xf32> to vector<256x1xf32>
    %swap3A_720 = arith.constant 0 : index
    %swap3A_721 = arith.constant 35 : index
    %swap3A_722 = vector.load %arg7[%swap3A_720, %swap3A_721] : memref<256x64xf32, #tpu.memory_space<vmem>>, vector<256x1xf32>
    tpu.vector_store %arg7[%swap3A_720, %swap3A_721], %broadcast_in_dim3A_719 {strides = array<i32>} : memref<256x64xf32, #tpu.memory_space<vmem>>, vector<256x1xf32>,
    %get3A_723 = arith.constant 0 : index
    %get3A_724 = arith.constant 36 : index
    %get3A_725 = arith.constant 0 : index
    %get3A_726 = vector.load %arg1[%get3A_723, %get3A_724, %get3A_725] : memref<256x50x64xf32, #tpu.memory_space<vmem>>, vector<256x1x64xf32>
    %get3A_727 = vector.shape_cast %get3A_726 : vector<256x1x64xf32> to vector<256x64xf32>
    %get3A_728 = arith.constant 0 : index
    %get3A_729 = arith.constant 0 : index
    %get3A_730 = vector.load %arg3[%get3A_728, %get3A_729] : memref<64x64xf32, #tpu.memory_space<vmem>>, vector<64x64xf32>
    %dot_general3A_731 = arith.constant dense<0.000000e+00> : vector<256x64xf32>
    %dot_general3A_732 = tpu.matmul %get3A_727, %get3A_730, %dot_general3A_731 {dimension_numbers = #tpu.dot_dimension_numbers<[1], [0], [0], [1], [0, 0, 1, 1], [], []>, transpose_lhs_hint = false} : vector<256x64xf32>, vector<64x64xf32>, vector<256x64xf32> -> vector<256x64xf32>
    %add3A_733 = arith.addf %dot_general3A_732, %dot_general3A_5 : vector<256x64xf32>
    %tanh3A_734 = math.tanh %add3A_733 : vector<256x64xf32>
    %mul3A_735 = vector.broadcast %get3A_8 : vector<1x64xf32> to vector<256x64xf32>
    %mul3A_736 = arith.mulf %tanh3A_734, %mul3A_735 : vector<256x64xf32>
    %reduce_sum3A_737 = arith.constant dense<0.000000e+00> : vector<256xf32>
    %reduce_sum3A_738 = vector.multi_reduction <add>, %mul3A_736, %reduce_sum3A_737 [1] : vector<256x64xf32> to vector<256xf32>
    %broadcast_in_dim3A_739 = vector.shape_cast %reduce_sum3A_738 : vector<256xf32> to vector<256x1xf32>
    %swap3A_740 = arith.constant 0 : index
    %swap3A_741 = arith.constant 36 : index
    %swap3A_742 = vector.load %arg7[%swap3A_740, %swap3A_741] : memref<256x64xf32, #tpu.memory_space<vmem>>, vector<256x1xf32>
    tpu.vector_store %arg7[%swap3A_740, %swap3A_741], %broadcast_in_dim3A_739 {strides = array<i32>} : memref<256x64xf32, #tpu.memory_space<vmem>>, vector<256x1xf32>,
    %get3A_743 = arith.constant 0 : index
    %get3A_744 = arith.constant 37 : index
    %get3A_745 = arith.constant 0 : index
    %get3A_746 = vector.load %arg1[%get3A_743, %get3A_744, %get3A_745] : memref<256x50x64xf32, #tpu.memory_space<vmem>>, vector<256x1x64xf32>
    %get3A_747 = vector.shape_cast %get3A_746 : vector<256x1x64xf32> to vector<256x64xf32>
    %get3A_748 = arith.constant 0 : index
    %get3A_749 = arith.constant 0 : index
    %get3A_750 = vector.load %arg3[%get3A_748, %get3A_749] : memref<64x64xf32, #tpu.memory_space<vmem>>, vector<64x64xf32>
    %dot_general3A_751 = arith.constant dense<0.000000e+00> : vector<256x64xf32>
    %dot_general3A_752 = tpu.matmul %get3A_747, %get3A_750, %dot_general3A_751 {dimension_numbers = #tpu.dot_dimension_numbers<[1], [0], [0], [1], [0, 0, 1, 1], [], []>, transpose_lhs_hint = false} : vector<256x64xf32>, vector<64x64xf32>, vector<256x64xf32> -> vector<256x64xf32>
    %add3A_753 = arith.addf %dot_general3A_752, %dot_general3A_5 : vector<256x64xf32>
    %tanh3A_754 = math.tanh %add3A_753 : vector<256x64xf32>
    %mul3A_755 = vector.broadcast %get3A_8 : vector<1x64xf32> to vector<256x64xf32>
    %mul3A_756 = arith.mulf %tanh3A_754, %mul3A_755 : vector<256x64xf32>
    %reduce_sum3A_757 = arith.constant dense<0.000000e+00> : vector<256xf32>
    %reduce_sum3A_758 = vector.multi_reduction <add>, %mul3A_756, %reduce_sum3A_757 [1] : vector<256x64xf32> to vector<256xf32>
    %broadcast_in_dim3A_759 = vector.shape_cast %reduce_sum3A_758 : vector<256xf32> to vector<256x1xf32>
    %swap3A_760 = arith.constant 0 : index
    %swap3A_761 = arith.constant 37 : index
    %swap3A_762 = vector.load %arg7[%swap3A_760, %swap3A_761] : memref<256x64xf32, #tpu.memory_space<vmem>>, vector<256x1xf32>
    tpu.vector_store %arg7[%swap3A_760, %swap3A_761], %broadcast_in_dim3A_759 {strides = array<i32>} : memref<256x64xf32, #tpu.memory_space<vmem>>, vector<256x1xf32>,
    %get3A_763 = arith.constant 0 : index
    %get3A_764 = arith.constant 38 : index
    %get3A_765 = arith.constant 0 : index
    %get3A_766 = vector.load %arg1[%get3A_763, %get3A_764, %get3A_765] : memref<256x50x64xf32, #tpu.memory_space<vmem>>, vector<256x1x64xf32>
    %get3A_767 = vector.shape_cast %get3A_766 : vector<256x1x64xf32> to vector<256x64xf32>
    %get3A_768 = arith.constant 0 : index
    %get3A_769 = arith.constant 0 : index
    %get3A_770 = vector.load %arg3[%get3A_768, %get3A_769] : memref<64x64xf32, #tpu.memory_space<vmem>>, vector<64x64xf32>
    %dot_general3A_771 = arith.constant dense<0.000000e+00> : vector<256x64xf32>
    %dot_general3A_772 = tpu.matmul %get3A_767, %get3A_770, %dot_general3A_771 {dimension_numbers = #tpu.dot_dimension_numbers<[1], [0], [0], [1], [0, 0, 1, 1], [], []>, transpose_lhs_hint = false} : vector<256x64xf32>, vector<64x64xf32>, vector<256x64xf32> -> vector<256x64xf32>
    %add3A_773 = arith.addf %dot_general3A_772, %dot_general3A_5 : vector<256x64xf32>
    %tanh3A_774 = math.tanh %add3A_773 : vector<256x64xf32>
    %mul3A_775 = vector.broadcast %get3A_8 : vector<1x64xf32> to vector<256x64xf32>
    %mul3A_776 = arith.mulf %tanh3A_774, %mul3A_775 : vector<256x64xf32>
    %reduce_sum3A_777 = arith.constant dense<0.000000e+00> : vector<256xf32>
    %reduce_sum3A_778 = vector.multi_reduction <add>, %mul3A_776, %reduce_sum3A_777 [1] : vector<256x64xf32> to vector<256xf32>
    %broadcast_in_dim3A_779 = vector.shape_cast %reduce_sum3A_778 : vector<256xf32> to vector<256x1xf32>
    %swap3A_780 = arith.constant 0 : index
    %swap3A_781 = arith.constant 38 : index
    %swap3A_782 = vector.load %arg7[%swap3A_780, %swap3A_781] : memref<256x64xf32, #tpu.memory_space<vmem>>, vector<256x1xf32>
    tpu.vector_store %arg7[%swap3A_780, %swap3A_781], %broadcast_in_dim3A_779 {strides = array<i32>} : memref<256x64xf32, #tpu.memory_space<vmem>>, vector<256x1xf32>,
    %get3A_783 = arith.constant 0 : index
    %get3A_784 = arith.constant 39 : index
    %get3A_785 = arith.constant 0 : index
    %get3A_786 = vector.load %arg1[%get3A_783, %get3A_784, %get3A_785] : memref<256x50x64xf32, #tpu.memory_space<vmem>>, vector<256x1x64xf32>
    %get3A_787 = vector.shape_cast %get3A_786 : vector<256x1x64xf32> to vector<256x64xf32>
    %get3A_788 = arith.constant 0 : index
    %get3A_789 = arith.constant 0 : index
    %get3A_790 = vector.load %arg3[%get3A_788, %get3A_789] : memref<64x64xf32, #tpu.memory_space<vmem>>, vector<64x64xf32>
    %dot_general3A_791 = arith.constant dense<0.000000e+00> : vector<256x64xf32>
    %dot_general3A_792 = tpu.matmul %get3A_787, %get3A_790, %dot_general3A_791 {dimension_numbers = #tpu.dot_dimension_numbers<[1], [0], [0], [1], [0, 0, 1, 1], [], []>, transpose_lhs_hint = false} : vector<256x64xf32>, vector<64x64xf32>, vector<256x64xf32> -> vector<256x64xf32>
    %add3A_793 = arith.addf %dot_general3A_792, %dot_general3A_5 : vector<256x64xf32>
    %tanh3A_794 = math.tanh %add3A_793 : vector<256x64xf32>
    %mul3A_795 = vector.broadcast %get3A_8 : vector<1x64xf32> to vector<256x64xf32>
    %mul3A_796 = arith.mulf %tanh3A_794, %mul3A_795 : vector<256x64xf32>
    %reduce_sum3A_797 = arith.constant dense<0.000000e+00> : vector<256xf32>
    %reduce_sum3A_798 = vector.multi_reduction <add>, %mul3A_796, %reduce_sum3A_797 [1] : vector<256x64xf32> to vector<256xf32>
    %broadcast_in_dim3A_799 = vector.shape_cast %reduce_sum3A_798 : vector<256xf32> to vector<256x1xf32>
    %swap3A_800 = arith.constant 0 : index
    %swap3A_801 = arith.constant 39 : index
    %swap3A_802 = vector.load %arg7[%swap3A_800, %swap3A_801] : memref<256x64xf32, #tpu.memory_space<vmem>>, vector<256x1xf32>
    tpu.vector_store %arg7[%swap3A_800, %swap3A_801], %broadcast_in_dim3A_799 {strides = array<i32>} : memref<256x64xf32, #tpu.memory_space<vmem>>, vector<256x1xf32>,
    %get3A_803 = arith.constant 0 : index
    %get3A_804 = arith.constant 40 : index
    %get3A_805 = arith.constant 0 : index
    %get3A_806 = vector.load %arg1[%get3A_803, %get3A_804, %get3A_805] : memref<256x50x64xf32, #tpu.memory_space<vmem>>, vector<256x1x64xf32>
    %get3A_807 = vector.shape_cast %get3A_806 : vector<256x1x64xf32> to vector<256x64xf32>
    %get3A_808 = arith.constant 0 : index
    %get3A_809 = arith.constant 0 : index
    %get3A_810 = vector.load %arg3[%get3A_808, %get3A_809] : memref<64x64xf32, #tpu.memory_space<vmem>>, vector<64x64xf32>
    %dot_general3A_811 = arith.constant dense<0.000000e+00> : vector<256x64xf32>
    %dot_general3A_812 = tpu.matmul %get3A_807, %get3A_810, %dot_general3A_811 {dimension_numbers = #tpu.dot_dimension_numbers<[1], [0], [0], [1], [0, 0, 1, 1], [], []>, transpose_lhs_hint = false} : vector<256x64xf32>, vector<64x64xf32>, vector<256x64xf32> -> vector<256x64xf32>
    %add3A_813 = arith.addf %dot_general3A_812, %dot_general3A_5 : vector<256x64xf32>
    %tanh3A_814 = math.tanh %add3A_813 : vector<256x64xf32>
    %mul3A_815 = vector.broadcast %get3A_8 : vector<1x64xf32> to vector<256x64xf32>
    %mul3A_816 = arith.mulf %tanh3A_814, %mul3A_815 : vector<256x64xf32>
    %reduce_sum3A_817 = arith.constant dense<0.000000e+00> : vector<256xf32>
    %reduce_sum3A_818 = vector.multi_reduction <add>, %mul3A_816, %reduce_sum3A_817 [1] : vector<256x64xf32> to vector<256xf32>
    %broadcast_in_dim3A_819 = vector.shape_cast %reduce_sum3A_818 : vector<256xf32> to vector<256x1xf32>
    %swap3A_820 = arith.constant 0 : index
    %swap3A_821 = arith.constant 40 : index
    %swap3A_822 = vector.load %arg7[%swap3A_820, %swap3A_821] : memref<256x64xf32, #tpu.memory_space<vmem>>, vector<256x1xf32>
    tpu.vector_store %arg7[%swap3A_820, %swap3A_821], %broadcast_in_dim3A_819 {strides = array<i32>} : memref<256x64xf32, #tpu.memory_space<vmem>>, vector<256x1xf32>,
    %get3A_823 = arith.constant 0 : index
    %get3A_824 = arith.constant 41 : index
    %get3A_825 = arith.constant 0 : index
    %get3A_826 = vector.load %arg1[%get3A_823, %get3A_824, %get3A_825] : memref<256x50x64xf32, #tpu.memory_space<vmem>>, vector<256x1x64xf32>
    %get3A_827 = vector.shape_cast %get3A_826 : vector<256x1x64xf32> to vector<256x64xf32>
    %get3A_828 = arith.constant 0 : index
    %get3A_829 = arith.constant 0 : index
    %get3A_830 = vector.load %arg3[%get3A_828, %get3A_829] : memref<64x64xf32, #tpu.memory_space<vmem>>, vector<64x64xf32>
    %dot_general3A_831 = arith.constant dense<0.000000e+00> : vector<256x64xf32>
    %dot_general3A_832 = tpu.matmul %get3A_827, %get3A_830, %dot_general3A_831 {dimension_numbers = #tpu.dot_dimension_numbers<[1], [0], [0], [1], [0, 0, 1, 1], [], []>, transpose_lhs_hint = false} : vector<256x64xf32>, vector<64x64xf32>, vector<256x64xf32> -> vector<256x64xf32>
    %add3A_833 = arith.addf %dot_general3A_832, %dot_general3A_5 : vector<256x64xf32>
    %tanh3A_834 = math.tanh %add3A_833 : vector<256x64xf32>
    %mul3A_835 = vector.broadcast %get3A_8 : vector<1x64xf32> to vector<256x64xf32>
    %mul3A_836 = arith.mulf %tanh3A_834, %mul3A_835 : vector<256x64xf32>
    %reduce_sum3A_837 = arith.constant dense<0.000000e+00> : vector<256xf32>
    %reduce_sum3A_838 = vector.multi_reduction <add>, %mul3A_836, %reduce_sum3A_837 [1] : vector<256x64xf32> to vector<256xf32>
    %broadcast_in_dim3A_839 = vector.shape_cast %reduce_sum3A_838 : vector<256xf32> to vector<256x1xf32>
    %swap3A_840 = arith.constant 0 : index
    %swap3A_841 = arith.constant 41 : index
    %swap3A_842 = vector.load %arg7[%swap3A_840, %swap3A_841] : memref<256x64xf32, #tpu.memory_space<vmem>>, vector<256x1xf32>
    tpu.vector_store %arg7[%swap3A_840, %swap3A_841], %broadcast_in_dim3A_839 {strides = array<i32>} : memref<256x64xf32, #tpu.memory_space<vmem>>, vector<256x1xf32>,
    %get3A_843 = arith.constant 0 : index
    %get3A_844 = arith.constant 42 : index
    %get3A_845 = arith.constant 0 : index
    %get3A_846 = vector.load %arg1[%get3A_843, %get3A_844, %get3A_845] : memref<256x50x64xf32, #tpu.memory_space<vmem>>, vector<256x1x64xf32>
    %get3A_847 = vector.shape_cast %get3A_846 : vector<256x1x64xf32> to vector<256x64xf32>
    %get3A_848 = arith.constant 0 : index
    %get3A_849 = arith.constant 0 : index
    %get3A_850 = vector.load %arg3[%get3A_848, %get3A_849] : memref<64x64xf32, #tpu.memory_space<vmem>>, vector<64x64xf32>
    %dot_general3A_851 = arith.constant dense<0.000000e+00> : vector<256x64xf32>
    %dot_general3A_852 = tpu.matmul %get3A_847, %get3A_850, %dot_general3A_851 {dimension_numbers = #tpu.dot_dimension_numbers<[1], [0], [0], [1], [0, 0, 1, 1], [], []>, transpose_lhs_hint = false} : vector<256x64xf32>, vector<64x64xf32>, vector<256x64xf32> -> vector<256x64xf32>
    %add3A_853 = arith.addf %dot_general3A_852, %dot_general3A_5 : vector<256x64xf32>
    %tanh3A_854 = math.tanh %add3A_853 : vector<256x64xf32>
    %mul3A_855 = vector.broadcast %get3A_8 : vector<1x64xf32> to vector<256x64xf32>
    %mul3A_856 = arith.mulf %tanh3A_854, %mul3A_855 : vector<256x64xf32>
    %reduce_sum3A_857 = arith.constant dense<0.000000e+00> : vector<256xf32>
    %reduce_sum3A_858 = vector.multi_reduction <add>, %mul3A_856, %reduce_sum3A_857 [1] : vector<256x64xf32> to vector<256xf32>
    %broadcast_in_dim3A_859 = vector.shape_cast %reduce_sum3A_858 : vector<256xf32> to vector<256x1xf32>
    %swap3A_860 = arith.constant 0 : index
    %swap3A_861 = arith.constant 42 : index
    %swap3A_862 = vector.load %arg7[%swap3A_860, %swap3A_861] : memref<256x64xf32, #tpu.memory_space<vmem>>, vector<256x1xf32>
    tpu.vector_store %arg7[%swap3A_860, %swap3A_861], %broadcast_in_dim3A_859 {strides = array<i32>} : memref<256x64xf32, #tpu.memory_space<vmem>>, vector<256x1xf32>,
    %get3A_863 = arith.constant 0 : index
    %get3A_864 = arith.constant 43 : index
    %get3A_865 = arith.constant 0 : index
    %get3A_866 = vector.load %arg1[%get3A_863, %get3A_864, %get3A_865] : memref<256x50x64xf32, #tpu.memory_space<vmem>>, vector<256x1x64xf32>
    %get3A_867 = vector.shape_cast %get3A_866 : vector<256x1x64xf32> to vector<256x64xf32>
    %get3A_868 = arith.constant 0 : index
    %get3A_869 = arith.constant 0 : index
    %get3A_870 = vector.load %arg3[%get3A_868, %get3A_869] : memref<64x64xf32, #tpu.memory_space<vmem>>, vector<64x64xf32>
    %dot_general3A_871 = arith.constant dense<0.000000e+00> : vector<256x64xf32>
    %dot_general3A_872 = tpu.matmul %get3A_867, %get3A_870, %dot_general3A_871 {dimension_numbers = #tpu.dot_dimension_numbers<[1], [0], [0], [1], [0, 0, 1, 1], [], []>, transpose_lhs_hint = false} : vector<256x64xf32>, vector<64x64xf32>, vector<256x64xf32> -> vector<256x64xf32>
    %add3A_873 = arith.addf %dot_general3A_872, %dot_general3A_5 : vector<256x64xf32>
    %tanh3A_874 = math.tanh %add3A_873 : vector<256x64xf32>
    %mul3A_875 = vector.broadcast %get3A_8 : vector<1x64xf32> to vector<256x64xf32>
    %mul3A_876 = arith.mulf %tanh3A_874, %mul3A_875 : vector<256x64xf32>
    %reduce_sum3A_877 = arith.constant dense<0.000000e+00> : vector<256xf32>
    %reduce_sum3A_878 = vector.multi_reduction <add>, %mul3A_876, %reduce_sum3A_877 [1] : vector<256x64xf32> to vector<256xf32>
    %broadcast_in_dim3A_879 = vector.shape_cast %reduce_sum3A_878 : vector<256xf32> to vector<256x1xf32>
    %swap3A_880 = arith.constant 0 : index
    %swap3A_881 = arith.constant 43 : index
    %swap3A_882 = vector.load %arg7[%swap3A_880, %swap3A_881] : memref<256x64xf32, #tpu.memory_space<vmem>>, vector<256x1xf32>
    tpu.vector_store %arg7[%swap3A_880, %swap3A_881], %broadcast_in_dim3A_879 {strides = array<i32>} : memref<256x64xf32, #tpu.memory_space<vmem>>, vector<256x1xf32>,
    %get3A_883 = arith.constant 0 : index
    %get3A_884 = arith.constant 44 : index
    %get3A_885 = arith.constant 0 : index
    %get3A_886 = vector.load %arg1[%get3A_883, %get3A_884, %get3A_885] : memref<256x50x64xf32, #tpu.memory_space<vmem>>, vector<256x1x64xf32>
    %get3A_887 = vector.shape_cast %get3A_886 : vector<256x1x64xf32> to vector<256x64xf32>
    %get3A_888 = arith.constant 0 : index
    %get3A_889 = arith.constant 0 : index
    %get3A_890 = vector.load %arg3[%get3A_888, %get3A_889] : memref<64x64xf32, #tpu.memory_space<vmem>>, vector<64x64xf32>
    %dot_general3A_891 = arith.constant dense<0.000000e+00> : vector<256x64xf32>
    %dot_general3A_892 = tpu.matmul %get3A_887, %get3A_890, %dot_general3A_891 {dimension_numbers = #tpu.dot_dimension_numbers<[1], [0], [0], [1], [0, 0, 1, 1], [], []>, transpose_lhs_hint = false} : vector<256x64xf32>, vector<64x64xf32>, vector<256x64xf32> -> vector<256x64xf32>
    %add3A_893 = arith.addf %dot_general3A_892, %dot_general3A_5 : vector<256x64xf32>
    %tanh3A_894 = math.tanh %add3A_893 : vector<256x64xf32>
    %mul3A_895 = vector.broadcast %get3A_8 : vector<1x64xf32> to vector<256x64xf32>
    %mul3A_896 = arith.mulf %tanh3A_894, %mul3A_895 : vector<256x64xf32>
    %reduce_sum3A_897 = arith.constant dense<0.000000e+00> : vector<256xf32>
    %reduce_sum3A_898 = vector.multi_reduction <add>, %mul3A_896, %reduce_sum3A_897 [1] : vector<256x64xf32> to vector<256xf32>
    %broadcast_in_dim3A_899 = vector.shape_cast %reduce_sum3A_898 : vector<256xf32> to vector<256x1xf32>
    %swap3A_900 = arith.constant 0 : index
    %swap3A_901 = arith.constant 44 : index
    %swap3A_902 = vector.load %arg7[%swap3A_900, %swap3A_901] : memref<256x64xf32, #tpu.memory_space<vmem>>, vector<256x1xf32>
    tpu.vector_store %arg7[%swap3A_900, %swap3A_901], %broadcast_in_dim3A_899 {strides = array<i32>} : memref<256x64xf32, #tpu.memory_space<vmem>>, vector<256x1xf32>,
    %get3A_903 = arith.constant 0 : index
    %get3A_904 = arith.constant 45 : index
    %get3A_905 = arith.constant 0 : index
    %get3A_906 = vector.load %arg1[%get3A_903, %get3A_904, %get3A_905] : memref<256x50x64xf32, #tpu.memory_space<vmem>>, vector<256x1x64xf32>
    %get3A_907 = vector.shape_cast %get3A_906 : vector<256x1x64xf32> to vector<256x64xf32>
    %get3A_908 = arith.constant 0 : index
    %get3A_909 = arith.constant 0 : index
    %get3A_910 = vector.load %arg3[%get3A_908, %get3A_909] : memref<64x64xf32, #tpu.memory_space<vmem>>, vector<64x64xf32>
    %dot_general3A_911 = arith.constant dense<0.000000e+00> : vector<256x64xf32>
    %dot_general3A_912 = tpu.matmul %get3A_907, %get3A_910, %dot_general3A_911 {dimension_numbers = #tpu.dot_dimension_numbers<[1], [0], [0], [1], [0, 0, 1, 1], [], []>, transpose_lhs_hint = false} : vector<256x64xf32>, vector<64x64xf32>, vector<256x64xf32> -> vector<256x64xf32>
    %add3A_913 = arith.addf %dot_general3A_912, %dot_general3A_5 : vector<256x64xf32>
    %tanh3A_914 = math.tanh %add3A_913 : vector<256x64xf32>
    %mul3A_915 = vector.broadcast %get3A_8 : vector<1x64xf32> to vector<256x64xf32>
    %mul3A_916 = arith.mulf %tanh3A_914, %mul3A_915 : vector<256x64xf32>
    %reduce_sum3A_917 = arith.constant dense<0.000000e+00> : vector<256xf32>
    %reduce_sum3A_918 = vector.multi_reduction <add>, %mul3A_916, %reduce_sum3A_917 [1] : vector<256x64xf32> to vector<256xf32>
    %broadcast_in_dim3A_919 = vector.shape_cast %reduce_sum3A_918 : vector<256xf32> to vector<256x1xf32>
    %swap3A_920 = arith.constant 0 : index
    %swap3A_921 = arith.constant 45 : index
    %swap3A_922 = vector.load %arg7[%swap3A_920, %swap3A_921] : memref<256x64xf32, #tpu.memory_space<vmem>>, vector<256x1xf32>
    tpu.vector_store %arg7[%swap3A_920, %swap3A_921], %broadcast_in_dim3A_919 {strides = array<i32>} : memref<256x64xf32, #tpu.memory_space<vmem>>, vector<256x1xf32>,
    %get3A_923 = arith.constant 0 : index
    %get3A_924 = arith.constant 46 : index
    %get3A_925 = arith.constant 0 : index
    %get3A_926 = vector.load %arg1[%get3A_923, %get3A_924, %get3A_925] : memref<256x50x64xf32, #tpu.memory_space<vmem>>, vector<256x1x64xf32>
    %get3A_927 = vector.shape_cast %get3A_926 : vector<256x1x64xf32> to vector<256x64xf32>
    %get3A_928 = arith.constant 0 : index
    %get3A_929 = arith.constant 0 : index
    %get3A_930 = vector.load %arg3[%get3A_928, %get3A_929] : memref<64x64xf32, #tpu.memory_space<vmem>>, vector<64x64xf32>
    %dot_general3A_931 = arith.constant dense<0.000000e+00> : vector<256x64xf32>
    %dot_general3A_932 = tpu.matmul %get3A_927, %get3A_930, %dot_general3A_931 {dimension_numbers = #tpu.dot_dimension_numbers<[1], [0], [0], [1], [0, 0, 1, 1], [], []>, transpose_lhs_hint = false} : vector<256x64xf32>, vector<64x64xf32>, vector<256x64xf32> -> vector<256x64xf32>
    %add3A_933 = arith.addf %dot_general3A_932, %dot_general3A_5 : vector<256x64xf32>
    %tanh3A_934 = math.tanh %add3A_933 : vector<256x64xf32>
    %mul3A_935 = vector.broadcast %get3A_8 : vector<1x64xf32> to vector<256x64xf32>
    %mul3A_936 = arith.mulf %tanh3A_934, %mul3A_935 : vector<256x64xf32>
    %reduce_sum3A_937 = arith.constant dense<0.000000e+00> : vector<256xf32>
    %reduce_sum3A_938 = vector.multi_reduction <add>, %mul3A_936, %reduce_sum3A_937 [1] : vector<256x64xf32> to vector<256xf32>
    %broadcast_in_dim3A_939 = vector.shape_cast %reduce_sum3A_938 : vector<256xf32> to vector<256x1xf32>
    %swap3A_940 = arith.constant 0 : index
    %swap3A_941 = arith.constant 46 : index
    %swap3A_942 = vector.load %arg7[%swap3A_940, %swap3A_941] : memref<256x64xf32, #tpu.memory_space<vmem>>, vector<256x1xf32>
    tpu.vector_store %arg7[%swap3A_940, %swap3A_941], %broadcast_in_dim3A_939 {strides = array<i32>} : memref<256x64xf32, #tpu.memory_space<vmem>>, vector<256x1xf32>,
    %get3A_943 = arith.constant 0 : index
    %get3A_944 = arith.constant 47 : index
    %get3A_945 = arith.constant 0 : index
    %get3A_946 = vector.load %arg1[%get3A_943, %get3A_944, %get3A_945] : memref<256x50x64xf32, #tpu.memory_space<vmem>>, vector<256x1x64xf32>
    %get3A_947 = vector.shape_cast %get3A_946 : vector<256x1x64xf32> to vector<256x64xf32>
    %get3A_948 = arith.constant 0 : index
    %get3A_949 = arith.constant 0 : index
    %get3A_950 = vector.load %arg3[%get3A_948, %get3A_949] : memref<64x64xf32, #tpu.memory_space<vmem>>, vector<64x64xf32>
    %dot_general3A_951 = arith.constant dense<0.000000e+00> : vector<256x64xf32>
    %dot_general3A_952 = tpu.matmul %get3A_947, %get3A_950, %dot_general3A_951 {dimension_numbers = #tpu.dot_dimension_numbers<[1], [0], [0], [1], [0, 0, 1, 1], [], []>, transpose_lhs_hint = false} : vector<256x64xf32>, vector<64x64xf32>, vector<256x64xf32> -> vector<256x64xf32>
    %add3A_953 = arith.addf %dot_general3A_952, %dot_general3A_5 : vector<256x64xf32>
    %tanh3A_954 = math.tanh %add3A_953 : vector<256x64xf32>
    %mul3A_955 = vector.broadcast %get3A_8 : vector<1x64xf32> to vector<256x64xf32>
    %mul3A_956 = arith.mulf %tanh3A_954, %mul3A_955 : vector<256x64xf32>
    %reduce_sum3A_957 = arith.constant dense<0.000000e+00> : vector<256xf32>
    %reduce_sum3A_958 = vector.multi_reduction <add>, %mul3A_956, %reduce_sum3A_957 [1] : vector<256x64xf32> to vector<256xf32>
    %broadcast_in_dim3A_959 = vector.shape_cast %reduce_sum3A_958 : vector<256xf32> to vector<256x1xf32>
    %swap3A_960 = arith.constant 0 : index
    %swap3A_961 = arith.constant 47 : index
    %swap3A_962 = vector.load %arg7[%swap3A_960, %swap3A_961] : memref<256x64xf32, #tpu.memory_space<vmem>>, vector<256x1xf32>
    tpu.vector_store %arg7[%swap3A_960, %swap3A_961], %broadcast_in_dim3A_959 {strides = array<i32>} : memref<256x64xf32, #tpu.memory_space<vmem>>, vector<256x1xf32>,
    %get3A_963 = arith.constant 0 : index
    %get3A_964 = arith.constant 48 : index
    %get3A_965 = arith.constant 0 : index
    %get3A_966 = vector.load %arg1[%get3A_963, %get3A_964, %get3A_965] : memref<256x50x64xf32, #tpu.memory_space<vmem>>, vector<256x1x64xf32>
    %get3A_967 = vector.shape_cast %get3A_966 : vector<256x1x64xf32> to vector<256x64xf32>
    %get3A_968 = arith.constant 0 : index
    %get3A_969 = arith.constant 0 : index
    %get3A_970 = vector.load %arg3[%get3A_968, %get3A_969] : memref<64x64xf32, #tpu.memory_space<vmem>>, vector<64x64xf32>
    %dot_general3A_971 = arith.constant dense<0.000000e+00> : vector<256x64xf32>
    %dot_general3A_972 = tpu.matmul %get3A_967, %get3A_970, %dot_general3A_971 {dimension_numbers = #tpu.dot_dimension_numbers<[1], [0], [0], [1], [0, 0, 1, 1], [], []>, transpose_lhs_hint = false} : vector<256x64xf32>, vector<64x64xf32>, vector<256x64xf32> -> vector<256x64xf32>
    %add3A_973 = arith.addf %dot_general3A_972, %dot_general3A_5 : vector<256x64xf32>
    %tanh3A_974 = math.tanh %add3A_973 : vector<256x64xf32>
    %mul3A_975 = vector.broadcast %get3A_8 : vector<1x64xf32> to vector<256x64xf32>
    %mul3A_976 = arith.mulf %tanh3A_974, %mul3A_975 : vector<256x64xf32>
    %reduce_sum3A_977 = arith.constant dense<0.000000e+00> : vector<256xf32>
    %reduce_sum3A_978 = vector.multi_reduction <add>, %mul3A_976, %reduce_sum3A_977 [1] : vector<256x64xf32> to vector<256xf32>
    %broadcast_in_dim3A_979 = vector.shape_cast %reduce_sum3A_978 : vector<256xf32> to vector<256x1xf32>
    %swap3A_980 = arith.constant 0 : index
    %swap3A_981 = arith.constant 48 : index
    %swap3A_982 = vector.load %arg7[%swap3A_980, %swap3A_981] : memref<256x64xf32, #tpu.memory_space<vmem>>, vector<256x1xf32>
    tpu.vector_store %arg7[%swap3A_980, %swap3A_981], %broadcast_in_dim3A_979 {strides = array<i32>} : memref<256x64xf32, #tpu.memory_space<vmem>>, vector<256x1xf32>,
    %get3A_983 = arith.constant 0 : index
    %get3A_984 = arith.constant 49 : index
    %get3A_985 = arith.constant 0 : index
    %get3A_986 = vector.load %arg1[%get3A_983, %get3A_984, %get3A_985] : memref<256x50x64xf32, #tpu.memory_space<vmem>>, vector<256x1x64xf32>
    %get3A_987 = vector.shape_cast %get3A_986 : vector<256x1x64xf32> to vector<256x64xf32>
    %get3A_988 = arith.constant 0 : index
    %get3A_989 = arith.constant 0 : index
    %get3A_990 = vector.load %arg3[%get3A_988, %get3A_989] : memref<64x64xf32, #tpu.memory_space<vmem>>, vector<64x64xf32>
    %dot_general3A_991 = arith.constant dense<0.000000e+00> : vector<256x64xf32>
    %dot_general3A_992 = tpu.matmul %get3A_987, %get3A_990, %dot_general3A_991 {dimension_numbers = #tpu.dot_dimension_numbers<[1], [0], [0], [1], [0, 0, 1, 1], [], []>, transpose_lhs_hint = false} : vector<256x64xf32>, vector<64x64xf32>, vector<256x64xf32> -> vector<256x64xf32>
    %add3A_993 = arith.addf %dot_general3A_992, %dot_general3A_5 : vector<256x64xf32>
    %tanh3A_994 = math.tanh %add3A_993 : vector<256x64xf32>
    %mul3A_995 = vector.broadcast %get3A_8 : vector<1x64xf32> to vector<256x64xf32>
    %mul3A_996 = arith.mulf %tanh3A_994, %mul3A_995 : vector<256x64xf32>
    %reduce_sum3A_997 = arith.constant dense<0.000000e+00> : vector<256xf32>
    %reduce_sum3A_998 = vector.multi_reduction <add>, %mul3A_996, %reduce_sum3A_997 [1] : vector<256x64xf32> to vector<256xf32>
    %broadcast_in_dim3A_999 = vector.shape_cast %reduce_sum3A_998 : vector<256xf32> to vector<256x1xf32>
    %swap3A_1000 = arith.constant 0 : index
    %swap3A_1001 = arith.constant 49 : index
    %swap3A_1002 = vector.load %arg7[%swap3A_1000, %swap3A_1001] : memref<256x64xf32, #tpu.memory_space<vmem>>, vector<256x1xf32>
    tpu.vector_store %arg7[%swap3A_1000, %swap3A_1001], %broadcast_in_dim3A_999 {strides = array<i32>} : memref<256x64xf32, #tpu.memory_space<vmem>>, vector<256x1xf32>,
    %get3A_1003 = arith.constant 0 : index
    %get3A_1004 = arith.constant 0 : index
    %get3A_1005 = vector.load %arg7[%get3A_1003, %get3A_1004] : memref<256x64xf32, #tpu.memory_space<vmem>>, vector<256x64xf32>
    %iota3A = tpu.iota {dimensions = array<i32: 1>} : vector<256x64xi32>
    %lt3A = arith.constant 50 : i32
    %lt3A_1006 = vector.broadcast %lt3A : i32 to vector<256x64xi32>
    %lt3A_1007 = arith.cmpi slt, %iota3A, %lt3A_1006 : vector<256x64xi32>
    %jit3A = arith.constant 0xFF800000 : f32
    %broadcast_in_dim3A_1008 = vector.broadcast %jit3A : f32 to vector<256x64xf32>
    %select_n3A = arith.select %lt3A_1007, %get3A_1005, %broadcast_in_dim3A_1008 : vector<256x64xi1>, vector<256x64xf32>
    %reduce_max3A = arith.constant dense<0xFF800000> : vector<256xf32>
    %reduce_max3A_1009 = vector.multi_reduction <maximumf>, %select_n3A, %reduce_max3A [1] : vector<256x64xf32> to vector<256xf32>
    %broadcast_in_dim3A_1010 = vector.shape_cast %reduce_max3A_1009 : vector<256xf32> to vector<256x1xf32>
    %sub3A = vector.broadcast %broadcast_in_dim3A_1010 : vector<256x1xf32> to vector<256x64xf32>
    %sub3A_1011 = arith.subf %get3A_1005, %sub3A : vector<256x64xf32>
    %exp3A = math.exp %sub3A_1011 : vector<256x64xf32>
    %jit3A_1012 = arith.constant 0.000000e+00 : f32
    %broadcast_in_dim3A_1013 = vector.broadcast %jit3A_1012 : f32 to vector<256x64xf32>
    %select_n3A_1014 = arith.select %lt3A_1007, %exp3A, %broadcast_in_dim3A_1013 : vector<256x64xi1>, vector<256x64xf32>
    %reduce_sum3A_1015 = arith.constant dense<0.000000e+00> : vector<256xf32>
    %reduce_sum3A_1016 = vector.multi_reduction <add>, %select_n3A_1014, %reduce_sum3A_1015 [1] : vector<256x64xf32> to vector<256xf32>
    %broadcast_in_dim3A_1017 = vector.shape_cast %reduce_sum3A_1016 : vector<256xf32> to vector<256x1xf32>
    %div3A = vector.broadcast %broadcast_in_dim3A_1017 : vector<256x1xf32> to vector<256x64xf32>
    %div3A_1018 = arith.divf %select_n3A_1014, %div3A : vector<256x64xf32>
    %swap3A_1019 = arith.constant 0 : index
    %swap3A_1020 = arith.constant 0 : index
    %swap3A_1021 = vector.load %arg6[%swap3A_1019, %swap3A_1020] : memref<256x64xf32, #tpu.memory_space<vmem>>, vector<256x64xf32>
    tpu.vector_store %arg6[%swap3A_1019, %swap3A_1020], %div3A_1018 {strides = array<i32>} : memref<256x64xf32, #tpu.memory_space<vmem>>, vector<256x64xf32>,
    return
  }
  func.func @transform_0(%arg0: i32) -> (i32, i32, i32) {
    %c0_i32 = arith.constant 0 : i32
    %c0_i32_0 = arith.constant 0 : i32
    %c0_i32_1 = arith.constant 0 : i32
    return %arg0, %c0_i32, %c0_i32_0 : i32, i32, i32
  }
  func.func @transform_1(%arg0: i32) -> (i32, i32) {
    %c0_i32 = arith.constant 0 : i32
    %c0_i32_0 = arith.constant 0 : i32
    return %arg0, %c0_i32 : i32, i32
  }
  func.func @transform_2(%arg0: i32) -> (i32, i32) {
    %c0_i32 = arith.constant 0 : i32
    %c0_i32_0 = arith.constant 0 : i32
    %c0_i32_1 = arith.constant 0 : i32
    return %c0_i32, %c0_i32_0 : i32, i32
  }
  func.func @transform_3(%arg0: i32) -> (i32, i32) {
    %c0_i32 = arith.constant 0 : i32
    %c0_i32_0 = arith.constant 0 : i32
    %c0_i32_1 = arith.constant 0 : i32
    return %c0_i32, %c0_i32_0 : i32, i32
  }
  func.func @transform_4(%arg0: i32) -> (i32, i32) {
    %c0_i32 = arith.constant 0 : i32
    %c0_i32_0 = arith.constant 0 : i32
    %c0_i32_1 = arith.constant 0 : i32
    return %c0_i32, %c0_i32_0 : i32, i32
  }
  func.func @transform_5(%arg0: i32) -> (i32, i32) {
    %c0_i32 = arith.constant 0 : i32
    %c0_i32_0 = arith.constant 0 : i32
    return %arg0, %c0_i32 : i32, i32
  }
}

</mosaic_0001>

<sc_bundles>
// kernel: kernel.4.cloned.1.call-start
scs
__scs_entry_jumppad:
0x0: {  	(pc) =	sbr.rel $0x88, $3  }
0x1: {  	(tag) =	ssettag $0x0;
	lr =	simm.s32 $0x1  }
0x2: {  	[smem:$0x3F9B] =	sst lr;
	_ =	strace $0xD0000000  }
0x3: {  	_ = 	snop  }
0x4: {  	_ = 	snop  }
0x5: {  	_ = 	snop  }
0x6: {  	_ = 	snop  }
0x7: {  	_ = 	snop  }
__scs_overlays_trampoline_lowered:
0x8: {  	[smem:$0x3FAA] =	sst s0  }
0x9: {  	[smem:$0x3FAB] =	sst s1  }
0xa: {  	[smem:$0x3FAC] =	sst s2  }
0xb: {  	[smem:$0x3FAD] =	sst s3  }
0xc: {  	[smem:$0x3FAE] =	sst s4  }
0xd: {  	[smem:$0x3FAF] =	sst s5  }
0xe: {  	[smem:$0x3FB0] =	sst s6  }
0xf: {  	[smem:$0x3FB1] =	sst s7  }
0x10: {  	[smem:$0x3FB2] =	sst s8  }
0x11: {  	[smem:$0x3FB3] =	sst s9;
	s0 =	simm.s32 @!p0 $0x0  }
0x12: {  	s1 =	sld [smem:$0x3F99];
	s0 =	simm.s32 @p0 $0x1  }
0x13: {  	[smem:$0x3FB4] =	sst s0;
	s0 =	simm.s32 @!p1 $0x0  }
0x14: {  	s2 =	sld [smem:$0x3F98];
	s0 =	simm.s32 @p1 $0x1  }
0x15: {  	[smem:$0x3FB5] =	sst s0;
	s0 =	simm.s32 @!p2 $0x0  }
0x16: {  	s3 =	sld [smem:$0x3FDB];
	s0 =	simm.s32 @p2 $0x1  }
0x17: {  	s4 =	simm.s32 $0x1BF5;
	[smem:$0x3FB7] =	sst s0  }
0x18: {  	s0 =	sld [smem:$0x3F9A];
	_ =	swait.ge [sflag:s4], $0x0  }
0x19: {  	s7 =	sld [smem:$0x3F9B]  }
0x1a: {  	s8 =	sadd.s32 $0xFFFFE003, lr  }
0x1b: {  	s9 =	sadd.s32 $0xFFFFFEF7, lr;
	s5 =	simm.s32 $0xFFFFFFFF;
	p2 =	slt.u32 s8, $0xFFFFF086  }
0x1c: {  	p1 =	slt.u32 s9, $0xF7A;
	s5 =	simm.s32 @!p2 $0x0  }
0x1d: {  	s5 =	simm.s32 @p1 $0x1;
	p0 =	seq.s32 s7, s2  }
0x1e: {  	s7 =	smul.u32 @!p0 $0xF7A, s2;
	p2 =	seq.s32 @!p0 s5, $0x0  }
0x1f: {  	s9 =	smul.u32 $0xF7A, s1;
	s8 =	simm.s32 @!p0 $0x1BF5;
	p2 =	por !p2, p0  }
0x20: {  	[sflag:s8] =	ssyncset.s32 @!p0 $0xFFFFF086;
	s6 =	sadd.s32 @!p0 s3, s7;
	s7 =	simm.s32 @!p0 $0x108  }
0x21: {  	s3 =	sadd.s32 s3, s9;
	s6 =	sadd.s32 @!p0 $0x88, s6;
	s7 =	simm.s32 @p2 $0x1082  }
0x22: {  	[simem:s7], [sflag:s8] =	dma.local @!p0 [hbm:s6], $0xF7A  }
0x23: {  	s9 =	sor.u32 $0xD0000000, s2;
	s6 =	simm.s32 $0x108;
	_ =	swait.ge @!p0 [sflag:s8], $0x0  }
0x24: {  	s3 =	sadd.s32 $0x88, s3;
	s6 =	simm.s32 @!p1 $0x1082;
	[sflag:s4] =	ssyncset.s32 $0xFFFFF086  }
0x25: {  	[simem:s6], [sflag:s4] =	dma.local [hbm:s3], $0xF7A  }
0x26: {  	[smem:$0x3F9B] =	sst s1;
	(tag) =	ssettag s2;
	_ =	strace s9  }
0x27: {  	s1 =	sld [smem:$0x3FAB]  }
0x28: {  	s2 =	sld [smem:$0x3FAC]  }
0x29: {  	s4 =	sld [smem:$0x3FAE]  }
0x2a: {  	p0 =	seq.s32 s5, $0x0;
	s5 =	sld [smem:$0x3FAF]  }
0x2b: {  	s6 =	sld [smem:$0x3FB0]  }
0x2c: {  	s7 =	sld [smem:$0x3FB1]  }
0x2d: {  	s3 =	simm.s32 $0x108;
	s8 =	sld [smem:$0x3FB2]  }
0x2e: {  	s3 =	simm.s32 @!p0 $0x1082;
	s9 =	sld [smem:$0x3FB3]  }
0x2f: {  	lr =	sadd.s32 s0, s3;
	s0 =	sld [smem:$0x3FAA]  }
0x30: {  	s3 =	sld [smem:$0x3FAD]  }
0x31: {  	[smem:$0x3FB6] =	sst s10  }
0x32: {  	s10 =	sld [smem:$0x3FB4];
	_ =	sdelay $0x3  }
0x33: {  	p0 =	seq.s32 s10, $0x1;
	s10 =	sld [smem:$0x3FB6];
	_ =	sdelay $0x3  }
0x34: {  	[smem:$0x3FB6] =	sst s10  }
0x35: {  	s10 =	sld [smem:$0x3FB5];
	_ =	sdelay $0x3  }
0x36: {  	p1 =	seq.s32 s10, $0x1;
	s10 =	sld [smem:$0x3FB6];
	_ =	sdelay $0x3  }
0x37: {  	[smem:$0x3FB6] =	sst s10  }
0x38: {  	s10 =	sld [smem:$0x3FB7]  }
0x39: {  	_ = 	snop;
	(pc) =	sbr.ind lr, $3  }
0x3a: {  	_ = 	snop  }
0x3b: {  	_ = 	snop  }
0x3c: {  	p2 =	seq.s32 s10, $0x1;
	s10 =	sld [smem:$0x3FB6]  }
0x3d: {  	_ =	shalt  }
0x3e: {  	_ =	shalt  }
0x3f: {  	_ =	shalt  }
0x40: {  	_ =	shalt  }
0x41: {  	_ =	shalt  }
0x42: {  	_ =	shalt  }
0x43: {  	_ =	shalt  }
0x44: {  	_ =	shalt  }
0x45: {  	_ =	shalt  }
0x46: {  	_ =	shalt  }
0x47: {  	_ =	shalt  }
0x48: {  	_ =	shalt  }
0x49: {  	_ =	shalt  }
0x4a: {  	_ =	shalt  }
0x4b: {  	_ =	shalt  }
0x4c: {  	_ =	shalt  }
0x4d: {  	_ =	shalt  }
0x4e: {  	_ =	shalt  }
0x4f: {  	_ =	shalt  }
0x50: {  	_ =	shalt  }
0x51: {  	_ =	shalt  }
0x52: {  	_ =	shalt  }
0x53: {  	_ =	shalt  }
0x54: {  	_ =	shalt  }
0x55: {  	_ =	shalt  }
0x56: {  	_ =	shalt  }
0x57: {  	_ =	shalt  }
0x58: {  	_ =	shalt  }
0x59: {  	_ =	shalt  }
0x5a: {  	_ =	shalt  }
0x5b: {  	_ =	shalt  }
0x5c: {  	_ =	shalt  }
0x5d: {  	_ =	shalt  }
0x5e: {  	_ =	shalt  }
0x5f: {  	_ =	shalt  }
0x60: {  	_ =	shalt  }
0x61: {  	_ =	shalt  }
0x62: {  	_ =	shalt  }
0x63: {  	_ =	shalt  }
0x64: {  	_ =	shalt  }
0x65: {  	_ =	shalt  }
0x66: {  	_ =	shalt  }
0x67: {  	_ =	shalt  }
0x68: {  	_ =	shalt  }
0x69: {  	_ =	shalt  }
0x6a: {  	_ =	shalt  }
0x6b: {  	_ =	shalt  }
0x6c: {  	_ =	shalt  }
0x6d: {  	_ =	shalt  }
0x6e: {  	_ =	shalt  }
0x6f: {  	_ =	shalt  }
0x70: {  	_ =	shalt  }
0x71: {  	_ =	shalt  }
0x72: {  	_ =	shalt  }
0x73: {  	_ =	shalt  }
0x74: {  	_ =	shalt  }
0x75: {  	_ =	shalt  }
0x76: {  	_ =	shalt  }
0x77: {  	_ =	shalt  }
0x78: {  	_ =	shalt  }
0x79: {  	_ =	shalt  }
0x7a: {  	_ =	shalt  }
0x7b: {  	_ =	shalt  }
0x7c: {  	_ =	shalt  }
0x7d: {  	_ =	shalt  }
0x7e: {  	_ =	shalt  }
0x7f: {  	_ =	shalt  }
0x80: {  	_ =	shalt  }
0x81: {  	_ =	shalt  }
0x82: {  	_ =	shalt  }
0x83: {  	_ =	shalt  }
0x84: {  	_ =	shalt  }
0x85: {  	_ =	shalt  }
0x86: {  	_ =	shalt  }
0x87: {  	_ =	shalt  }
.Lfunc_end0:
.L_simem_size_0:
called_computation_lowered:
.L_overlay_start_0:
0x88: {  	s2 =	sld [smem:$0x3FD9]  }
0x89: {  	s3 =	sld [smem:$0x3FFE];
	_ =	sdelay $0x1  }
0x8a: {  	s1 =	srdreg.scid  }
0x8b: {  	s0 =	sand.u32 $0x1, s1  }
0x8c: {  	s17 =	sshll.u32 s0, $0xA;
	s2 =	sadd.s32 s3, s2  }
0x8d: {  	s2 =	sadd.s32 s2, s17  }
0x8e: {  	[smem:$0x3FC2] =	sst s2  }
0x8f: {  	_ = 	snop  }
0x90: {  	s2 =	sld [smem:$0x3FD0];
	(tm) =	ssettm $0x1  }
0x91: {  	s18 =	sld [smem:$0x3FFB];
	_ =	sdelay $0x3  }
0x92: {  	_ =	strace s18  }
0x93: {  	s3 =	sld [smem:$0x3FFC];
	_ =	sdelay $0x3  }
0x94: {  	_ =	strace s3  }
0x95: {  	s3 =	sld [smem:$0x3FFD];
	_ =	sdelay $0x3  }
0x96: {  	_ =	strace s3  }
0x97: {  	_ =	strace $0x8FFFFFFF  }
0x98: {  	s19 =	sld [smem:$0x3FDB];
	_ =	sdelay $0x1  }
0x99: {  	s4 =	simm.s32 $_scs_section_size  }
0x9a: {  	s5 =	simm.s32 $_size__tile_overlayer_lowered;
	s6 =	simm.s32 $_tile_overlayer_lowered  }
0x9b: {  	s22 =	simm.s32 $0x1BFF;
	s21 =	sshll.u32 s6, $0x1;
	s3 =	sadd.s32 s4, s19  }
0x9c: {  	s7 =	simm.s32 $0x0;
	s20 =	sshll.u32 s5, $0x1;
	s5 =	sadd.s32 s21, s3  }
0x9d: {  	[timem:s7], [sflag:s22] =	dma.local [hbm:s5], s20  }
0x9e: {  	_ =	swait.ge [sflag:s22], s20  }
0x9f: {  	s4 =	ssub.s32 $0x0, s20;
	[sflag:s22] =	ssyncset.done $0x0  }
0xa0: {  	[sflag:s22] =	ssyncadd.s32 s4;
	_ =	sdelay $0x1  }
0xa1: {  	s23 =	simm.s32 $0x1B8B  }
0xa2: {  	_ =	swait.ge [sflag:s23], $0x1  }
0xa3: {  	[sflag:s23] =	ssyncset.done $0x0  }
0xa4: {  	s25 =	simm.s32 $0x1B8E;
	s24 =	sld [smem:$0x3FFE];
	[sflag:s23] =	ssyncadd.s32 $0xFFFFFFFF  }
0xa5: {  	s26 =	simm.s32 $execute0_lowered;
	[smem:$0x3FD2] =	sst s25  }
0xa6: {  	s5 =	sshll.u32 s26, $0x1;
	_ =	strace $0x80000046;
	[dreg:$0x1] =	wrdreg $0xFFFFFFFF  }
0xa7: {  	s28 =	simm.s32 $_size_execute0_lowered;
	s3 =	sadd.s32 s3, s5;
	[dreg:$0x0] =	wrdreg $0x0  }
0xa8: {  	s5 =	sshll.u32 s28, $0x1;
	[dreg:$0x2] =	wrdreg s3  }
0xa9: {  	[dreg:$0x3] =	wrdreg s5  }
0xaa: {  	[dreg:$0x4] =	wrdreg $0xC0  }
0xab: {  	_ =	task [dreg:s7], $0x5FFFF  }
0xac: {  	[dreg:$0x1] =	wrdreg $0xFFFFFFFF  }
0xad: {  	[dreg:$0x0] =	wrdreg $0x60  }
0xae: {  	[dreg:$0x2] =	wrdreg s24  }
0xaf: {  	[dreg:$0x3] =	wrdreg s2  }
0xb0: {  	[dreg:$0x4] =	wrdreg $0x0  }
0xb1: {  	[dreg:$0x5] =	wrdreg $0x9  }
0xb2: {  	_ =	task.clear_ibuf [dreg:s7], $0x6FFFF;
	_ =	strace $0x90000046  }
0xb3: {  	s29 =	simm.s32 $0x9;
	_ =	strace $0x80000048  }
0xb4: {  	_ =	swait.ge [sflag:s29], $0x1  }
0xb5: {  	[sflag:s29] =	ssyncadd.s32 $0xFFFFFFFF  }
0xb6: {  	_ =	strace $0x90000048  }
0xb7: {  	_ =	sfence  }
0xb8: {  	s30 =	sld [smem:$0x0];
	_ =	sdelay $0x2  }
0xb9: {  	s31 =	sshll.u32 s1, $0xD;
	s1 =	sshrl.u32 s1, $0x2  }
0xba: {  	s3 =	sand.u32 $0x4000, s31;
	s1 =	sadd.s32 s1, s30  }
0xbb: {  	s0 =	sor.u32 s3, s0;
	s1 =	sshll.u32 s1, $0x11  }
0xbc: {  	s0 =	sor.u32 s1, s0  }
0xbd: {  	s0 =	sadd.s32 $0x8F2B, s0  }
0xbe: {  	[sflag:s0] =	ssyncadd.remote.s32 $0x1  }
0xbf: {  	_ =	sfence.sel $0xFFFF  }
0xc0: {  	[dreg:$0x0] =	wrdreg $0xFFFFFFFF;
	(pc) =	sbr.abs _section_cstart, $3  }
0xc1: {  	[dreg:$0x1] =	wrdreg $0xFFFFFFFF  }
0xc2: {  	_ =	task.clear_ibuf [dreg:s7], $0x2FFFF;
	_ =	strace $0x9FFFFFFF  }
0xc3: {  	(tm) =	ssettm $0x7FFFFFFF  }
tec
execute0_lowered:
.L_overlay_start_1:
0x0: {  	(tag) =	ssettag $0x1  }
0x1: {  	s0 =	rddreg [dreg:$0x0]  }
0x2: {  	s1 =	rddreg [dreg:$0x1]  }
0x3: {  	s2 =	rddreg [dreg:$0x2];
	s3 =	srdreg.scid  }
0x4: {  	s4 =	simm.s32 $0x0;
	s9 =	stileid.u32;
	s21 =	simm.s32 $0x2  }
0x5: {  	s23 =	simm.s32 $0x1DC00;
	s28 =	simm.s32 $0x1FB80;
	s29 =	simm.s32 $0x0  }
0x6: {  	s3 =	sand.u32 $0x1, s3;
	[smem:$0x7FF] =	sst s4;
	s5 =	sshll.u32 s9, $0xA  }
0x7: {  	s7 =	smul.u32 $0x3E800, s9;
	s18 =	sshll.u32 s9, $0x9;
	s19 =	sshll.u32 s9, $0x3  }
0x8: {  	s15 =	ssub.s32 $0x2, s3;
	_ =	strace $0x80000047;
	s20 =	smul.u32 $0x186A, s3  }
0x9: {  	s0 =	sadd.s32 s5, s0;
	s5 =	sshll.u32 s9, $0x6;
	s22 =	smul.u32 $0x30D4000, s3  }
0xa: {  	s10 =	smin.u32 s19, $0x75;
	s11 =	smul.u32 $0x32, s3;
	s6 =	sshrl.u32 s15, $0x1  }
0xb: {  	s16 =	sadd.s32 $0x800, s0;
	s17 =	sshrl.u32 s7, $0x2;
	s0 =	sadd.s32 $0x4800, s0  }
0xc: {  	s26 =	sshll.u32 s10, $0xD;
	s4 =	ssub.s32 s15, s6;
	[dreg:$0x4] =	wrdreg s16  }
0xd: {  	[dreg:$0x5] =	wrdreg s0;
	s8 =	sadd.s32 s17, s2;
	s0 =	sor.u32 s18, s5  }
0xe: {  	s25 =	sadd.s32 $0x7D, s20;
	s3 =	sadd.s32 s26, s2;
	s26 =	simm.s32 $0x80  }
.Ltmp0:
0xf: {  	s9 =	sand.u32 $0x1C40, s0;
	s4 =	smax.u32 s4, $0x1;
	(pc) =	sbr.rel .LBB2_1-.Ltmp0, $4  }
0x10: {  	s30 =	sadd.s32 $0x1F40, s8;
	s31 =	sadd.s32 $0x3E80, s8;
	s15 =	sadd.s32 $0x5DC0, s8  }
0x11: {  	s16 =	sadd.s32 $0x7D00, s8;
	s17 =	sadd.s32 $0x9C40, s8;
	[dreg:$0x6] =	wrdreg s4  }
0x12: {  	v4 =	vimm.f32 $0.0e+00;
	v0 =	vmov s20;
	s18 =	sadd.s32 $0xBB80, s8;
	s19 =	sadd.s32 $0xDAC0, s8;
	[dreg:$0x7] =	wrdreg s30  }
0x13: {  	v2 =	vmov s22;
	v1 =	vmov s25;
	s24 =	sshrl.u32 s3, $0x3;
	s25 =	simm.s32 $0x1;
	[dreg:$0x8] =	wrdreg s31;
	v3 =	vmov s9  }
.LBB2_39:
0x14: {  	s29 =	sadd.s32 $0x1, s29;
	s0 =	rddreg [dreg:$0x6]  }
0x15: {  	p0 =	sne.s32 s29, s0  }
.Ltmp1:
0x16: {  	_ = 	snop;
	(pc) =	sbr.rel @!p0 .LBB2_40-.Ltmp1, $1  }
0x17: {  	_ =	sdelay $0x3  }
.LBB2_1:
0x18: {  	s0 =	simm.s32 $0x0;
	s3 =	rddreg [dreg:$0x4];
	s4 =	simm.s32 $0xFA00  }
0x19: {  	[tilespmem:s4], [sflag:$0x2] =	stream.linear.gather [hbm4b:s3+s0], $0x2000, $0x38;
	[tilespmem:$0x1FC00] =	vst v63  }
0x1a: {  	_ =	swait.ge [sflag:s21], $0x2000  }
0x1b: {  	[sflag:s21] =	ssyncset.done $0x0  }
0x1c: {  	s31 =	simm.s32 $0x11A00;
	s30 =	rddreg [dreg:$0x5];
	[sflag:s21] =	ssyncadd.s32 $0xFFFFE000  }
0x1d: {  	[tilespmem:s31], [sflag:$0x2] =	stream.linear.gather [hbm4b:s30+s0], $0x2000, $0x38;
	[tilespmem:$0x1FC00] =	vst v63  }
0x1e: {  	_ =	swait.ge [sflag:s21], $0x2000  }
0x1f: {  	[sflag:s21] =	ssyncset.done $0x0  }
0x20: {  	s3 =	simm.s32 $0x0;
	s0 =	simm.s32 $0x40;
	[sflag:s21] =	ssyncadd.s32 $0xFFFFE000  }
.LBB2_2:
0x21: {  	p0 =	sne.s32 s0, $0x7CC0;
	[tilespmem:s3+$0x1DC00] =	vst v4;
	s3 =	smov.u32 s0;
	s0 =	sadd.s32 $0x40, s0  }
.Ltmp2:
0x22: {  	(pc) =	sbr.rel @p0 .LBB2_2-.Ltmp2, $2  }
0x23: {  	_ =	sdelay $0x2  }
0x24: {  	s3 =	sshra.s32 s3, $0x2  }
0x25: {  	[tilespmem:s3+$0x1DC00] =	vst v4  }
0x26: {  	[tilespmem:$0x1FB80] =	vst v4  }
0x27: {  	[tilespmem:$0x1FB90] =	vst v4  }
0x28: {  	[tilespmem:$0x1FBA0] =	vst v4  }
0x29: {  	[tilespmem:$0x1FBB0] =	vst v4  }
0x2a: {  	[tilespmem:$0x1FBC0] =	vst v4  }
0x2b: {  	[tilespmem:$0x1FBD0] =	vst v4  }
0x2c: {  	[tilespmem:$0x1FBE0] =	vst v4  }
0x2d: {  	[tilespmem:$0x1FBF0] =	vst v4  }
0x2e: {  	[spmem:s8] =	stream.linear.scatter [tilespmem:s23], [sflag:$0x2], $0x1F40, $0x38;
	[tilespmem:$0x1FC00] =	vst v63  }
0x2f: {  	_ =	swait.ge [sflag:s21], $0x1F40  }
0x30: {  	[sflag:s21] =	ssyncset.done $0x0  }
0x31: {  	s0 =	rddreg [dreg:$0x7];
	[sflag:s21] =	ssyncadd.s32 $0xFFFFE0C0  }
0x32: {  	[spmem:s0] =	stream.linear.scatter [tilespmem:s23], [sflag:$0x2], $0x1F40, $0x38;
	[tilespmem:$0x1FC00] =	vst v63  }
0x33: {  	_ =	swait.ge [sflag:s21], $0x1F40  }
0x34: {  	[sflag:s21] =	ssyncset.done $0x0  }
0x35: {  	s31 =	rddreg [dreg:$0x8];
	[sflag:s21] =	ssyncadd.s32 $0xFFFFE0C0  }
0x36: {  	[spmem:s31] =	stream.linear.scatter [tilespmem:s23], [sflag:$0x2], $0x1F40, $0x38;
	[tilespmem:$0x1FC00] =	vst v63  }
0x37: {  	_ =	swait.ge [sflag:s21], $0x1F40  }
0x38: {  	[sflag:s21] =	ssyncset.done $0x0  }
0x39: {  	[sflag:s21] =	ssyncadd.s32 $0xFFFFE0C0  }
0x3a: {  	[spmem:s15] =	stream.linear.scatter [tilespmem:s23], [sflag:$0x2], $0x1F40, $0x38;
	[tilespmem:$0x1FC00] =	vst v63  }
0x3b: {  	_ =	swait.ge [sflag:s21], $0x1F40  }
0x3c: {  	[sflag:s21] =	ssyncset.done $0x0  }
0x3d: {  	[sflag:s21] =	ssyncadd.s32 $0xFFFFE0C0  }
0x3e: {  	[spmem:s16] =	stream.linear.scatter [tilespmem:s23], [sflag:$0x2], $0x1F40, $0x38;
	[tilespmem:$0x1FC00] =	vst v63  }
0x3f: {  	_ =	swait.ge [sflag:s21], $0x1F40  }
0x40: {  	[sflag:s21] =	ssyncset.done $0x0  }
0x41: {  	[sflag:s21] =	ssyncadd.s32 $0xFFFFE0C0  }
0x42: {  	[spmem:s17] =	stream.linear.scatter [tilespmem:s23], [sflag:$0x2], $0x1F40, $0x38;
	[tilespmem:$0x1FC00] =	vst v63  }
0x43: {  	_ =	swait.ge [sflag:s21], $0x1F40  }
0x44: {  	[sflag:s21] =	ssyncset.done $0x0  }
0x45: {  	[sflag:s21] =	ssyncadd.s32 $0xFFFFE0C0  }
0x46: {  	[spmem:s18] =	stream.linear.scatter [tilespmem:s23], [sflag:$0x2], $0x1F40, $0x38;
	[tilespmem:$0x1FC00] =	vst v63  }
0x47: {  	_ =	swait.ge [sflag:s21], $0x1F40  }
0x48: {  	[sflag:s21] =	ssyncset.done $0x0  }
0x49: {  	[sflag:s21] =	ssyncadd.s32 $0xFFFFE0C0  }
0x4a: {  	[spmem:s19] =	stream.linear.scatter [tilespmem:s23], [sflag:$0x2], $0x1F40, $0x38;
	[tilespmem:$0x1FC00] =	vst v63  }
0x4b: {  	_ =	swait.ge [sflag:s21], $0x1F40  }
0x4c: {  	[sflag:s21] =	ssyncset.done $0x0  }
0x4d: {  	s3 =	simm.s32 $0x0;
	[sflag:s21] =	ssyncadd.s32 $0xFFFFE0C0  }
0x4e: {  	v6 =	vld [tilespmem:s3+$0xFA30];
	_ =	sdelay $0x3  }
0x4f: {  	v9 =	vld [tilespmem:s3+$0xFA00]  }
0x50: {  	v7 =	vld [tilespmem:s3+$0xFA10];
	v5 =	vshra.s32 v6, $0x3;
	v6 =	vshll.u32 v6, $0x7  }
0x51: {  	v12 =	vand.u32 $0x380, v6;
	v6 =	vld [tilespmem:s3+$0xFA20];
	_ =	sdelay $0x2  }
0x52: {  	s6 =	simm.s32 $0x80;
	v8 =	vshra.s32 v9, $0x3;
	v11 =	vshll.u32 v5, $0xD  }
0x53: {  	s7 =	simm.s32 $0x400;
	s4 =	smov.u32 s9;
	s0 =	simm.s32 $0x0;
	v10 =	vshll.u32 v9, $0x7;
	v9 =	vshra.s32 v7, $0x3;
	v11 =	vor.u32 v12, v11  }
.LBB2_4:
0x54: {  	p0 =	sne.s32 s7, $0x7E00;
	v12 =	vld [tilespmem:s6+$0xFA30];
	[tilespmem:s3+$0x13A00] =	vst v8;
	v13 =	vshll.u32 v7, $0x7;
	v14 =	vshra.s32 v6, $0x3;
	v7 =	vadd.s32 s4, v11;
	s12 =	smov.u32 s3;
	s3 =	smov.u32 s6  }
0x55: {  	v8 =	vshll.u32 v8, $0xD;
	v10 =	vand.u32 $0x380, v10;
	v15 =	vshll.u32 v6, $0x7;
	v11 =	vld [tilespmem:s3+$0xFA00];
	[tilespmem:s12+$0x15A30] =	vst v7  }
0x56: {  	v13 =	vand.u32 $0x380, v13;
	v16 =	vshll.u32 v14, $0xD;
	v7 =	vld [tilespmem:s3+$0xFA10];
	[tilespmem:s12+$0x13A10] =	vst v9;
	v9 =	vshll.u32 v9, $0xD  }
.Ltmp3:
0x57: {  	v8 =	vor.u32 v10, v8;
	v10 =	vand.u32 $0x380, v15;
	v6 =	vld [tilespmem:s3+$0xFA20];
	v9 =	vor.u32 v13, v9;
	[tilespmem:s12+$0x13A20] =	vst v14;
	(pc) =	sbr.rel @p0 .LBB2_4-.Ltmp3, $4  }
0x58: {  	v8 =	vadd.s32 s4, v8;
	v10 =	vor.u32 v10, v16;
	v9 =	vadd.s32 s4, v9;
	[tilespmem:s12+$0x13A30] =	vst v5  }
0x59: {  	v13 =	vadd.s32 s4, v10;
	v5 =	vshra.s32 v12, $0x3;
	v12 =	vshll.u32 v12, $0x7;
	[tilespmem:s12+$0x15A00] =	vst v8  }
0x5a: {  	v8 =	vshra.s32 v11, $0x3;
	v14 =	vshll.u32 v5, $0xD;
	v12 =	vand.u32 $0x380, v12;
	[tilespmem:s12+$0x15A10] =	vst v9  }
0x5b: {  	s6 =	sshra.s32 s7, $0x2;
	s7 =	sadd.s32 $0x200, s7;
	s4 =	sadd.s32 $0x1, s4;
	v10 =	vshll.u32 v11, $0x7;
	v9 =	vshra.s32 v7, $0x3;
	v11 =	vor.u32 v12, v14;
	[tilespmem:s12+$0x15A20] =	vst v13  }
0x5c: {  	v12 =	vld [tilespmem:s6+$0xFA30];
	[tilespmem:s3+$0x13A00] =	vst v8;
	v11 =	vadd.s32 s4, v11  }
0x5d: {  	v7 =	vshll.u32 v7, $0x7;
	v14 =	vshra.s32 v6, $0x3;
	v55 =	vshll.u32 v8, $0xD;
	v13 =	vld [tilespmem:s6+$0xFA00];
	[tilespmem:s3+$0x15A30] =	vst v11  }
0x5e: {  	v10 =	vand.u32 $0x380, v10;
	v6 =	vshll.u32 v6, $0x7;
	v56 =	vshll.u32 v9, $0xD;
	v11 =	vld [tilespmem:s6+$0xFA10];
	[tilespmem:s3+$0x13A10] =	vst v9  }
0x5f: {  	v7 =	vand.u32 $0x380, v7;
	v16 =	vshll.u32 v14, $0xD;
	v8 =	vor.u32 v10, v55;
	v15 =	vld [tilespmem:s6+$0xFA20];
	[tilespmem:s3+$0x13A20] =	vst v14  }
0x60: {  	v6 =	vand.u32 $0x380, v6;
	v7 =	vor.u32 v7, v56;
	v8 =	vadd.s32 s4, v8;
	[tilespmem:s3+$0x13A30] =	vst v5  }
0x61: {  	v7 =	vadd.s32 s4, v7;
	v5 =	vor.u32 v6, v16;
	[tilespmem:s3+$0x15A00] =	vst v8;
	v6 =	vshra.s32 v12, $0x3  }
0x62: {  	v5 =	vadd.s32 s4, v5;
	[tilespmem:s3+$0x15A10] =	vst v7;
	v57 =	vshll.u32 v12, $0x7;
	v58 =	vshll.u32 v6, $0xD  }
0x63: {  	[tilespmem:s3+$0x15A20] =	vst v5;
	v9 =	vand.u32 $0x380, v57;
	v7 =	vshra.s32 v13, $0x3;
	v5 =	vshll.u32 v13, $0x7  }
0x64: {  	s14 =	sadd.s32 $0x1, s4;
	[tilespmem:s6+$0x13A30] =	vst v6;
	v8 =	vor.u32 v9, v58;
	v59 =	vshra.s32 v11, $0x3;
	v60 =	vshll.u32 v11, $0x7  }
0x65: {  	[tilespmem:s6+$0x13A00] =	vst v7;
	v7 =	vshll.u32 v7, $0xD;
	v5 =	vand.u32 $0x380, v5;
	v8 =	vadd.s32 s14, v8  }
0x66: {  	v61 =	vshra.s32 v15, $0x3;
	v62 =	vshll.u32 v15, $0x7;
	[tilespmem:s6+$0x13A10] =	vst v59;
	v9 =	vshll.u32 v59, $0xD  }
0x67: {  	v10 =	vand.u32 $0x380, v60;
	v5 =	vor.u32 v5, v7;
	[tilespmem:s6+$0x15A30] =	vst v8;
	v63 =	vshll.u32 v61, $0xD  }
0x68: {  	[tilespmem:s6+$0x13A20] =	vst v61;
	v7 =	vor.u32 v10, v9;
	v8 =	vand.u32 $0x380, v62;
	v5 =	vadd.s32 s14, v5  }
0x69: {  	v6 =	vadd.s32 s14, v7;
	v7 =	vor.u32 v8, v63;
	[tilespmem:s6+$0x15A00] =	vst v5  }
0x6a: {  	v5 =	vadd.s32 s14, v7;
	[tilespmem:s6+$0x15A10] =	vst v6  }
0x6b: {  	s20 =	simm.s32 $0x0;
	[tilespmem:s6+$0x15A20] =	vst v5  }
0x6c: {  	v5 =	vld [tilespmem:s20+$0x13A00]  }
0x6d: {  	v6 =	vld [tilespmem:s20+$0x15A00];
	_ =	sdelay $0x3  }
0x6e: {  	vm0 =	vge.s32 v5, v0;
	vm1 =	vlt.s32 v5, v1  }
0x6f: {  	v5 =	vsub.s32 v6, v2;
	vm0 =	vmand vm0, vm1  }
0x70: {  	[tilespmem:s0+$0x17A00] =	vst.msk vm0, v5;
	v5 =	vmpcnt.ones.xlane vm0  }
0x71: {  	v6 =	vld [tilespmem:s20+$0x11A00]  }
0x72: {  	(v2sf) =	vpush v5, $0x0;
	_ =	sdelay $0x3  }
0x73: {  	[tilespmem:s0+$0x18B00] =	vst.msk vm0, v6  }
0x74: {  	v5 =	vld [tilespmem:s20+$0x13A10];
	_ =	sdelay $0x4  }
0x75: {  	vm0 =	vge.s32 v5, v0;
	vm1 =	vlt.s32 v5, v1  }
0x76: {  	v5 =	vld [tilespmem:s20+$0x15A10];
	vm0 =	vmand vm0, vm1  }
0x77: {  	v6 =	vmpcnt.ones.xlane vm0;
	_ =	sdelay $0x1  }
0x78: {  	(v2sf) =	vpush v6, $0x0  }
0x79: {  	s22 =	spop (v2sf)  }
0x7a: {  	v5 =	vsub.s32 v5, v2;
	s0 =	sadd.s32 $0x0, s22  }
0x7b: {  	[tilespmem:s0+$0x17A00] =	vst.msk vm0, v5  }
0x7c: {  	v5 =	vld [tilespmem:s20+$0x11A10];
	_ =	sdelay $0x4  }
0x7d: {  	[tilespmem:s0+$0x18B00] =	vst.msk vm0, v5  }
0x7e: {  	v5 =	vld [tilespmem:s20+$0x13A20]  }
0x7f: {  	v6 =	vld [tilespmem:s20+$0x15A20];
	_ =	sdelay $0x3  }
0x80: {  	vm0 =	vge.s32 v5, v0;
	vm1 =	vlt.s32 v5, v1;
	s30 =	spop (v2sf)  }
0x81: {  	v5 =	vsub.s32 v6, v2;
	s0 =	sadd.s32 s0, s30;
	vm0 =	vmand vm0, vm1  }
0x82: {  	[tilespmem:s0+$0x17A00] =	vst.msk vm0, v5;
	v5 =	vmpcnt.ones.xlane vm0  }
0x83: {  	v6 =	vld [tilespmem:s20+$0x11A20]  }
0x84: {  	(v2sf) =	vpush v5, $0x0;
	_ =	sdelay $0x3  }
0x85: {  	[tilespmem:s0+$0x18B00] =	vst.msk vm0, v6  }
0x86: {  	v5 =	vld [tilespmem:s20+$0x13A30];
	_ =	sdelay $0x4  }
0x87: {  	vm0 =	vge.s32 v5, v0;
	vm1 =	vlt.s32 v5, v1  }
0x88: {  	v5 =	vld [tilespmem:s20+$0x15A30];
	vm0 =	vmand vm0, vm1  }
0x89: {  	v6 =	vmpcnt.ones.xlane vm0;
	_ =	sdelay $0x1  }
0x8a: {  	(v2sf) =	vpush v6, $0x0  }
0x8b: {  	s31 =	spop (v2sf)  }
0x8c: {  	v5 =	vsub.s32 v5, v2;
	s6 =	sadd.s32 s0, s31  }
0x8d: {  	[tilespmem:s6+$0x17A00] =	vst.msk vm0, v5  }
0x8e: {  	v5 =	vld [tilespmem:s20+$0x11A30];
	_ =	sdelay $0x4  }
0x8f: {  	s0 =	simm.s32 $0x80;
	[tilespmem:s6+$0x18B00] =	vst.msk vm0, v5  }
0x90: {  	v6 =	vld [tilespmem:s0+$0x13A00];
	_ =	sdelay $0x1  }
0x91: {  	v5 =	vld [tilespmem:s0+$0x15A00];
	_ =	sdelay $0x2  }
0x92: {  	s3 =	simm.s32 $0x400;
	vm0 =	vge.s32 v6, v0;
	vm1 =	vlt.s32 v6, v1;
	s4 =	spop (v2sf)  }
.LBB2_6:
0x93: {  	p0 =	sne.s32 s3, $0x7E00  }
0x94: {  	vm0 =	vmand vm0, vm1;
	v5 =	vsub.s32 v5, v2;
	s6 =	sadd.s32 s6, s4;
	s4 =	smov.u32 s3;
	s3 =	sadd.s32 $0x200, s3  }
0x95: {  	[tilespmem:s6+$0x17A00] =	vst.msk vm0, v5;
	v5 =	vmpcnt.ones.xlane vm0  }
0x96: {  	v6 =	vld [tilespmem:s0+$0x11A00]  }
0x97: {  	(v2sf) =	vpush v5, $0x0;
	_ =	sdelay $0x3  }
0x98: {  	[tilespmem:s6+$0x18B00] =	vst.msk vm0, v6  }
0x99: {  	v5 =	vld [tilespmem:s0+$0x13A10];
	_ =	sdelay $0x4  }
0x9a: {  	vm0 =	vge.s32 v5, v0;
	vm1 =	vlt.s32 v5, v1  }
0x9b: {  	vm0 =	vmand vm0, vm1;
	v5 =	vld [tilespmem:s0+$0x15A10]  }
0x9c: {  	v6 =	vmpcnt.ones.xlane vm0;
	_ =	sdelay $0x1  }
0x9d: {  	(v2sf) =	vpush v6, $0x0  }
0x9e: {  	s7 =	spop (v2sf)  }
0x9f: {  	s6 =	sadd.s32 s6, s7;
	v5 =	vsub.s32 v5, v2  }
0xa0: {  	[tilespmem:s6+$0x17A00] =	vst.msk vm0, v5  }
0xa1: {  	v5 =	vld [tilespmem:s0+$0x11A10];
	_ =	sdelay $0x4  }
0xa2: {  	[tilespmem:s6+$0x18B00] =	vst.msk vm0, v5  }
0xa3: {  	v5 =	vld [tilespmem:s0+$0x13A20]  }
0xa4: {  	v6 =	vld [tilespmem:s0+$0x15A20];
	_ =	sdelay $0x3  }
0xa5: {  	vm0 =	vge.s32 v5, v0;
	vm1 =	vlt.s32 v5, v1;
	s7 =	spop (v2sf)  }
0xa6: {  	s6 =	sadd.s32 s6, s7;
	vm0 =	vmand vm0, vm1;
	v5 =	vsub.s32 v6, v2  }
0xa7: {  	[tilespmem:s6+$0x17A00] =	vst.msk vm0, v5;
	v5 =	vmpcnt.ones.xlane vm0  }
0xa8: {  	v6 =	vld [tilespmem:s0+$0x11A20]  }
0xa9: {  	(v2sf) =	vpush v5, $0x0;
	_ =	sdelay $0x3  }
0xaa: {  	[tilespmem:s6+$0x18B00] =	vst.msk vm0, v6  }
0xab: {  	v5 =	vld [tilespmem:s0+$0x13A30]  }
0xac: {  	v6 =	vld [tilespmem:s0+$0x15A30];
	_ =	sdelay $0x3  }
0xad: {  	vm0 =	vge.s32 v5, v0;
	vm1 =	vlt.s32 v5, v1  }
0xae: {  	vm0 =	vmand vm0, vm1  }
0xaf: {  	v5 =	vmpcnt.ones.xlane vm0;
	_ =	sdelay $0x1  }
0xb0: {  	(v2sf) =	vpush v5, $0x0  }
0xb1: {  	s7 =	spop (v2sf)  }
0xb2: {  	v5 =	vsub.s32 v6, v2;
	s6 =	sadd.s32 s6, s7  }
0xb3: {  	[tilespmem:s6+$0x17A00] =	vst.msk vm0, v5  }
0xb4: {  	v5 =	vld [tilespmem:s0+$0x11A30];
	_ =	sdelay $0x4  }
0xb5: {  	s0 =	sshra.s32 s4, $0x2;
	[tilespmem:s6+$0x18B00] =	vst.msk vm0, v5  }
0xb6: {  	v6 =	vld [tilespmem:s0+$0x13A00]  }
.Ltmp4:
0xb7: {  	v5 =	vld [tilespmem:s0+$0x15A00];
	(pc) =	sbr.rel @p0 .LBB2_6-.Ltmp4, $2  }
0xb8: {  	_ =	sdelay $0x2  }
0xb9: {  	vm0 =	vge.s32 v6, v0;
	vm1 =	vlt.s32 v6, v1;
	s4 =	spop (v2sf)  }
0xba: {  	vm0 =	vmand vm0, vm1;
	v5 =	vsub.s32 v5, v2;
	s3 =	sadd.s32 s6, s4  }
0xbb: {  	[tilespmem:s3+$0x17A00] =	vst.msk vm0, v5;
	v5 =	vmpcnt.ones.xlane vm0  }
0xbc: {  	v6 =	vld [tilespmem:s0+$0x11A00]  }
0xbd: {  	(v2sf) =	vpush v5, $0x0;
	_ =	sdelay $0x3  }
0xbe: {  	[tilespmem:s3+$0x18B00] =	vst.msk vm0, v6  }
0xbf: {  	v5 =	vld [tilespmem:s0+$0x13A10];
	_ =	sdelay $0x4  }
0xc0: {  	vm10 =	vge.s32 v5, v0;
	vm11 =	vlt.s32 v5, v1  }
0xc1: {  	v5 =	vld [tilespmem:s0+$0x15A10];
	vm0 =	vmand vm10, vm11  }
0xc2: {  	v6 =	vmpcnt.ones.xlane vm0;
	_ =	sdelay $0x1  }
0xc3: {  	(v2sf) =	vpush v6, $0x0  }
0xc4: {  	s13 =	spop (v2sf)  }
0xc5: {  	v5 =	vsub.s32 v5, v2;
	s3 =	sadd.s32 s3, s13  }
0xc6: {  	[tilespmem:s3+$0x17A00] =	vst.msk vm0, v5  }
0xc7: {  	v5 =	vld [tilespmem:s0+$0x11A10];
	_ =	sdelay $0x4  }
0xc8: {  	[tilespmem:s3+$0x18B00] =	vst.msk vm0, v5  }
0xc9: {  	v5 =	vld [tilespmem:s0+$0x13A20]  }
0xca: {  	v6 =	vld [tilespmem:s0+$0x15A20];
	_ =	sdelay $0x3  }
0xcb: {  	vm12 =	vge.s32 v5, v0;
	vm13 =	vlt.s32 v5, v1;
	s14 =	spop (v2sf)  }
0xcc: {  	v5 =	vsub.s32 v6, v2;
	s3 =	sadd.s32 s3, s14;
	vm0 =	vmand vm12, vm13  }
0xcd: {  	[tilespmem:s3+$0x17A00] =	vst.msk vm0, v5  }
0xce: {  	v5 =	vld [tilespmem:s0+$0x11A20];
	_ =	sdelay $0x4  }
0xcf: {  	[tilespmem:s3+$0x18B00] =	vst.msk vm0, v5  }
0xd0: {  	v5 =	vld [tilespmem:s0+$0x13A30];
	_ =	sdelay $0x2  }
0xd1: {  	v6 =	vmpcnt.ones.xlane vm0;
	_ =	sdelay $0x1  }
0xd2: {  	(v2sf) =	vpush v6, $0x0;
	vm14 =	vge.s32 v5, v0;
	vm15 =	vlt.s32 v5, v1  }
0xd3: {  	vm0 =	vmand vm14, vm15  }
0xd4: {  	v5 =	vmpcnt.ones.xlane vm0;
	_ =	sdelay $0x1  }
0xd5: {  	(v2sf) =	vpush v5, $0x0;
	_ =	sdelay $0x6  }
0xd6: {  	v5 =	vld [tilespmem:s0+$0x15A30];
	_ =	sdelay $0x3  }
0xd7: {  	s20 =	spop (v2sf)  }
0xd8: {  	s4 =	sadd.s32 s3, s20;
	v5 =	vsub.s32 v5, v2  }
0xd9: {  	[tilespmem:s4+$0x17A00] =	vst.msk vm0, v5  }
0xda: {  	v5 =	vld [tilespmem:s0+$0x11A30]  }
0xdb: {  	s22 =	spop (v2sf)  }
0xdc: {  	s30 =	sadd.s32 s4, s22  }
0xdd: {  	s0 =	sadd.s32 $0x7F, s30  }
0xde: {  	s31 =	sadd.s32 $0xF, s30;
	s3 =	sshra.s32 s0, $0x7  }
0xdf: {  	[tilespmem:s4+$0x18B00] =	vst.msk vm0, v5;
	s0 =	sshra.s32 s31, $0x4;
	s4 =	sshll.u32 s3, $0x4  }
0xe0: {  	p0 =	sle.s32 s4, s0  }
.Ltmp5:
0xe1: {  	_ = 	snop;
	(pc) =	sbr.rel @p0 .LBB2_10-.Ltmp5, $3  }
0xe2: {  	_ =	sdelay $0x1  }
0xe3: {  	[tilespmem:s30+$0x17A00] =	vst v3  }
0xe4: {  	[tilespmem:s30+$0x18B00] =	vst v4  }
0xe5: {  	s4 =	ssub.s32 s4, s0  }
0xe6: {  	p0 =	seq.s32 s4, $0x1  }
.Ltmp6:
0xe7: {  	s6 =	sshll.u32 s0, $0x6;
	(pc) =	sbr.rel @p0 .LBB2_10-.Ltmp6, $4  }
0xe8: {  	s7 =	sshra.s32 s6, $0x2  }
0xe9: {  	s6 =	sadd.s32 $0x17A00, s7  }
0xea: {  	s0 =	sadd.s32 $0x18B00, s7;
	[tilespmem:s6+$0x0] =	vst v3  }
0xeb: {  	s4 =	sadd.s32 $0xFFFFFFFF, s4;
	s6 =	sadd.s32 $0x10, s6;
	[tilespmem:s0+$0x0] =	vst v4  }
.LBB2_9:
0xec: {  	[tilespmem:s6+$0x0] =	vst v3;
	s0 =	sadd.s32 $0x10, s0;
	p0 =	seq.s32 s4, $0x1  }
.Ltmp7:
0xed: {  	s4 =	sadd.s32 $0xFFFFFFFF, s4;
	[tilespmem:s0+$0x0] =	vst v4;
	(pc) =	sbr.rel @!p0 .LBB2_9-.Ltmp7, $2  }
0xee: {  	_ =	sdelay $0x2  }
0xef: {  	s6 =	sadd.s32 $0x10, s6  }
.LBB2_10:
0xf0: {  	p0 =	sgt.s32 s3, $0x0  }
.Ltmp8:
0xf1: {  	_ = 	snop;
	(pc) =	sbr.rel @!p0 .LBB2_17-.Ltmp8, $1  }
0xf2: {  	_ =	sdelay $0x3  }
0xf3: {  	p1 =	sne.s32 s3, $0x1  }
.Ltmp9:
0xf4: {  	_ = 	snop;
	(pc) =	sbr.rel @!p1 .LBB2_12-.Ltmp9, $3  }
0xf5: {  	_ =	sdelay $0x1  }
0xf6: {  	s0 =	simm.s32 $0x1BC40;
	s20 =	simm.s32 $0x19C40;
	s4 =	simm.s32 $0x17A40  }
0xf7: {  	s30 =	simm.s32 $0x18B40;
	s6 =	sadd.s32 $0xFFFFFFFF, s3;
	p0 =	por $0x0, $0x0;
	v5 =	vld [tilespmem:s4+$0xFFFFFFC0]  }
0xf8: {  	_ =	sdelay $0x3  }
0xf9: {  	[tilespmem:s20+$0xFFFFFFC0] =	vst v5  }
0xfa: {  	v5 =	vld [tilespmem:s30+$0xFFFFFFC0];
	_ =	sdelay $0x4  }
0xfb: {  	[tilespmem:s0+$0xFFFFFFC0] =	vst v5  }
0xfc: {  	v5 =	vld [tilespmem:s4+$0xFFFFFFD0];
	_ =	sdelay $0x4  }
0xfd: {  	[tilespmem:s20+$0xFFFFFFD0] =	vst v5  }
0xfe: {  	v5 =	vld [tilespmem:s30+$0xFFFFFFD0];
	_ =	sdelay $0x4  }
0xff: {  	[tilespmem:s0+$0xFFFFFFD0] =	vst v5  }
0x100: {  	v5 =	vld [tilespmem:s4+$0xFFFFFFE0];
	_ =	sdelay $0x4  }
0x101: {  	[tilespmem:s20+$0xFFFFFFE0] =	vst v5  }
0x102: {  	v5 =	vld [tilespmem:s30+$0xFFFFFFE0];
	_ =	sdelay $0x4  }
0x103: {  	[tilespmem:s0+$0xFFFFFFE0] =	vst v5  }
0x104: {  	v5 =	vld [tilespmem:s4+$0xFFFFFFF0];
	_ =	sdelay $0x4  }
0x105: {  	[tilespmem:s20+$0xFFFFFFF0] =	vst v5  }
0x106: {  	v5 =	vld [tilespmem:s30+$0xFFFFFFF0];
	_ =	sdelay $0x4  }
0x107: {  	[tilespmem:s0+$0xFFFFFFF0] =	vst v5  }
0x108: {  	v5 =	vld [tilespmem:s4+$0x0];
	_ =	sdelay $0x4  }
0x109: {  	[tilespmem:s20+$0x0] =	vst v5  }
0x10a: {  	v5 =	vld [tilespmem:s30+$0x0];
	_ =	sdelay $0x4  }
0x10b: {  	[tilespmem:s0+$0x0] =	vst v5  }
0x10c: {  	v5 =	vld [tilespmem:s4+$0x10];
	_ =	sdelay $0x4  }
0x10d: {  	[tilespmem:s20+$0x10] =	vst v5  }
0x10e: {  	v5 =	vld [tilespmem:s30+$0x10];
	_ =	sdelay $0x4  }
0x10f: {  	[tilespmem:s0+$0x10] =	vst v5  }
0x110: {  	v5 =	vld [tilespmem:s4+$0x20];
	_ =	sdelay $0x4  }
0x111: {  	[tilespmem:s20+$0x20] =	vst v5  }
0x112: {  	v5 =	vld [tilespmem:s30+$0x20];
	_ =	sdelay $0x4  }
0x113: {  	[tilespmem:s0+$0x20] =	vst v5  }
0x114: {  	v5 =	vld [tilespmem:s4+$0x30];
	_ =	sdelay $0x4  }
0x115: {  	[tilespmem:s20+$0x30] =	vst v5  }
0x116: {  	v5 =	vld [tilespmem:s30+$0x30]  }
0x117: {  	p1 =	sne.s32 s6, $0x1  }
.Ltmp10:
0x118: {  	_ = 	snop;
	(pc) =	sbr.rel @!p1 .LBB2_14-.Ltmp10, $3  }
0x119: {  	_ =	sdelay $0x1  }
0x11a: {  	s12 =	sadd.s32 $0xFFFFFFFF, s6;
	p0 =	por $0x1, $0x1;
	s4 =	simm.s32 $0x17AC0;
	[tilespmem:s0+$0x30] =	vst v5  }
0x11b: {  	s6 =	simm.s32 $0x19C40;
	s7 =	simm.s32 $0x18B40;
	s22 =	simm.s32 $0x1BC40;
	v5 =	vld [tilespmem:s4+$0xFFFFFFC0]  }
.LBB2_15:
0x11c: {  	p1 =	sne.s32 s12, $0x1;
	_ =	sdelay $0x2  }
0x11d: {  	s6 =	sadd.s32 $0x80, s6  }
0x11e: {  	s7 =	sadd.s32 $0x80, s7;
	[tilespmem:s6+$0xFFFFFFC0] =	vst v5  }
0x11f: {  	v5 =	vld [tilespmem:s7+$0xFFFFFFC0];
	_ =	sdelay $0x3  }
0x120: {  	s22 =	sadd.s32 $0x80, s22  }
0x121: {  	[tilespmem:s22+$0xFFFFFFC0] =	vst v5  }
0x122: {  	v5 =	vld [tilespmem:s4+$0xFFFFFFD0];
	_ =	sdelay $0x4  }
0x123: {  	[tilespmem:s6+$0xFFFFFFD0] =	vst v5  }
0x124: {  	v5 =	vld [tilespmem:s7+$0xFFFFFFD0];
	_ =	sdelay $0x4  }
0x125: {  	[tilespmem:s22+$0xFFFFFFD0] =	vst v5  }
0x126: {  	v5 =	vld [tilespmem:s4+$0xFFFFFFE0];
	_ =	sdelay $0x4  }
0x127: {  	[tilespmem:s6+$0xFFFFFFE0] =	vst v5  }
0x128: {  	v5 =	vld [tilespmem:s7+$0xFFFFFFE0];
	_ =	sdelay $0x4  }
0x129: {  	[tilespmem:s22+$0xFFFFFFE0] =	vst v5  }
0x12a: {  	v5 =	vld [tilespmem:s4+$0xFFFFFFF0];
	_ =	sdelay $0x4  }
0x12b: {  	[tilespmem:s6+$0xFFFFFFF0] =	vst v5  }
0x12c: {  	v5 =	vld [tilespmem:s7+$0xFFFFFFF0];
	_ =	sdelay $0x4  }
0x12d: {  	[tilespmem:s22+$0xFFFFFFF0] =	vst v5  }
0x12e: {  	v5 =	vld [tilespmem:s4+$0x0];
	_ =	sdelay $0x4  }
0x12f: {  	[tilespmem:s6+$0x0] =	vst v5  }
0x130: {  	v5 =	vld [tilespmem:s7+$0x0];
	_ =	sdelay $0x4  }
0x131: {  	[tilespmem:s22+$0x0] =	vst v5  }
0x132: {  	v5 =	vld [tilespmem:s4+$0x10];
	_ =	sdelay $0x4  }
0x133: {  	[tilespmem:s6+$0x10] =	vst v5  }
0x134: {  	v5 =	vld [tilespmem:s7+$0x10];
	_ =	sdelay $0x4  }
0x135: {  	[tilespmem:s22+$0x10] =	vst v5  }
0x136: {  	v5 =	vld [tilespmem:s4+$0x20];
	_ =	sdelay $0x4  }
0x137: {  	[tilespmem:s6+$0x20] =	vst v5  }
0x138: {  	v5 =	vld [tilespmem:s7+$0x20];
	_ =	sdelay $0x4  }
0x139: {  	[tilespmem:s22+$0x20] =	vst v5  }
0x13a: {  	v5 =	vld [tilespmem:s4+$0x30];
	_ =	sdelay $0x4  }
0x13b: {  	[tilespmem:s6+$0x30] =	vst v5  }
0x13c: {  	v5 =	vld [tilespmem:s7+$0x30];
	_ =	sdelay $0x1  }
.Ltmp11:
0x13d: {  	(pc) =	sbr.rel @p1 .LBB2_15-.Ltmp11, $3  }
0x13e: {  	_ =	sdelay $0x1  }
0x13f: {  	s4 =	sadd.s32 $0x80, s4;
	[tilespmem:s22+$0x30] =	vst v5  }
0x140: {  	s12 =	sadd.s32 $0xFFFFFFFF, s12;
	v5 =	vld [tilespmem:s4+$0xFFFFFFC0]  }
.LBB2_16:
0x141: {  	_ =	sdelay $0x1  }
0x142: {  	s6 =	sadd.s32 @p0 $0x80, s6  }
0x143: {  	s20 =	smov.u32 @p0 s6;
	s6 =	sadd.s32 @p0 $0x80, s7  }
0x144: {  	s30 =	smov.u32 @p0 s6;
	[tilespmem:s20+$0xFFFFFFC0] =	vst v5  }
0x145: {  	v5 =	vld [tilespmem:s30+$0xFFFFFFC0];
	_ =	sdelay $0x2  }
0x146: {  	s6 =	sadd.s32 @p0 $0x80, s22  }
0x147: {  	s0 =	smov.u32 @p0 s6  }
0x148: {  	[tilespmem:s0+$0xFFFFFFC0] =	vst v5  }
0x149: {  	v5 =	vld [tilespmem:s4+$0xFFFFFFD0];
	_ =	sdelay $0x4  }
0x14a: {  	[tilespmem:s20+$0xFFFFFFD0] =	vst v5  }
0x14b: {  	v5 =	vld [tilespmem:s30+$0xFFFFFFD0];
	_ =	sdelay $0x4  }
0x14c: {  	[tilespmem:s0+$0xFFFFFFD0] =	vst v5  }
0x14d: {  	v5 =	vld [tilespmem:s4+$0xFFFFFFE0];
	_ =	sdelay $0x4  }
0x14e: {  	[tilespmem:s20+$0xFFFFFFE0] =	vst v5  }
0x14f: {  	v5 =	vld [tilespmem:s30+$0xFFFFFFE0];
	_ =	sdelay $0x4  }
0x150: {  	[tilespmem:s0+$0xFFFFFFE0] =	vst v5  }
0x151: {  	v5 =	vld [tilespmem:s4+$0xFFFFFFF0];
	_ =	sdelay $0x4  }
0x152: {  	[tilespmem:s20+$0xFFFFFFF0] =	vst v5  }
0x153: {  	v5 =	vld [tilespmem:s30+$0xFFFFFFF0];
	_ =	sdelay $0x4  }
0x154: {  	[tilespmem:s0+$0xFFFFFFF0] =	vst v5  }
0x155: {  	v5 =	vld [tilespmem:s4+$0x0];
	_ =	sdelay $0x4  }
0x156: {  	[tilespmem:s20+$0x0] =	vst v5  }
0x157: {  	v5 =	vld [tilespmem:s30+$0x0];
	_ =	sdelay $0x4  }
0x158: {  	[tilespmem:s0+$0x0] =	vst v5  }
0x159: {  	v5 =	vld [tilespmem:s4+$0x10];
	_ =	sdelay $0x4  }
0x15a: {  	[tilespmem:s20+$0x10] =	vst v5  }
0x15b: {  	v5 =	vld [tilespmem:s30+$0x10];
	_ =	sdelay $0x4  }
0x15c: {  	[tilespmem:s0+$0x10] =	vst v5  }
0x15d: {  	v5 =	vld [tilespmem:s4+$0x20];
	_ =	sdelay $0x4  }
0x15e: {  	[tilespmem:s20+$0x20] =	vst v5  }
0x15f: {  	v5 =	vld [tilespmem:s30+$0x20];
	_ =	sdelay $0x4  }
0x160: {  	[tilespmem:s0+$0x20] =	vst v5  }
0x161: {  	v5 =	vld [tilespmem:s4+$0x30];
	_ =	sdelay $0x4  }
0x162: {  	[tilespmem:s20+$0x30] =	vst v5  }
0x163: {  	v5 =	vld [tilespmem:s30+$0x30];
	_ =	sdelay $0x4  }
0x164: {  	[tilespmem:s0+$0x30] =	vst v5  }
.LBB2_17:
.Ltmp12:
0x165: {  	(pc) =	sbr.rel .LBB2_18-.Ltmp12, $2  }
0x166: {  	_ =	sdelay $0x2  }
0x167: {  	s31 =	simm.s32 $0x0;
	p0 =	por $0x0, $0x0  }
.LBB2_37:
0x168: {  	[sflag:s21] =	ssyncadd.s32 $0xFFFFFF80  }
.LBB2_38:
0x169: {  	s31 =	sadd.s32 $0x1, s31  }
0x16a: {  	p1 =	sne.s32 s31, $0x32  }
.Ltmp13:
0x16b: {  	_ = 	snop;
	(pc) =	sbr.rel @!p1 .LBB2_39-.Ltmp13, $3  }
0x16c: {  	_ =	sdelay $0x1  }
0x16d: {  	[bflag:$0x0] =	sbarrier.arrive $0xFFFF  }
0x16e: {  	p0 =	por !p0, !p0;
	s3 =	smov.u32 s30  }
.LBB2_18:
0x16f: {  	p1 =	slt.s32 s3, $0x1  }
.Ltmp14:
0x170: {  	_ = 	snop;
	(pc) =	sbr.rel @p1 .LBB2_22-.Ltmp14, $4  }
0x171: {  	s0 =	simm.s32 $0x1  }
0x172: {  	s0 =	simm.s32 @!p0 $0x0  }
0x173: {  	s4 =	sshll.u32 s0, $0xC  }
0x174: {  	s0 =	sadd.s32 $0x19C00, s4  }
0x175: {  	p2 =	sne.s32 s3, $0x1  }
.Ltmp15:
0x176: {  	_ = 	snop;
	(pc) =	sbr.rel @!p2 .LBB2_21-.Ltmp15, $4  }
0x177: {  	s4 =	sadd.s32 $0x1BC00, s4  }
0x178: {  	[spmem:s2] =	stream.indirect.scatter.add.f32 [tilespmem:s4], [sflag:$0x2], $0x1, s0, s26, $0xb8;
	[tilespmem:$0x1FC00] =	vst v63  }
0x179: {  	_ =	swait.ge [sflag:s21], $0x80  }
0x17a: {  	s6 =	sadd.s32 $0xFFFFFFFF, s3;
	s7 =	smov.u32 s0;
	[sflag:s21] =	ssyncset.done $0x0  }
.LBB2_20:
0x17b: {  	[sflag:s21] =	ssyncadd.s32 $0xFFFFFF80  }
0x17c: {  	s7 =	sadd.s32 $0x80, s7;
	s4 =	sadd.s32 $0x80, s4;
	p2 =	sne.s32 s6, $0x1  }
.Ltmp16:
0x17d: {  	s6 =	sadd.s32 $0xFFFFFFFF, s6;
	(pc) =	sbr.rel @p2 .LBB2_20-.Ltmp16, $4  }
0x17e: {  	_ = 	snop  }
0x17f: {  	[spmem:s2] =	stream.indirect.scatter.add.f32 [tilespmem:s4], [sflag:$0x2], $0x1, s7, s26, $0xb8;
	[tilespmem:$0x1FC00] =	vst v63  }
0x180: {  	_ =	swait.ge [sflag:s21], $0x80  }
0x181: {  	[sflag:s21] =	ssyncset.done $0x0  }
.LBB2_21:
0x182: {  	[sflag:s21] =	ssyncadd.s32 $0xFFFFFF80  }
.LBB2_22:
0x183: {  	s4 =	sadd.s32 s11, s31  }
0x184: {  	s6 =	smul.u32 $0x7D, s4;
	_ =	sdelay $0x1  }
0x185: {  	s7 =	sadd.s32 s10, s6  }
0x186: {  	s7 =	sshll.u32 s7, $0xA  }
0x187: {  	[bflag:$0x0] =	sbarrier.arrive $0xFFFF;
	s12 =	sor.u32 $0x1C01, s5;
	s7 =	sadd.s32 s1, s7  }
0x188: {  	[hbm:s7], [sflag:s12] =	dma.local [spmem:s24], $0x2000  }
0x189: {  	s7 =	simm.s32 $0x0  }
0x18a: {  	v8 =	vld [tilespmem:s7+$0x13A00]  }
0x18b: {  	v9 =	vld [tilespmem:s7+$0x15A00]  }
0x18c: {  	s4 =	smul.u32 $0xFA000, s4  }
0x18d: {  	s13 =	sadd.s32 $0x7D, s6;
	s6 =	sadd.s32 $0xFA, s6  }
0x18e: {  	s4 =	sadd.s32 $0xFA000, s4;
	v6 =	vmov s13;
	v7 =	vmov s6  }
0x18f: {  	v5 =	vmov s4;
	vm0 =	vge.s32 v8, v6;
	vm1 =	vlt.s32 v8, v7  }
0x190: {  	s14 =	simm.s32 $0x0;
	v8 =	vsub.s32 v9, v5;
	vm0 =	vmand vm0, vm1  }
0x191: {  	[tilespmem:s14+$0x17A00] =	vst.msk vm0, v8;
	v8 =	vmpcnt.ones.xlane vm0  }
0x192: {  	v9 =	vld [tilespmem:s7+$0x11A00]  }
0x193: {  	(v2sf) =	vpush v8, $0x0;
	_ =	sdelay $0x3  }
0x194: {  	[tilespmem:s14+$0x18B00] =	vst.msk vm0, v9  }
0x195: {  	v8 =	vld [tilespmem:s7+$0x13A10];
	_ =	sdelay $0x4  }
0x196: {  	vm0 =	vge.s32 v8, v6;
	vm1 =	vlt.s32 v8, v7  }
0x197: {  	v8 =	vld [tilespmem:s7+$0x15A10];
	vm0 =	vmand vm0, vm1  }
0x198: {  	v9 =	vmpcnt.ones.xlane vm0;
	_ =	sdelay $0x1  }
0x199: {  	(v2sf) =	vpush v9, $0x0  }
0x19a: {  	s20 =	spop (v2sf)  }
0x19b: {  	v8 =	vsub.s32 v8, v5;
	s4 =	sadd.s32 $0x0, s20  }
0x19c: {  	[tilespmem:s4+$0x17A00] =	vst.msk vm0, v8  }
0x19d: {  	v8 =	vld [tilespmem:s7+$0x11A10];
	_ =	sdelay $0x4  }
0x19e: {  	[tilespmem:s4+$0x18B00] =	vst.msk vm0, v8  }
0x19f: {  	v8 =	vld [tilespmem:s7+$0x13A20]  }
0x1a0: {  	v9 =	vld [tilespmem:s7+$0x15A20];
	_ =	sdelay $0x3  }
0x1a1: {  	vm0 =	vge.s32 v8, v6;
	vm1 =	vlt.s32 v8, v7;
	s22 =	spop (v2sf)  }
0x1a2: {  	v8 =	vsub.s32 v9, v5;
	s4 =	sadd.s32 s4, s22;
	vm0 =	vmand vm0, vm1  }
0x1a3: {  	[tilespmem:s4+$0x17A00] =	vst.msk vm0, v8;
	v8 =	vmpcnt.ones.xlane vm0  }
0x1a4: {  	v9 =	vld [tilespmem:s7+$0x11A20]  }
0x1a5: {  	(v2sf) =	vpush v8, $0x0;
	_ =	sdelay $0x3  }
0x1a6: {  	[tilespmem:s4+$0x18B00] =	vst.msk vm0, v9  }
0x1a7: {  	v8 =	vld [tilespmem:s7+$0x13A30];
	_ =	sdelay $0x4  }
0x1a8: {  	vm0 =	vge.s32 v8, v6;
	vm1 =	vlt.s32 v8, v7  }
0x1a9: {  	v8 =	vld [tilespmem:s7+$0x15A30];
	vm0 =	vmand vm0, vm1  }
0x1aa: {  	v9 =	vmpcnt.ones.xlane vm0;
	_ =	sdelay $0x1  }
0x1ab: {  	(v2sf) =	vpush v9, $0x0  }
0x1ac: {  	s30 =	spop (v2sf)  }
0x1ad: {  	v8 =	vsub.s32 v8, v5;
	s13 =	sadd.s32 s4, s30  }
0x1ae: {  	[tilespmem:s13+$0x17A00] =	vst.msk vm0, v8  }
0x1af: {  	v8 =	vld [tilespmem:s7+$0x11A30];
	_ =	sdelay $0x4  }
0x1b0: {  	s6 =	simm.s32 $0x80;
	[tilespmem:s13+$0x18B00] =	vst.msk vm0, v8  }
0x1b1: {  	v9 =	vld [tilespmem:s6+$0x13A00];
	_ =	sdelay $0x1  }
0x1b2: {  	v8 =	vld [tilespmem:s6+$0x15A00];
	_ =	sdelay $0x2  }
0x1b3: {  	s4 =	sand.u32 $0x1, s31;
	s7 =	simm.s32 $0x400;
	vm0 =	vge.s32 v9, v6;
	vm1 =	vlt.s32 v9, v7;
	s12 =	spop (v2sf)  }
.LBB2_23:
0x1b4: {  	p2 =	sne.s32 s7, $0x7E00  }
0x1b5: {  	vm0 =	vmand vm0, vm1;
	v8 =	vsub.s32 v8, v5;
	s13 =	sadd.s32 s13, s12;
	s12 =	smov.u32 s7;
	s7 =	sadd.s32 $0x200, s7  }
0x1b6: {  	[tilespmem:s13+$0x17A00] =	vst.msk vm0, v8;
	v8 =	vmpcnt.ones.xlane vm0  }
0x1b7: {  	v9 =	vld [tilespmem:s6+$0x11A00]  }
0x1b8: {  	(v2sf) =	vpush v8, $0x0;
	_ =	sdelay $0x3  }
0x1b9: {  	[tilespmem:s13+$0x18B00] =	vst.msk vm0, v9  }
0x1ba: {  	v8 =	vld [tilespmem:s6+$0x13A10];
	_ =	sdelay $0x4  }
0x1bb: {  	vm0 =	vge.s32 v8, v6;
	vm1 =	vlt.s32 v8, v7  }
0x1bc: {  	vm0 =	vmand vm0, vm1;
	v8 =	vld [tilespmem:s6+$0x15A10]  }
0x1bd: {  	v9 =	vmpcnt.ones.xlane vm0;
	_ =	sdelay $0x1  }
0x1be: {  	(v2sf) =	vpush v9, $0x0  }
0x1bf: {  	s14 =	spop (v2sf)  }
0x1c0: {  	s13 =	sadd.s32 s13, s14;
	v8 =	vsub.s32 v8, v5  }
0x1c1: {  	[tilespmem:s13+$0x17A00] =	vst.msk vm0, v8  }
0x1c2: {  	v8 =	vld [tilespmem:s6+$0x11A10];
	_ =	sdelay $0x4  }
0x1c3: {  	[tilespmem:s13+$0x18B00] =	vst.msk vm0, v8  }
0x1c4: {  	v8 =	vld [tilespmem:s6+$0x13A20]  }
0x1c5: {  	v9 =	vld [tilespmem:s6+$0x15A20];
	_ =	sdelay $0x3  }
0x1c6: {  	vm0 =	vge.s32 v8, v6;
	vm1 =	vlt.s32 v8, v7;
	s14 =	spop (v2sf)  }
0x1c7: {  	s13 =	sadd.s32 s13, s14;
	vm0 =	vmand vm0, vm1;
	v8 =	vsub.s32 v9, v5  }
0x1c8: {  	[tilespmem:s13+$0x17A00] =	vst.msk vm0, v8;
	v8 =	vmpcnt.ones.xlane vm0  }
0x1c9: {  	v9 =	vld [tilespmem:s6+$0x11A20]  }
0x1ca: {  	(v2sf) =	vpush v8, $0x0;
	_ =	sdelay $0x3  }
0x1cb: {  	[tilespmem:s13+$0x18B00] =	vst.msk vm0, v9  }
0x1cc: {  	v8 =	vld [tilespmem:s6+$0x13A30]  }
0x1cd: {  	v9 =	vld [tilespmem:s6+$0x15A30];
	_ =	sdelay $0x3  }
0x1ce: {  	vm0 =	vge.s32 v8, v6;
	vm1 =	vlt.s32 v8, v7  }
0x1cf: {  	vm0 =	vmand vm0, vm1  }
0x1d0: {  	v8 =	vmpcnt.ones.xlane vm0;
	_ =	sdelay $0x1  }
0x1d1: {  	(v2sf) =	vpush v8, $0x0  }
0x1d2: {  	s14 =	spop (v2sf)  }
0x1d3: {  	v8 =	vsub.s32 v9, v5;
	s13 =	sadd.s32 s13, s14  }
0x1d4: {  	[tilespmem:s13+$0x17A00] =	vst.msk vm0, v8  }
0x1d5: {  	v8 =	vld [tilespmem:s6+$0x11A30];
	_ =	sdelay $0x4  }
0x1d6: {  	s6 =	sshra.s32 s12, $0x2;
	[tilespmem:s13+$0x18B00] =	vst.msk vm0, v8  }
0x1d7: {  	v9 =	vld [tilespmem:s6+$0x13A00]  }
.Ltmp17:
0x1d8: {  	v8 =	vld [tilespmem:s6+$0x15A00];
	(pc) =	sbr.rel @p2 .LBB2_23-.Ltmp17, $2  }
0x1d9: {  	_ =	sdelay $0x2  }
0x1da: {  	vm0 =	vge.s32 v9, v6;
	vm1 =	vlt.s32 v9, v7;
	s12 =	spop (v2sf)  }
0x1db: {  	vm0 =	vmand vm0, vm1;
	v8 =	vsub.s32 v8, v5;
	s7 =	sadd.s32 s13, s12  }
0x1dc: {  	[tilespmem:s7+$0x17A00] =	vst.msk vm0, v8;
	v57 =	vmpcnt.ones.xlane vm0  }
0x1dd: {  	v9 =	vld [tilespmem:s6+$0x11A00]  }
0x1de: {  	(v2sf) =	vpush v57, $0x0;
	_ =	sdelay $0x3  }
0x1df: {  	[tilespmem:s7+$0x18B00] =	vst.msk vm0, v9  }
0x1e0: {  	v58 =	vld [tilespmem:s6+$0x13A10];
	_ =	sdelay $0x4  }
0x1e1: {  	vm10 =	vge.s32 v58, v6;
	vm11 =	vlt.s32 v58, v7  }
0x1e2: {  	v59 =	vld [tilespmem:s6+$0x15A10];
	vm0 =	vmand vm10, vm11  }
0x1e3: {  	v60 =	vmpcnt.ones.xlane vm0;
	_ =	sdelay $0x1  }
0x1e4: {  	(v2sf) =	vpush v60, $0x0  }
0x1e5: {  	s22 =	spop (v2sf)  }
0x1e6: {  	v8 =	vsub.s32 v59, v5;
	s7 =	sadd.s32 s7, s22  }
0x1e7: {  	[tilespmem:s7+$0x17A00] =	vst.msk vm0, v8  }
0x1e8: {  	v8 =	vld [tilespmem:s6+$0x11A10];
	_ =	sdelay $0x4  }
0x1e9: {  	[tilespmem:s7+$0x18B00] =	vst.msk vm0, v8  }
0x1ea: {  	v8 =	vld [tilespmem:s6+$0x13A20]  }
0x1eb: {  	v61 =	vld [tilespmem:s6+$0x15A20];
	_ =	sdelay $0x3  }
0x1ec: {  	vm12 =	vge.s32 v8, v6;
	vm13 =	vlt.s32 v8, v7;
	s13 =	spop (v2sf)  }
0x1ed: {  	v62 =	vsub.s32 v61, v5;
	s7 =	sadd.s32 s7, s13;
	vm0 =	vmand vm12, vm13  }
0x1ee: {  	[tilespmem:s7+$0x17A00] =	vst.msk vm0, v62  }
0x1ef: {  	v8 =	vld [tilespmem:s6+$0x11A20];
	_ =	sdelay $0x4  }
0x1f0: {  	[tilespmem:s7+$0x18B00] =	vst.msk vm0, v8  }
0x1f1: {  	v8 =	vld [tilespmem:s6+$0x13A30];
	_ =	sdelay $0x2  }
0x1f2: {  	v63 =	vmpcnt.ones.xlane vm0;
	_ =	sdelay $0x1  }
0x1f3: {  	(v2sf) =	vpush v63, $0x0;
	vm14 =	vge.s32 v8, v6;
	vm15 =	vlt.s32 v8, v7  }
0x1f4: {  	vm0 =	vmand vm14, vm15  }
0x1f5: {  	v6 =	vmpcnt.ones.xlane vm0;
	_ =	sdelay $0x1  }
0x1f6: {  	(v2sf) =	vpush v6, $0x0;
	_ =	sdelay $0x6  }
0x1f7: {  	v6 =	vld [tilespmem:s6+$0x15A30];
	_ =	sdelay $0x3  }
0x1f8: {  	s14 =	spop (v2sf)  }
0x1f9: {  	s7 =	sadd.s32 s7, s14;
	v5 =	vsub.s32 v6, v5  }
0x1fa: {  	[tilespmem:s7+$0x17A00] =	vst.msk vm0, v5  }
0x1fb: {  	v5 =	vld [tilespmem:s6+$0x11A30]  }
0x1fc: {  	s20 =	spop (v2sf)  }
0x1fd: {  	s12 =	sadd.s32 s7, s20  }
0x1fe: {  	s6 =	sadd.s32 $0x7F, s12  }
0x1ff: {  	s22 =	sadd.s32 $0xF, s12;
	s30 =	sshra.s32 s6, $0x7  }
0x200: {  	[tilespmem:s7+$0x18B00] =	vst.msk vm0, v5;
	s6 =	sshra.s32 s22, $0x4;
	s7 =	sshll.u32 s30, $0x4  }
0x201: {  	p2 =	sle.s32 s7, s6  }
.Ltmp18:
0x202: {  	_ = 	snop;
	(pc) =	sbr.rel @p2 .LBB2_27-.Ltmp18, $3  }
0x203: {  	_ =	sdelay $0x1  }
0x204: {  	[tilespmem:s12+$0x17A00] =	vst v3  }
0x205: {  	[tilespmem:s12+$0x18B00] =	vst v4  }
0x206: {  	s7 =	ssub.s32 s7, s6  }
0x207: {  	p2 =	seq.s32 s7, $0x1  }
.Ltmp19:
0x208: {  	s12 =	sshll.u32 s6, $0x6;
	(pc) =	sbr.rel @p2 .LBB2_27-.Ltmp19, $4  }
0x209: {  	s13 =	sshra.s32 s12, $0x2  }
0x20a: {  	s12 =	sadd.s32 $0x17A00, s13  }
0x20b: {  	s6 =	sadd.s32 $0x18B00, s13;
	[tilespmem:s12+$0x0] =	vst v3  }
0x20c: {  	s7 =	sadd.s32 $0xFFFFFFFF, s7;
	s12 =	sadd.s32 $0x10, s12;
	[tilespmem:s6+$0x0] =	vst v4  }
.LBB2_26:
0x20d: {  	[tilespmem:s12+$0x0] =	vst v3;
	s6 =	sadd.s32 $0x10, s6;
	p2 =	seq.s32 s7, $0x1  }
.Ltmp20:
0x20e: {  	s7 =	sadd.s32 $0xFFFFFFFF, s7;
	[tilespmem:s6+$0x0] =	vst v4;
	(pc) =	sbr.rel @!p2 .LBB2_26-.Ltmp20, $2  }
0x20f: {  	_ =	sdelay $0x2  }
0x210: {  	s12 =	sadd.s32 $0x10, s12  }
.LBB2_27:
0x211: {  	p2 =	slt.s32 s30, $0x1  }
.Ltmp21:
0x212: {  	_ = 	snop;
	(pc) =	sbr.rel @p2 .LBB2_34-.Ltmp21, $1  }
0x213: {  	_ =	sdelay $0x3  }
0x214: {  	p3 =	sne.s32 s30, $0x1  }
.Ltmp22:
0x215: {  	_ = 	snop;
	(pc) =	sbr.rel @!p3 .LBB2_29-.Ltmp22, $4  }
0x216: {  	_ = 	snop  }
0x217: {  	s4 =	sshll.u32 s4, $0xC;
	s6 =	simm.s32 $0x17A40  }
0x218: {  	s13 =	sadd.s32 $0xFFFFFFFF, s30;
	p2 =	por $0x0, $0x0;
	s4 =	sxor.u32 $0x1000, s4  }
0x219: {  	v5 =	vld [tilespmem:s6+$0xFFFFFFC0];
	s12 =	sadd.s32 $0x1BC40, s4;
	s7 =	sadd.s32 $0x19C40, s4;
	s4 =	simm.s32 $0x18B40  }
0x21a: {  	_ =	sdelay $0x3  }
0x21b: {  	[tilespmem:s7+$0xFFFFFFC0] =	vst v5  }
0x21c: {  	v5 =	vld [tilespmem:s4+$0xFFFFFFC0];
	_ =	sdelay $0x4  }
0x21d: {  	[tilespmem:s12+$0xFFFFFFC0] =	vst v5  }
0x21e: {  	v5 =	vld [tilespmem:s6+$0xFFFFFFD0];
	_ =	sdelay $0x4  }
0x21f: {  	[tilespmem:s7+$0xFFFFFFD0] =	vst v5  }
0x220: {  	v5 =	vld [tilespmem:s4+$0xFFFFFFD0];
	_ =	sdelay $0x4  }
0x221: {  	[tilespmem:s12+$0xFFFFFFD0] =	vst v5  }
0x222: {  	v5 =	vld [tilespmem:s6+$0xFFFFFFE0];
	_ =	sdelay $0x4  }
0x223: {  	[tilespmem:s7+$0xFFFFFFE0] =	vst v5  }
0x224: {  	v5 =	vld [tilespmem:s4+$0xFFFFFFE0];
	_ =	sdelay $0x4  }
0x225: {  	[tilespmem:s12+$0xFFFFFFE0] =	vst v5  }
0x226: {  	v5 =	vld [tilespmem:s6+$0xFFFFFFF0];
	_ =	sdelay $0x4  }
0x227: {  	[tilespmem:s7+$0xFFFFFFF0] =	vst v5  }
0x228: {  	v5 =	vld [tilespmem:s4+$0xFFFFFFF0];
	_ =	sdelay $0x4  }
0x229: {  	[tilespmem:s12+$0xFFFFFFF0] =	vst v5  }
0x22a: {  	v5 =	vld [tilespmem:s6+$0x0];
	_ =	sdelay $0x4  }
0x22b: {  	[tilespmem:s7+$0x0] =	vst v5  }
0x22c: {  	v5 =	vld [tilespmem:s4+$0x0];
	_ =	sdelay $0x4  }
0x22d: {  	[tilespmem:s12+$0x0] =	vst v5  }
0x22e: {  	v5 =	vld [tilespmem:s6+$0x10];
	_ =	sdelay $0x4  }
0x22f: {  	[tilespmem:s7+$0x10] =	vst v5  }
0x230: {  	v5 =	vld [tilespmem:s4+$0x10];
	_ =	sdelay $0x4  }
0x231: {  	[tilespmem:s12+$0x10] =	vst v5  }
0x232: {  	v5 =	vld [tilespmem:s6+$0x20];
	_ =	sdelay $0x4  }
0x233: {  	[tilespmem:s7+$0x20] =	vst v5  }
0x234: {  	v5 =	vld [tilespmem:s4+$0x20];
	_ =	sdelay $0x4  }
0x235: {  	[tilespmem:s12+$0x20] =	vst v5  }
0x236: {  	v5 =	vld [tilespmem:s6+$0x30];
	_ =	sdelay $0x4  }
0x237: {  	[tilespmem:s7+$0x30] =	vst v5  }
0x238: {  	v5 =	vld [tilespmem:s4+$0x30]  }
0x239: {  	p3 =	sne.s32 s13, $0x1  }
.Ltmp23:
0x23a: {  	_ = 	snop;
	(pc) =	sbr.rel @!p3 .LBB2_31-.Ltmp23, $3  }
0x23b: {  	_ =	sdelay $0x1  }
0x23c: {  	s14 =	sadd.s32 $0xFFFFFFFF, s13;
	p2 =	por $0x1, $0x1;
	s6 =	simm.s32 $0x17AC0;
	[tilespmem:s12+$0x30] =	vst v5  }
0x23d: {  	s22 =	smov.u32 s7;
	s13 =	simm.s32 $0x18B40;
	s20 =	smov.u32 s12;
	v5 =	vld [tilespmem:s6+$0xFFFFFFC0]  }
.LBB2_32:
0x23e: {  	p3 =	sne.s32 s14, $0x1;
	_ =	sdelay $0x2  }
0x23f: {  	s22 =	sadd.s32 $0x80, s22  }
0x240: {  	s13 =	sadd.s32 $0x80, s13;
	[tilespmem:s22+$0xFFFFFFC0] =	vst v5  }
0x241: {  	v5 =	vld [tilespmem:s13+$0xFFFFFFC0];
	_ =	sdelay $0x3  }
0x242: {  	s20 =	sadd.s32 $0x80, s20  }
0x243: {  	[tilespmem:s20+$0xFFFFFFC0] =	vst v5  }
0x244: {  	v5 =	vld [tilespmem:s6+$0xFFFFFFD0];
	_ =	sdelay $0x4  }
0x245: {  	[tilespmem:s22+$0xFFFFFFD0] =	vst v5  }
0x246: {  	v5 =	vld [tilespmem:s13+$0xFFFFFFD0];
	_ =	sdelay $0x4  }
0x247: {  	[tilespmem:s20+$0xFFFFFFD0] =	vst v5  }
0x248: {  	v5 =	vld [tilespmem:s6+$0xFFFFFFE0];
	_ =	sdelay $0x4  }
0x249: {  	[tilespmem:s22+$0xFFFFFFE0] =	vst v5  }
0x24a: {  	v5 =	vld [tilespmem:s13+$0xFFFFFFE0];
	_ =	sdelay $0x4  }
0x24b: {  	[tilespmem:s20+$0xFFFFFFE0] =	vst v5  }
0x24c: {  	v5 =	vld [tilespmem:s6+$0xFFFFFFF0];
	_ =	sdelay $0x4  }
0x24d: {  	[tilespmem:s22+$0xFFFFFFF0] =	vst v5  }
0x24e: {  	v5 =	vld [tilespmem:s13+$0xFFFFFFF0];
	_ =	sdelay $0x4  }
0x24f: {  	[tilespmem:s20+$0xFFFFFFF0] =	vst v5  }
0x250: {  	v5 =	vld [tilespmem:s6+$0x0];
	_ =	sdelay $0x4  }
0x251: {  	[tilespmem:s22+$0x0] =	vst v5  }
0x252: {  	v5 =	vld [tilespmem:s13+$0x0];
	_ =	sdelay $0x4  }
0x253: {  	[tilespmem:s20+$0x0] =	vst v5  }
0x254: {  	v5 =	vld [tilespmem:s6+$0x10];
	_ =	sdelay $0x4  }
0x255: {  	[tilespmem:s22+$0x10] =	vst v5  }
0x256: {  	v5 =	vld [tilespmem:s13+$0x10];
	_ =	sdelay $0x4  }
0x257: {  	[tilespmem:s20+$0x10] =	vst v5  }
0x258: {  	v5 =	vld [tilespmem:s6+$0x20];
	_ =	sdelay $0x4  }
0x259: {  	[tilespmem:s22+$0x20] =	vst v5  }
0x25a: {  	v5 =	vld [tilespmem:s13+$0x20];
	_ =	sdelay $0x4  }
0x25b: {  	[tilespmem:s20+$0x20] =	vst v5  }
0x25c: {  	v5 =	vld [tilespmem:s6+$0x30];
	_ =	sdelay $0x4  }
0x25d: {  	[tilespmem:s22+$0x30] =	vst v5  }
0x25e: {  	v5 =	vld [tilespmem:s13+$0x30];
	_ =	sdelay $0x1  }
.Ltmp24:
0x25f: {  	(pc) =	sbr.rel @p3 .LBB2_32-.Ltmp24, $3  }
0x260: {  	_ =	sdelay $0x1  }
0x261: {  	s6 =	sadd.s32 $0x80, s6;
	[tilespmem:s20+$0x30] =	vst v5  }
0x262: {  	s14 =	sadd.s32 $0xFFFFFFFF, s14;
	v5 =	vld [tilespmem:s6+$0xFFFFFFC0]  }
.LBB2_33:
0x263: {  	_ =	sdelay $0x1  }
0x264: {  	s14 =	sadd.s32 @p2 $0x80, s22  }
0x265: {  	s13 =	sadd.s32 @p2 $0x80, s13;
	s7 =	smov.u32 @p2 s14  }
0x266: {  	s4 =	smov.u32 @p2 s13;
	[tilespmem:s7+$0xFFFFFFC0] =	vst v5  }
0x267: {  	v5 =	vld [tilespmem:s4+$0xFFFFFFC0];
	_ =	sdelay $0x2  }
0x268: {  	s13 =	sadd.s32 @p2 $0x80, s20  }
0x269: {  	s12 =	smov.u32 @p2 s13  }
0x26a: {  	[tilespmem:s12+$0xFFFFFFC0] =	vst v5  }
0x26b: {  	v5 =	vld [tilespmem:s6+$0xFFFFFFD0];
	_ =	sdelay $0x4  }
0x26c: {  	[tilespmem:s7+$0xFFFFFFD0] =	vst v5  }
0x26d: {  	v5 =	vld [tilespmem:s4+$0xFFFFFFD0];
	_ =	sdelay $0x4  }
0x26e: {  	[tilespmem:s12+$0xFFFFFFD0] =	vst v5  }
0x26f: {  	v5 =	vld [tilespmem:s6+$0xFFFFFFE0];
	_ =	sdelay $0x4  }
0x270: {  	[tilespmem:s7+$0xFFFFFFE0] =	vst v5  }
0x271: {  	v5 =	vld [tilespmem:s4+$0xFFFFFFE0];
	_ =	sdelay $0x4  }
0x272: {  	[tilespmem:s12+$0xFFFFFFE0] =	vst v5  }
0x273: {  	v5 =	vld [tilespmem:s6+$0xFFFFFFF0];
	_ =	sdelay $0x4  }
0x274: {  	[tilespmem:s7+$0xFFFFFFF0] =	vst v5  }
0x275: {  	v5 =	vld [tilespmem:s4+$0xFFFFFFF0];
	_ =	sdelay $0x4  }
0x276: {  	[tilespmem:s12+$0xFFFFFFF0] =	vst v5  }
0x277: {  	v5 =	vld [tilespmem:s6+$0x0];
	_ =	sdelay $0x4  }
0x278: {  	[tilespmem:s7+$0x0] =	vst v5  }
0x279: {  	v5 =	vld [tilespmem:s4+$0x0];
	_ =	sdelay $0x4  }
0x27a: {  	[tilespmem:s12+$0x0] =	vst v5  }
0x27b: {  	v5 =	vld [tilespmem:s6+$0x10];
	_ =	sdelay $0x4  }
0x27c: {  	[tilespmem:s7+$0x10] =	vst v5  }
0x27d: {  	v5 =	vld [tilespmem:s4+$0x10];
	_ =	sdelay $0x4  }
0x27e: {  	[tilespmem:s12+$0x10] =	vst v5  }
0x27f: {  	v5 =	vld [tilespmem:s6+$0x20];
	_ =	sdelay $0x4  }
0x280: {  	[tilespmem:s7+$0x20] =	vst v5  }
0x281: {  	v5 =	vld [tilespmem:s4+$0x20];
	_ =	sdelay $0x4  }
0x282: {  	[tilespmem:s12+$0x20] =	vst v5  }
0x283: {  	v5 =	vld [tilespmem:s6+$0x30];
	_ =	sdelay $0x4  }
0x284: {  	[tilespmem:s7+$0x30] =	vst v5  }
0x285: {  	v5 =	vld [tilespmem:s4+$0x30];
	_ =	sdelay $0x4  }
0x286: {  	[tilespmem:s12+$0x30] =	vst v5  }
.LBB2_34:
.Ltmp25:
0x287: {  	_ =	swait.ge [sflag:s25], $0x2000;
	(pc) =	sbr.rel @p1 .LBB2_38-.Ltmp25, $3  }
0x288: {  	[sflag:s25] =	ssyncset.done $0x0  }
0x289: {  	[sflag:s25] =	ssyncadd.s32 $0xFFFFE000  }
0x28a: {  	[bflag:$0x0] =	sbarrier.arrive $0xFFFF;
	_ =	sdelay $0x1  }
0x28b: {  	p1 =	sne.s32 s3, $0x1  }
.Ltmp26:
0x28c: {  	_ = 	snop;
	(pc) =	sbr.rel @!p1 .LBB2_37-.Ltmp26, $4  }
0x28d: {  	_ = 	snop  }
0x28e: {  	[spmem:s2] =	stream.indirect.scatter [tilespmem:s28], [sflag:$0x2], $0x1, s0, s26, $0xb8;
	[tilespmem:$0x1FC00] =	vst v63  }
0x28f: {  	_ =	swait.ge [sflag:s21], $0x80  }
0x290: {  	s3 =	sadd.s32 $0xFFFFFFFF, s3;
	[sflag:s21] =	ssyncset.done $0x0  }
.LBB2_36:
0x291: {  	p1 =	sne.s32 s3, $0x1;
	[sflag:s21] =	ssyncadd.s32 $0xFFFFFF80;
	s0 =	sadd.s32 $0x80, s0  }
.Ltmp27:
0x292: {  	s3 =	sadd.s32 $0xFFFFFFFF, s3;
	(pc) =	sbr.rel @p1 .LBB2_36-.Ltmp27, $4  }
0x293: {  	_ = 	snop  }
0x294: {  	[spmem:s2] =	stream.indirect.scatter [tilespmem:s28], [sflag:$0x2], $0x1, s0, s26, $0xb8;
	[tilespmem:$0x1FC00] =	vst v63  }
0x295: {  	_ =	swait.ge [sflag:s21], $0x80  }
0x296: {  	[sflag:s21] =	ssyncset.done $0x0  }
.Ltmp28:
0x297: {  	_ = 	snop;
	(pc) =	sbr.rel .LBB2_37-.Ltmp28, $1  }
0x298: {  	_ =	sdelay $0x3  }
.LBB2_29:
.Ltmp29:
0x299: {  	(pc) =	sbr.rel .LBB2_33-.Ltmp29, $2  }
0x29a: {  	_ =	sdelay $0x2  }
0x29b: {  	s22 =	smov.u32 s7;
	s13 =	simm.s32 $0x18B40;
	s20 =	smov.u32 s12  }
.LBB2_31:
.Ltmp30:
0x29c: {  	(pc) =	sbr.rel .LBB2_33-.Ltmp30, $2  }
0x29d: {  	_ =	sdelay $0x2  }
0x29e: {  	s22 =	smov.u32 s7;
	s13 =	simm.s32 $0x18B40;
	s20 =	smov.u32 s12  }
.LBB2_12:
.Ltmp31:
0x29f: {  	(pc) =	sbr.rel .LBB2_16-.Ltmp31, $2  }
0x2a0: {  	_ =	sdelay $0x2  }
0x2a1: {  	s6 =	simm.s32 $0x19C40;
	s7 =	simm.s32 $0x18B40;
	s22 =	simm.s32 $0x1BC40  }
.LBB2_14:
.Ltmp32:
0x2a2: {  	(pc) =	sbr.rel .LBB2_16-.Ltmp32, $2  }
0x2a3: {  	_ =	sdelay $0x2  }
0x2a4: {  	s6 =	simm.s32 $0x19C40;
	s7 =	simm.s32 $0x18B40;
	s22 =	simm.s32 $0x1BC40  }
.LBB2_40:
0x2a5: {  	_ =	sfence.sel $0x180000  }
0x2a6: {  	[bflag:$0x0] =	sbarrier.arrive $0xFFFF  }
0x2a7: {  	_ =	strace $0x90000047  }
0x2a8: {  	s0 =	stileid.u32;
	[bflag:$0x2] =	sbarrier.arrive $0xFFFF  }
0x2a9: {  	p0 =	sne.s32 s0, $0x0;
	s0 =	rddreg [dreg:$0x3]  }
0x2aa: {  	s0 =	sadd.s32 @!p0 $0x100000, s0  }
0x2ab: {  	[sflag:s0] =	ssyncadd.tile.s32 @!p0 $0x1;
	_ =	shalt  }
.Lfunc_end2:
_tile_overlayer_lowered:
.L_overlay_start_2:
0x2ac: {  	(tag) =	ssettag $0x2  }
0x2ad: {  	s0 =	rddreg [dreg:$0x0];
	s2 =	stileid.u32  }
0x2ae: {  	s1 =	rddreg [dreg:$0x1];
	p0 =	sne.s32 s2, $0x0  }
0x2af: {  	s3 =	rddreg [dreg:$0x2];
	[bflag:$0x3] =	sbarrier.arrive $0xFFFF;
	s2 =	simm.s32 @!p0 $0x1C02  }
0x2b0: {  	[timem:s3], [sflag:s2] =	dma.local @!p0 [hbm:s0], s1  }
0x2b1: {  	s0 =	simm.s32 @!p0 $0x2  }
0x2b2: {  	_ =	swait.ge @!p0 [sflag:s0], s1  }
0x2b3: {  	s1 =	ssub.s32 @!p0 $0x0, s1;
	[sflag:s0] =	ssyncset.done @!p0 $0x0  }
0x2b4: {  	[sflag:s0] =	ssyncadd.s32 @!p0 s1  }
0x2b5: {  	[bflag:$0x3] =	sbarrier.arrive $0xFFFF  }
0x2b6: {  	_ =	shalt  }

</sc_bundles>
